<compile_context>
chip_gen: v7x
topology: tpu7x:2x2x1
jax: 0.10.2.dev20260603
libtpu: 0.0.44.dev20260713+nightly
codegen_flags: <defaults>
</compile_context>

<pallas_src>
import jax
import jax.numpy as jnp
from jax import lax
from jax.experimental import pallas as pl
from jax.experimental.pallas import tpu as pltpu
from jax.experimental.pallas import tpu_sc as plsc

B = 4096
N = 64
NC, NS = 2, 16
NW = NC * NS
BPW = B // NW
GRP = BPW // 16
NG = 8
RPG = N // NG


def _sc_body(xf_hbm, idx_hbm, maskb_hbm, act_hbm, bsel_hbm, out_hbm, p_hbm,
             idx_v, vals_v, maskb_v, act_v, bsel_v, sat_v, out_v, sems):
    _ZERO = jnp.zeros((16,), jnp.float32)
    _ONE = jnp.ones((16,), jnp.float32)
    _EPS = jnp.full((16,), 1e-20, jnp.float32)
    _THR = jnp.full((16,), 0.8, jnp.float32)
    wid = lax.axis_index("s") * NC + lax.axis_index("c")

    pltpu.sync_copy(idx_hbm.at[wid], idx_v)

    CHUNK = RPG * BPW
    handles = [
        pltpu.async_copy(
            xf_hbm.at[idx_v.at[pl.ds(g * CHUNK, CHUNK)]],
            vals_v.at[pl.ds(g * CHUNK, CHUNK)],
            sems[g],
        )
        for g in range(NG)
    ]

    pltpu.sync_copy(maskb_hbm, maskb_v)
    pltpu.sync_copy(act_hbm, act_v)
    pltpu.sync_copy(bsel_hbm, bsel_v)

    a = act_v[...]
    probs = a / (a + _EPS)

    def body_i(i, accs):
        mrow = maskb_v[i, :]
        out = []
        for g in range(GRP):
            v = vals_v[pl.ds(i * BPW + g * 16, 16)]
            predf = jnp.where(v > _THR, _ONE, _ZERO)
            out.append(accs[g] + jnp.abs(predf - mrow))
        return tuple(out)

    accs = tuple(_ZERO for _ in range(GRP))
    for g in range(NG):
        handles[g].wait()
        accs = lax.fori_loop(g * RPG, (g + 1) * RPG, body_i, accs)

    for g in range(GRP):
        sat_v[pl.ds(g * 16, 16)] = jnp.where(accs[g] == _ZERO, _ONE, _ZERO)

    for t in range(BPW // 2):
        sv = plsc.load_gather(sat_v, [bsel_v[t, :]])
        out_v[t, :] = sv * probs

    pltpu.sync_copy(out_v, out_hbm.at[pl.ds(wid * (BPW // 2), BPW // 2)])

    for r in range(GRP):
        out_v[r, :] = _ZERO
    pltpu.sync_copy(out_v.at[pl.ds(0, GRP)], p_hbm.at[pl.ds(wid * GRP, GRP)])


@jax.jit
def kernel(x, action, mask):
    xf = x.reshape(-1)
    w = jnp.arange(NW, dtype=jnp.int32)[:, None, None]
    i = jnp.arange(N, dtype=jnp.int32)[None, :, None]
    c = jnp.arange(BPW, dtype=jnp.int32)[None, None, :]
    idx = ((w * BPW + c) * (N * N) + i * (N + 1)).reshape(NW, N * BPW)
    maskb = jnp.broadcast_to(
        mask.astype(jnp.float32)[:, None], (N, 16))
    act2 = jnp.concatenate([action, action])
    bsel_all = (jnp.arange(16, dtype=jnp.int32)[None, :] // 8
                + 2 * jnp.arange(BPW // 2, dtype=jnp.int32)[:, None])

    mesh = plsc.VectorSubcoreMesh(
        core_axis_name="c", subcore_axis_name="s",
        num_cores=NC, num_subcores=NS)
    kfn = pl.kernel(
        _sc_body,
        out_type=(
            jax.ShapeDtypeStruct((B // 2, 16), jnp.float32),
            jax.ShapeDtypeStruct((B // 16, 16), jnp.float32),
        ),
        mesh=mesh,
        compiler_params=pltpu.CompilerParams(needs_layout_passes=False),
        scratch_types=[
            pltpu.VMEM((N * BPW,), jnp.int32),
            pltpu.VMEM((N * BPW,), jnp.float32),
            pltpu.VMEM((N, 16), jnp.float32),
            pltpu.VMEM((16,), jnp.float32),
            pltpu.VMEM((BPW // 2, 16), jnp.int32),
            pltpu.VMEM((BPW,), jnp.float32),
            pltpu.VMEM((BPW // 2, 16), jnp.float32),
            [pltpu.SemaphoreType.DMA] * NG,
        ],
    )
    out, pz = kfn(xf, idx, maskb, act2, bsel_all)
    return out.reshape(B, 8), pz.reshape(1, B)

# --- scband reference (transcript-rebuilt; emitter-appended) ---
"""Pipeline reference for scband-micro-program-80109730005221 (READ-ONLY COPY).

The authoritative reference and input builder live on the scoring server;
editing this copy changes nothing except your own understanding.
"""

import jax, jax.numpy as jnp
import numpy as np


def setup_inputs(seed: int = 0) -> dict:
    key = jax.random.key(seed)
    x = jax.random.uniform(key, (4096, 64, 64), dtype=jnp.float32)
    action = jnp.array([1.0, 0.0, 0.0, 0.0, 0.0, 0.0, 0.0, 0.0], dtype=jnp.float32)
    mask = jnp.zeros((64,), dtype=bool)
    return {"x": x, "action": action, "mask": mask}


def reference(x, action, mask):
    # MicroProgram.forward with obj_codes=[0,1], prop_codes=[5],
    # one predicate with p_satisfication=[False] (pred.eval never called).
    obj_codes = [0, 1]
    prop_codes = jnp.array([5])
    data_A = jnp.take(x[:, obj_codes[0], :], prop_codes, axis=1).reshape(-1)
    data_B = jnp.take(x[:, obj_codes[1], :], prop_codes, axis=1).reshape(-1)
    # p_satisfied is False -> func_satisfy all True, p_values zeros
    func_satisfy = jnp.ones(data_A.shape, dtype=bool)
    p_values = jnp.zeros(data_A.shape, dtype=jnp.float32)
    p_space_out = p_values[None, :]
    satisfies = func_satisfy
    # check_exists: diagonal of x compared to mask
    diag = jnp.diagonal(x, axis1=1, axis2=2)  # [B, 64]
    state_exists = diag > 0.8
    exist_res = jnp.all(mask[None, :] == state_exists, axis=1)
    satisfies = satisfies & exist_res
    # action_probs[satisfies] += action; then normalize by (p + 1e-20)
    probs_when_sat = action / (action + 1e-20)
    action_probs = jnp.where(satisfies[:, None], probs_when_sat[None, :], jnp.zeros_like(action)[None, :])
    return (action_probs, p_space_out)

if __name__ == "__main__":
    import jax
    _d = setup_inputs()
    print(jax.jit(kernel)(*tuple(_d.values())))

</pallas_src>

<mosaic_0001>
#map = affine_map<(d0, d1) -> (0)>
#map1 = affine_map<(d0, d1) -> (0, 0)>
module attributes {stable_mosaic.version = 14 : i64} {
  func.func @_sc_body(%arg0: i32, %arg1: i32, %arg2: memref<16777216xf32, #tpu.memory_space<hbm>>, %arg3: memref<32x8192xi32, #tpu.memory_space<hbm>>, %arg4: memref<64x16xf32, #tpu.memory_space<hbm>>, %arg5: memref<16xf32, #tpu.memory_space<hbm>>, %arg6: memref<64x16xi32, #tpu.memory_space<hbm>>, %arg7: memref<2048x16xf32, #tpu.memory_space<hbm>>, %arg8: memref<256x16xf32, #tpu.memory_space<hbm>>, %arg9: memref<8192xi32, #tpu.memory_space<vmem>>, %arg10: memref<8192xf32, #tpu.memory_space<vmem>>, %arg11: memref<64x16xf32, #tpu.memory_space<vmem>>, %arg12: memref<16xf32, #tpu.memory_space<vmem>>, %arg13: memref<64x16xi32, #tpu.memory_space<vmem>>, %arg14: memref<128xf32, #tpu.memory_space<vmem>>, %arg15: memref<64x16xf32, #tpu.memory_space<vmem>>, %arg16: memref<!tpu.dma_semaphore, #tpu.memory_space<semaphore_mem>>, %arg17: memref<!tpu.dma_semaphore, #tpu.memory_space<semaphore_mem>>, %arg18: memref<!tpu.dma_semaphore, #tpu.memory_space<semaphore_mem>>, %arg19: memref<!tpu.dma_semaphore, #tpu.memory_space<semaphore_mem>>, %arg20: memref<!tpu.dma_semaphore, #tpu.memory_space<semaphore_mem>>, %arg21: memref<!tpu.dma_semaphore, #tpu.memory_space<semaphore_mem>>, %arg22: memref<!tpu.dma_semaphore, #tpu.memory_space<semaphore_mem>>, %arg23: memref<!tpu.dma_semaphore, #tpu.memory_space<semaphore_mem>>) attributes {dimension_semantics = [#tpu.dimension_semantics<core_parallel>, #tpu.dimension_semantics<subcore_parallel>], iteration_bounds = array<i64: 2, 16>, scalar_prefetch = 0 : i64, scratch_operands = 15 : i64, tpu.core_type = #tpu.core_type<sc_vector_subcore>, window_params = [{transform_indices = #map}, {transform_indices = #map1}, {transform_indices = #map1}, {transform_indices = #map}, {transform_indices = #map1}, {transform_indices = #map1}, {transform_indices = #map1}]} {
    %broadcast_in_dim3A = arith.constant 0.000000e+00 : f32
    %broadcast_in_dim3A_0 = vector.broadcast %broadcast_in_dim3A : f32 to vector<16xf32>
    %broadcast_in_dim3A_1 = arith.constant 1.000000e+00 : f32
    %broadcast_in_dim3A_2 = vector.broadcast %broadcast_in_dim3A_1 : f32 to vector<16xf32>
    %broadcast_in_dim3A_3 = arith.constant 9.99999968E-21 : f32
    %broadcast_in_dim3A_4 = vector.broadcast %broadcast_in_dim3A_3 : f32 to vector<16xf32>
    %broadcast_in_dim3A_5 = arith.constant 8.000000e-01 : f32
    %broadcast_in_dim3A_6 = vector.broadcast %broadcast_in_dim3A_5 : f32 to vector<16xf32>
    %mul3A = arith.constant 2 : i32
    %mul3A_7 = arith.muli %arg1, %mul3A : i32
    %add3A = arith.addi %mul3A_7, %arg0 : i32
    "tpu.region"() ({
      %run_scoped3A = tpu.sem_alloc : memref<!tpu.dma_semaphore, #tpu.memory_space<semaphore_mem>>
      %dma_start3A_855 = arith.constant 0 : i32
      %dma_start3A_856 = tpu.memref_slice %arg3[%add3A, %dma_start3A_855] : memref<32x8192xi32, #tpu.memory_space<hbm>> -> memref<1x8192xi32, #tpu.memory_space<hbm>>
      %dma_start3A_857 = tpu.memref_squeeze %dma_start3A_856 : memref<1x8192xi32, #tpu.memory_space<hbm>> -> memref<8192xi32, #tpu.memory_space<hbm>>
      %dma_start3A_858 = arith.constant 0 : i32
      %dma_start3A_859 = tpu.memref_slice %arg3[%add3A, %dma_start3A_858] : memref<32x8192xi32, #tpu.memory_space<hbm>> -> memref<1x8192xi32, #tpu.memory_space<hbm>>
      %dma_start3A_860 = tpu.memref_squeeze %dma_start3A_859 : memref<1x8192xi32, #tpu.memory_space<hbm>> -> memref<8192xi32, #tpu.memory_space<hbm>>
      tpu.enqueue_dma source(%dma_start3A_860 : memref<8192xi32, #tpu.memory_space<hbm>>) target(%arg9 : memref<8192xi32, #tpu.memory_space<vmem>>) target_semaphore(%run_scoped3A : memref<!tpu.dma_semaphore, #tpu.memory_space<semaphore_mem>>)
      %dma_wait3A_861 = arith.constant 0 : i32
      %dma_wait3A_862 = tpu.memref_slice %arg3[%add3A, %dma_wait3A_861] : memref<32x8192xi32, #tpu.memory_space<hbm>> -> memref<1x8192xi32, #tpu.memory_space<hbm>>
      %dma_wait3A_863 = tpu.memref_squeeze %dma_wait3A_862 : memref<1x8192xi32, #tpu.memory_space<hbm>> -> memref<8192xi32, #tpu.memory_space<hbm>>
      %dma_wait3A_864 = arith.constant 0 : i32
      %dma_wait3A_865 = tpu.memref_slice %arg3[%add3A, %dma_wait3A_864] : memref<32x8192xi32, #tpu.memory_space<hbm>> -> memref<1x8192xi32, #tpu.memory_space<hbm>>
      %dma_wait3A_866 = tpu.memref_squeeze %dma_wait3A_865 : memref<1x8192xi32, #tpu.memory_space<hbm>> -> memref<8192xi32, #tpu.memory_space<hbm>>
      tpu.wait_dma2 semaphore(%run_scoped3A : memref<!tpu.dma_semaphore, #tpu.memory_space<semaphore_mem>>) src(%dma_wait3A_866 : memref<8192xi32, #tpu.memory_space<hbm>>) dst(%arg9 : memref<8192xi32, #tpu.memory_space<vmem>>)
      tpu.yield
    }) : () -> ()
    %dma_start3A = arith.constant 0 : i32
    %dma_start3A_8 = tpu.memref_slice %arg10[%dma_start3A] : memref<8192xf32, #tpu.memory_space<vmem>> -> memref<1024xf32, #tpu.memory_space<vmem>>
    %dma_start3A_9 = arith.constant 0 : i32
    %dma_start3A_10 = tpu.memref_slice %arg9[%dma_start3A_9] : memref<8192xi32, #tpu.memory_space<vmem>> -> memref<1024xi32, #tpu.memory_space<vmem>>
    %dma_start3A_11 = arith.constant 0 : i32
    %dma_start3A_12 = tpu.memref_slice %arg2[%dma_start3A_11] : memref<16777216xf32, #tpu.memory_space<hbm>> -> memref<16777216xf32, #tpu.memory_space<hbm>>
    tpu.enqueue_indirect_dma source(%dma_start3A_12 : memref<16777216xf32, #tpu.memory_space<hbm>>) target(%dma_start3A_8 : memref<1024xf32, #tpu.memory_space<vmem>>) offsets(%dma_start3A_10 : memref<1024xi32, #tpu.memory_space<vmem>>) semaphore(%arg16 : memref<!tpu.dma_semaphore, #tpu.memory_space<semaphore_mem>>)
    %dma_start3A_13 = arith.constant 1024 : i32
    %dma_start3A_14 = tpu.memref_slice %arg10[%dma_start3A_13] : memref<8192xf32, #tpu.memory_space<vmem>> -> memref<1024xf32, #tpu.memory_space<vmem>>
    %dma_start3A_15 = arith.constant 1024 : i32
    %dma_start3A_16 = tpu.memref_slice %arg9[%dma_start3A_15] : memref<8192xi32, #tpu.memory_space<vmem>> -> memref<1024xi32, #tpu.memory_space<vmem>>
    %dma_start3A_17 = arith.constant 0 : i32
    %dma_start3A_18 = tpu.memref_slice %arg2[%dma_start3A_17] : memref<16777216xf32, #tpu.memory_space<hbm>> -> memref<16777216xf32, #tpu.memory_space<hbm>>
    tpu.enqueue_indirect_dma source(%dma_start3A_18 : memref<16777216xf32, #tpu.memory_space<hbm>>) target(%dma_start3A_14 : memref<1024xf32, #tpu.memory_space<vmem>>) offsets(%dma_start3A_16 : memref<1024xi32, #tpu.memory_space<vmem>>) semaphore(%arg17 : memref<!tpu.dma_semaphore, #tpu.memory_space<semaphore_mem>>)
    %dma_start3A_19 = arith.constant 2048 : i32
    %dma_start3A_20 = tpu.memref_slice %arg10[%dma_start3A_19] : memref<8192xf32, #tpu.memory_space<vmem>> -> memref<1024xf32, #tpu.memory_space<vmem>>
    %dma_start3A_21 = arith.constant 2048 : i32
    %dma_start3A_22 = tpu.memref_slice %arg9[%dma_start3A_21] : memref<8192xi32, #tpu.memory_space<vmem>> -> memref<1024xi32, #tpu.memory_space<vmem>>
    %dma_start3A_23 = arith.constant 0 : i32
    %dma_start3A_24 = tpu.memref_slice %arg2[%dma_start3A_23] : memref<16777216xf32, #tpu.memory_space<hbm>> -> memref<16777216xf32, #tpu.memory_space<hbm>>
    tpu.enqueue_indirect_dma source(%dma_start3A_24 : memref<16777216xf32, #tpu.memory_space<hbm>>) target(%dma_start3A_20 : memref<1024xf32, #tpu.memory_space<vmem>>) offsets(%dma_start3A_22 : memref<1024xi32, #tpu.memory_space<vmem>>) semaphore(%arg18 : memref<!tpu.dma_semaphore, #tpu.memory_space<semaphore_mem>>)
    %dma_start3A_25 = arith.constant 3072 : i32
    %dma_start3A_26 = tpu.memref_slice %arg10[%dma_start3A_25] : memref<8192xf32, #tpu.memory_space<vmem>> -> memref<1024xf32, #tpu.memory_space<vmem>>
    %dma_start3A_27 = arith.constant 3072 : i32
    %dma_start3A_28 = tpu.memref_slice %arg9[%dma_start3A_27] : memref<8192xi32, #tpu.memory_space<vmem>> -> memref<1024xi32, #tpu.memory_space<vmem>>
    %dma_start3A_29 = arith.constant 0 : i32
    %dma_start3A_30 = tpu.memref_slice %arg2[%dma_start3A_29] : memref<16777216xf32, #tpu.memory_space<hbm>> -> memref<16777216xf32, #tpu.memory_space<hbm>>
    tpu.enqueue_indirect_dma source(%dma_start3A_30 : memref<16777216xf32, #tpu.memory_space<hbm>>) target(%dma_start3A_26 : memref<1024xf32, #tpu.memory_space<vmem>>) offsets(%dma_start3A_28 : memref<1024xi32, #tpu.memory_space<vmem>>) semaphore(%arg19 : memref<!tpu.dma_semaphore, #tpu.memory_space<semaphore_mem>>)
    %dma_start3A_31 = arith.constant 4096 : i32
    %dma_start3A_32 = tpu.memref_slice %arg10[%dma_start3A_31] : memref<8192xf32, #tpu.memory_space<vmem>> -> memref<1024xf32, #tpu.memory_space<vmem>>
    %dma_start3A_33 = arith.constant 4096 : i32
    %dma_start3A_34 = tpu.memref_slice %arg9[%dma_start3A_33] : memref<8192xi32, #tpu.memory_space<vmem>> -> memref<1024xi32, #tpu.memory_space<vmem>>
    %dma_start3A_35 = arith.constant 0 : i32
    %dma_start3A_36 = tpu.memref_slice %arg2[%dma_start3A_35] : memref<16777216xf32, #tpu.memory_space<hbm>> -> memref<16777216xf32, #tpu.memory_space<hbm>>
    tpu.enqueue_indirect_dma source(%dma_start3A_36 : memref<16777216xf32, #tpu.memory_space<hbm>>) target(%dma_start3A_32 : memref<1024xf32, #tpu.memory_space<vmem>>) offsets(%dma_start3A_34 : memref<1024xi32, #tpu.memory_space<vmem>>) semaphore(%arg20 : memref<!tpu.dma_semaphore, #tpu.memory_space<semaphore_mem>>)
    %dma_start3A_37 = arith.constant 5120 : i32
    %dma_start3A_38 = tpu.memref_slice %arg10[%dma_start3A_37] : memref<8192xf32, #tpu.memory_space<vmem>> -> memref<1024xf32, #tpu.memory_space<vmem>>
    %dma_start3A_39 = arith.constant 5120 : i32
    %dma_start3A_40 = tpu.memref_slice %arg9[%dma_start3A_39] : memref<8192xi32, #tpu.memory_space<vmem>> -> memref<1024xi32, #tpu.memory_space<vmem>>
    %dma_start3A_41 = arith.constant 0 : i32
    %dma_start3A_42 = tpu.memref_slice %arg2[%dma_start3A_41] : memref<16777216xf32, #tpu.memory_space<hbm>> -> memref<16777216xf32, #tpu.memory_space<hbm>>
    tpu.enqueue_indirect_dma source(%dma_start3A_42 : memref<16777216xf32, #tpu.memory_space<hbm>>) target(%dma_start3A_38 : memref<1024xf32, #tpu.memory_space<vmem>>) offsets(%dma_start3A_40 : memref<1024xi32, #tpu.memory_space<vmem>>) semaphore(%arg21 : memref<!tpu.dma_semaphore, #tpu.memory_space<semaphore_mem>>)
    %dma_start3A_43 = arith.constant 6144 : i32
    %dma_start3A_44 = tpu.memref_slice %arg10[%dma_start3A_43] : memref<8192xf32, #tpu.memory_space<vmem>> -> memref<1024xf32, #tpu.memory_space<vmem>>
    %dma_start3A_45 = arith.constant 6144 : i32
    %dma_start3A_46 = tpu.memref_slice %arg9[%dma_start3A_45] : memref<8192xi32, #tpu.memory_space<vmem>> -> memref<1024xi32, #tpu.memory_space<vmem>>
    %dma_start3A_47 = arith.constant 0 : i32
    %dma_start3A_48 = tpu.memref_slice %arg2[%dma_start3A_47] : memref<16777216xf32, #tpu.memory_space<hbm>> -> memref<16777216xf32, #tpu.memory_space<hbm>>
    tpu.enqueue_indirect_dma source(%dma_start3A_48 : memref<16777216xf32, #tpu.memory_space<hbm>>) target(%dma_start3A_44 : memref<1024xf32, #tpu.memory_space<vmem>>) offsets(%dma_start3A_46 : memref<1024xi32, #tpu.memory_space<vmem>>) semaphore(%arg22 : memref<!tpu.dma_semaphore, #tpu.memory_space<semaphore_mem>>)
    %dma_start3A_49 = arith.constant 7168 : i32
    %dma_start3A_50 = tpu.memref_slice %arg10[%dma_start3A_49] : memref<8192xf32, #tpu.memory_space<vmem>> -> memref<1024xf32, #tpu.memory_space<vmem>>
    %dma_start3A_51 = arith.constant 7168 : i32
    %dma_start3A_52 = tpu.memref_slice %arg9[%dma_start3A_51] : memref<8192xi32, #tpu.memory_space<vmem>> -> memref<1024xi32, #tpu.memory_space<vmem>>
    %dma_start3A_53 = arith.constant 0 : i32
    %dma_start3A_54 = tpu.memref_slice %arg2[%dma_start3A_53] : memref<16777216xf32, #tpu.memory_space<hbm>> -> memref<16777216xf32, #tpu.memory_space<hbm>>
    tpu.enqueue_indirect_dma source(%dma_start3A_54 : memref<16777216xf32, #tpu.memory_space<hbm>>) target(%dma_start3A_50 : memref<1024xf32, #tpu.memory_space<vmem>>) offsets(%dma_start3A_52 : memref<1024xi32, #tpu.memory_space<vmem>>) semaphore(%arg23 : memref<!tpu.dma_semaphore, #tpu.memory_space<semaphore_mem>>)
    "tpu.region"() ({
      %run_scoped3A = tpu.sem_alloc : memref<!tpu.dma_semaphore, #tpu.memory_space<semaphore_mem>>
      tpu.enqueue_dma source(%arg4 : memref<64x16xf32, #tpu.memory_space<hbm>>) target(%arg11 : memref<64x16xf32, #tpu.memory_space<vmem>>) target_semaphore(%run_scoped3A : memref<!tpu.dma_semaphore, #tpu.memory_space<semaphore_mem>>)
      tpu.wait_dma2 semaphore(%run_scoped3A : memref<!tpu.dma_semaphore, #tpu.memory_space<semaphore_mem>>) src(%arg4 : memref<64x16xf32, #tpu.memory_space<hbm>>) dst(%arg11 : memref<64x16xf32, #tpu.memory_space<vmem>>)
      tpu.yield
    }) : () -> ()
    "tpu.region"() ({
      %run_scoped3A = tpu.sem_alloc : memref<!tpu.dma_semaphore, #tpu.memory_space<semaphore_mem>>
      tpu.enqueue_dma source(%arg5 : memref<16xf32, #tpu.memory_space<hbm>>) target(%arg12 : memref<16xf32, #tpu.memory_space<vmem>>) target_semaphore(%run_scoped3A : memref<!tpu.dma_semaphore, #tpu.memory_space<semaphore_mem>>)
      tpu.wait_dma2 semaphore(%run_scoped3A : memref<!tpu.dma_semaphore, #tpu.memory_space<semaphore_mem>>) src(%arg5 : memref<16xf32, #tpu.memory_space<hbm>>) dst(%arg12 : memref<16xf32, #tpu.memory_space<vmem>>)
      tpu.yield
    }) : () -> ()
    "tpu.region"() ({
      %run_scoped3A = tpu.sem_alloc : memref<!tpu.dma_semaphore, #tpu.memory_space<semaphore_mem>>
      tpu.enqueue_dma source(%arg6 : memref<64x16xi32, #tpu.memory_space<hbm>>) target(%arg13 : memref<64x16xi32, #tpu.memory_space<vmem>>) target_semaphore(%run_scoped3A : memref<!tpu.dma_semaphore, #tpu.memory_space<semaphore_mem>>)
      tpu.wait_dma2 semaphore(%run_scoped3A : memref<!tpu.dma_semaphore, #tpu.memory_space<semaphore_mem>>) src(%arg6 : memref<64x16xi32, #tpu.memory_space<hbm>>) dst(%arg13 : memref<64x16xi32, #tpu.memory_space<vmem>>)
      tpu.yield
    }) : () -> ()
    %get3A = arith.constant 0 : index
    %get3A_55 = tpu.vector_load %arg12[%get3A] {strides = array<i32>} : memref<16xf32, #tpu.memory_space<vmem>>, vector<16xf32>,
    %add3A_56 = arith.addf %get3A_55, %broadcast_in_dim3A_4 : vector<16xf32>
    %div3A = arith.divf %get3A_55, %add3A_56 : vector<16xf32>
    %dma_wait3A = arith.constant 0 : i32
    %dma_wait3A_57 = tpu.memref_slice %arg10[%dma_wait3A] : memref<8192xf32, #tpu.memory_space<vmem>> -> memref<1024xf32, #tpu.memory_space<vmem>>
    %dma_wait3A_58 = arith.constant 0 : i32
    %dma_wait3A_59 = tpu.memref_slice %arg9[%dma_wait3A_58] : memref<8192xi32, #tpu.memory_space<vmem>> -> memref<1024xi32, #tpu.memory_space<vmem>>
    %dma_wait3A_60 = arith.constant 0 : i32
    %dma_wait3A_61 = tpu.memref_slice %arg2[%dma_wait3A_60] : memref<16777216xf32, #tpu.memory_space<hbm>> -> memref<16777216xf32, #tpu.memory_space<hbm>>
    tpu.wait_indirect_dma semaphore(%arg16 : memref<!tpu.dma_semaphore, #tpu.memory_space<semaphore_mem>>) src(%dma_wait3A_61 : memref<16777216xf32, #tpu.memory_space<hbm>>) dst(%dma_wait3A_57 : memref<1024xf32, #tpu.memory_space<vmem>>)
    %scan3A = arith.constant 0 : i32
    %scan3A_62 = arith.constant 8 : i32
    %scan3A_63 = arith.addi %scan3A, %scan3A_62 : i32
    %scan3A_64 = arith.constant 1 : i32
    %scan3A_65:8 = scf.for %scan3A_855 = %scan3A to %scan3A_63 step %scan3A_64 iter_args(%scan3A_856 = %broadcast_in_dim3A_0, %scan3A_857 = %broadcast_in_dim3A_0, %scan3A_858 = %broadcast_in_dim3A_0, %scan3A_859 = %broadcast_in_dim3A_0, %scan3A_860 = %broadcast_in_dim3A_0, %scan3A_861 = %broadcast_in_dim3A_0, %scan3A_862 = %broadcast_in_dim3A_0, %scan3A_863 = %broadcast_in_dim3A_0) -> (vector<16xf32>, vector<16xf32>, vector<16xf32>, vector<16xf32>, vector<16xf32>, vector<16xf32>, vector<16xf32>, vector<16xf32>)  : i32 {
      %get3A_864 = arith.index_cast %scan3A_855 : i32 to index
      %get3A_865 = arith.constant 0 : index
      %get3A_866 = tpu.vector_load %arg11[%get3A_864, %get3A_865] {strides = array<i32>} : memref<64x16xf32, #tpu.memory_space<vmem>>, vector<16xf32>,
      %mul3A_867 = arith.constant 128 : i32
      %mul3A_868 = arith.muli %scan3A_855, %mul3A_867 : i32
      %add3A_869 = arith.constant 0 : i32
      %add3A_870 = arith.addi %mul3A_868, %add3A_869 : i32
      %get3A_871 = arith.index_cast %add3A_870 : i32 to index
      %get3A_872 = tpu.vector_load %arg10[%get3A_871] {strides = array<i32>} : memref<8192xf32, #tpu.memory_space<vmem>>, vector<16xf32>,
      %gt3A = arith.cmpf ogt, %get3A_872, %broadcast_in_dim3A_6 : vector<16xf32>
      %select_n3A_873 = arith.select %gt3A, %broadcast_in_dim3A_2, %broadcast_in_dim3A_0 : vector<16xi1>, vector<16xf32>
      %sub3A = arith.subf %select_n3A_873, %get3A_866 : vector<16xf32>
      %abs3A = math.absf %sub3A : vector<16xf32>
      %add3A_874 = arith.addf %scan3A_856, %abs3A : vector<16xf32>
      %mul3A_875 = arith.constant 128 : i32
      %mul3A_876 = arith.muli %scan3A_855, %mul3A_875 : i32
      %add3A_877 = arith.constant 16 : i32
      %add3A_878 = arith.addi %mul3A_876, %add3A_877 : i32
      %get3A_879 = arith.index_cast %add3A_878 : i32 to index
      %get3A_880 = tpu.vector_load %arg10[%get3A_879] {strides = array<i32>} : memref<8192xf32, #tpu.memory_space<vmem>>, vector<16xf32>,
      %gt3A_881 = arith.cmpf ogt, %get3A_880, %broadcast_in_dim3A_6 : vector<16xf32>
      %select_n3A_882 = arith.select %gt3A_881, %broadcast_in_dim3A_2, %broadcast_in_dim3A_0 : vector<16xi1>, vector<16xf32>
      %sub3A_883 = arith.subf %select_n3A_882, %get3A_866 : vector<16xf32>
      %abs3A_884 = math.absf %sub3A_883 : vector<16xf32>
      %add3A_885 = arith.addf %scan3A_857, %abs3A_884 : vector<16xf32>
      %mul3A_886 = arith.constant 128 : i32
      %mul3A_887 = arith.muli %scan3A_855, %mul3A_886 : i32
      %add3A_888 = arith.constant 32 : i32
      %add3A_889 = arith.addi %mul3A_887, %add3A_888 : i32
      %get3A_890 = arith.index_cast %add3A_889 : i32 to index
      %get3A_891 = tpu.vector_load %arg10[%get3A_890] {strides = array<i32>} : memref<8192xf32, #tpu.memory_space<vmem>>, vector<16xf32>,
      %gt3A_892 = arith.cmpf ogt, %get3A_891, %broadcast_in_dim3A_6 : vector<16xf32>
      %select_n3A_893 = arith.select %gt3A_892, %broadcast_in_dim3A_2, %broadcast_in_dim3A_0 : vector<16xi1>, vector<16xf32>
      %sub3A_894 = arith.subf %select_n3A_893, %get3A_866 : vector<16xf32>
      %abs3A_895 = math.absf %sub3A_894 : vector<16xf32>
      %add3A_896 = arith.addf %scan3A_858, %abs3A_895 : vector<16xf32>
      %mul3A_897 = arith.constant 128 : i32
      %mul3A_898 = arith.muli %scan3A_855, %mul3A_897 : i32
      %add3A_899 = arith.constant 48 : i32
      %add3A_900 = arith.addi %mul3A_898, %add3A_899 : i32
      %get3A_901 = arith.index_cast %add3A_900 : i32 to index
      %get3A_902 = tpu.vector_load %arg10[%get3A_901] {strides = array<i32>} : memref<8192xf32, #tpu.memory_space<vmem>>, vector<16xf32>,
      %gt3A_903 = arith.cmpf ogt, %get3A_902, %broadcast_in_dim3A_6 : vector<16xf32>
      %select_n3A_904 = arith.select %gt3A_903, %broadcast_in_dim3A_2, %broadcast_in_dim3A_0 : vector<16xi1>, vector<16xf32>
      %sub3A_905 = arith.subf %select_n3A_904, %get3A_866 : vector<16xf32>
      %abs3A_906 = math.absf %sub3A_905 : vector<16xf32>
      %add3A_907 = arith.addf %scan3A_859, %abs3A_906 : vector<16xf32>
      %mul3A_908 = arith.constant 128 : i32
      %mul3A_909 = arith.muli %scan3A_855, %mul3A_908 : i32
      %add3A_910 = arith.constant 64 : i32
      %add3A_911 = arith.addi %mul3A_909, %add3A_910 : i32
      %get3A_912 = arith.index_cast %add3A_911 : i32 to index
      %get3A_913 = tpu.vector_load %arg10[%get3A_912] {strides = array<i32>} : memref<8192xf32, #tpu.memory_space<vmem>>, vector<16xf32>,
      %gt3A_914 = arith.cmpf ogt, %get3A_913, %broadcast_in_dim3A_6 : vector<16xf32>
      %select_n3A_915 = arith.select %gt3A_914, %broadcast_in_dim3A_2, %broadcast_in_dim3A_0 : vector<16xi1>, vector<16xf32>
      %sub3A_916 = arith.subf %select_n3A_915, %get3A_866 : vector<16xf32>
      %abs3A_917 = math.absf %sub3A_916 : vector<16xf32>
      %add3A_918 = arith.addf %scan3A_860, %abs3A_917 : vector<16xf32>
      %mul3A_919 = arith.constant 128 : i32
      %mul3A_920 = arith.muli %scan3A_855, %mul3A_919 : i32
      %add3A_921 = arith.constant 80 : i32
      %add3A_922 = arith.addi %mul3A_920, %add3A_921 : i32
      %get3A_923 = arith.index_cast %add3A_922 : i32 to index
      %get3A_924 = tpu.vector_load %arg10[%get3A_923] {strides = array<i32>} : memref<8192xf32, #tpu.memory_space<vmem>>, vector<16xf32>,
      %gt3A_925 = arith.cmpf ogt, %get3A_924, %broadcast_in_dim3A_6 : vector<16xf32>
      %select_n3A_926 = arith.select %gt3A_925, %broadcast_in_dim3A_2, %broadcast_in_dim3A_0 : vector<16xi1>, vector<16xf32>
      %sub3A_927 = arith.subf %select_n3A_926, %get3A_866 : vector<16xf32>
      %abs3A_928 = math.absf %sub3A_927 : vector<16xf32>
      %add3A_929 = arith.addf %scan3A_861, %abs3A_928 : vector<16xf32>
      %mul3A_930 = arith.constant 128 : i32
      %mul3A_931 = arith.muli %scan3A_855, %mul3A_930 : i32
      %add3A_932 = arith.constant 96 : i32
      %add3A_933 = arith.addi %mul3A_931, %add3A_932 : i32
      %get3A_934 = arith.index_cast %add3A_933 : i32 to index
      %get3A_935 = tpu.vector_load %arg10[%get3A_934] {strides = array<i32>} : memref<8192xf32, #tpu.memory_space<vmem>>, vector<16xf32>,
      %gt3A_936 = arith.cmpf ogt, %get3A_935, %broadcast_in_dim3A_6 : vector<16xf32>
      %select_n3A_937 = arith.select %gt3A_936, %broadcast_in_dim3A_2, %broadcast_in_dim3A_0 : vector<16xi1>, vector<16xf32>
      %sub3A_938 = arith.subf %select_n3A_937, %get3A_866 : vector<16xf32>
      %abs3A_939 = math.absf %sub3A_938 : vector<16xf32>
      %add3A_940 = arith.addf %scan3A_862, %abs3A_939 : vector<16xf32>
      %mul3A_941 = arith.constant 128 : i32
      %mul3A_942 = arith.muli %scan3A_855, %mul3A_941 : i32
      %add3A_943 = arith.constant 112 : i32
      %add3A_944 = arith.addi %mul3A_942, %add3A_943 : i32
      %get3A_945 = arith.index_cast %add3A_944 : i32 to index
      %get3A_946 = tpu.vector_load %arg10[%get3A_945] {strides = array<i32>} : memref<8192xf32, #tpu.memory_space<vmem>>, vector<16xf32>,
      %gt3A_947 = arith.cmpf ogt, %get3A_946, %broadcast_in_dim3A_6 : vector<16xf32>
      %select_n3A_948 = arith.select %gt3A_947, %broadcast_in_dim3A_2, %broadcast_in_dim3A_0 : vector<16xi1>, vector<16xf32>
      %sub3A_949 = arith.subf %select_n3A_948, %get3A_866 : vector<16xf32>
      %abs3A_950 = math.absf %sub3A_949 : vector<16xf32>
      %add3A_951 = arith.addf %scan3A_863, %abs3A_950 : vector<16xf32>
      scf.yield %add3A_874, %add3A_885, %add3A_896, %add3A_907, %add3A_918, %add3A_929, %add3A_940, %add3A_951 : vector<16xf32>, vector<16xf32>, vector<16xf32>, vector<16xf32>, vector<16xf32>, vector<16xf32>, vector<16xf32>, vector<16xf32>
    }
    %scan3A_66 = arith.constant 8 : i32
    %dma_wait3A_67 = arith.constant 1024 : i32
    %dma_wait3A_68 = tpu.memref_slice %arg10[%dma_wait3A_67] : memref<8192xf32, #tpu.memory_space<vmem>> -> memref<1024xf32, #tpu.memory_space<vmem>>
    %dma_wait3A_69 = arith.constant 1024 : i32
    %dma_wait3A_70 = tpu.memref_slice %arg9[%dma_wait3A_69] : memref<8192xi32, #tpu.memory_space<vmem>> -> memref<1024xi32, #tpu.memory_space<vmem>>
    %dma_wait3A_71 = arith.constant 0 : i32
    %dma_wait3A_72 = tpu.memref_slice %arg2[%dma_wait3A_71] : memref<16777216xf32, #tpu.memory_space<hbm>> -> memref<16777216xf32, #tpu.memory_space<hbm>>
    tpu.wait_indirect_dma semaphore(%arg17 : memref<!tpu.dma_semaphore, #tpu.memory_space<semaphore_mem>>) src(%dma_wait3A_72 : memref<16777216xf32, #tpu.memory_space<hbm>>) dst(%dma_wait3A_68 : memref<1024xf32, #tpu.memory_space<vmem>>)
    %scan3A_73 = arith.constant 8 : i32
    %scan3A_74 = arith.constant 8 : i32
    %scan3A_75 = arith.addi %scan3A_73, %scan3A_74 : i32
    %scan3A_76 = arith.constant 1 : i32
    %scan3A_77:8 = scf.for %scan3A_855 = %scan3A_73 to %scan3A_75 step %scan3A_76 iter_args(%scan3A_856 = %scan3A_65#0, %scan3A_857 = %scan3A_65#1, %scan3A_858 = %scan3A_65#2, %scan3A_859 = %scan3A_65#3, %scan3A_860 = %scan3A_65#4, %scan3A_861 = %scan3A_65#5, %scan3A_862 = %scan3A_65#6, %scan3A_863 = %scan3A_65#7) -> (vector<16xf32>, vector<16xf32>, vector<16xf32>, vector<16xf32>, vector<16xf32>, vector<16xf32>, vector<16xf32>, vector<16xf32>)  : i32 {
      %get3A_864 = arith.index_cast %scan3A_855 : i32 to index
      %get3A_865 = arith.constant 0 : index
      %get3A_866 = tpu.vector_load %arg11[%get3A_864, %get3A_865] {strides = array<i32>} : memref<64x16xf32, #tpu.memory_space<vmem>>, vector<16xf32>,
      %mul3A_867 = arith.constant 128 : i32
      %mul3A_868 = arith.muli %scan3A_855, %mul3A_867 : i32
      %add3A_869 = arith.constant 0 : i32
      %add3A_870 = arith.addi %mul3A_868, %add3A_869 : i32
      %get3A_871 = arith.index_cast %add3A_870 : i32 to index
      %get3A_872 = tpu.vector_load %arg10[%get3A_871] {strides = array<i32>} : memref<8192xf32, #tpu.memory_space<vmem>>, vector<16xf32>,
      %gt3A = arith.cmpf ogt, %get3A_872, %broadcast_in_dim3A_6 : vector<16xf32>
      %select_n3A_873 = arith.select %gt3A, %broadcast_in_dim3A_2, %broadcast_in_dim3A_0 : vector<16xi1>, vector<16xf32>
      %sub3A = arith.subf %select_n3A_873, %get3A_866 : vector<16xf32>
      %abs3A = math.absf %sub3A : vector<16xf32>
      %add3A_874 = arith.addf %scan3A_856, %abs3A : vector<16xf32>
      %mul3A_875 = arith.constant 128 : i32
      %mul3A_876 = arith.muli %scan3A_855, %mul3A_875 : i32
      %add3A_877 = arith.constant 16 : i32
      %add3A_878 = arith.addi %mul3A_876, %add3A_877 : i32
      %get3A_879 = arith.index_cast %add3A_878 : i32 to index
      %get3A_880 = tpu.vector_load %arg10[%get3A_879] {strides = array<i32>} : memref<8192xf32, #tpu.memory_space<vmem>>, vector<16xf32>,
      %gt3A_881 = arith.cmpf ogt, %get3A_880, %broadcast_in_dim3A_6 : vector<16xf32>
      %select_n3A_882 = arith.select %gt3A_881, %broadcast_in_dim3A_2, %broadcast_in_dim3A_0 : vector<16xi1>, vector<16xf32>
      %sub3A_883 = arith.subf %select_n3A_882, %get3A_866 : vector<16xf32>
      %abs3A_884 = math.absf %sub3A_883 : vector<16xf32>
      %add3A_885 = arith.addf %scan3A_857, %abs3A_884 : vector<16xf32>
      %mul3A_886 = arith.constant 128 : i32
      %mul3A_887 = arith.muli %scan3A_855, %mul3A_886 : i32
      %add3A_888 = arith.constant 32 : i32
      %add3A_889 = arith.addi %mul3A_887, %add3A_888 : i32
      %get3A_890 = arith.index_cast %add3A_889 : i32 to index
      %get3A_891 = tpu.vector_load %arg10[%get3A_890] {strides = array<i32>} : memref<8192xf32, #tpu.memory_space<vmem>>, vector<16xf32>,
      %gt3A_892 = arith.cmpf ogt, %get3A_891, %broadcast_in_dim3A_6 : vector<16xf32>
      %select_n3A_893 = arith.select %gt3A_892, %broadcast_in_dim3A_2, %broadcast_in_dim3A_0 : vector<16xi1>, vector<16xf32>
      %sub3A_894 = arith.subf %select_n3A_893, %get3A_866 : vector<16xf32>
      %abs3A_895 = math.absf %sub3A_894 : vector<16xf32>
      %add3A_896 = arith.addf %scan3A_858, %abs3A_895 : vector<16xf32>
      %mul3A_897 = arith.constant 128 : i32
      %mul3A_898 = arith.muli %scan3A_855, %mul3A_897 : i32
      %add3A_899 = arith.constant 48 : i32
      %add3A_900 = arith.addi %mul3A_898, %add3A_899 : i32
      %get3A_901 = arith.index_cast %add3A_900 : i32 to index
      %get3A_902 = tpu.vector_load %arg10[%get3A_901] {strides = array<i32>} : memref<8192xf32, #tpu.memory_space<vmem>>, vector<16xf32>,
      %gt3A_903 = arith.cmpf ogt, %get3A_902, %broadcast_in_dim3A_6 : vector<16xf32>
      %select_n3A_904 = arith.select %gt3A_903, %broadcast_in_dim3A_2, %broadcast_in_dim3A_0 : vector<16xi1>, vector<16xf32>
      %sub3A_905 = arith.subf %select_n3A_904, %get3A_866 : vector<16xf32>
      %abs3A_906 = math.absf %sub3A_905 : vector<16xf32>
      %add3A_907 = arith.addf %scan3A_859, %abs3A_906 : vector<16xf32>
      %mul3A_908 = arith.constant 128 : i32
      %mul3A_909 = arith.muli %scan3A_855, %mul3A_908 : i32
      %add3A_910 = arith.constant 64 : i32
      %add3A_911 = arith.addi %mul3A_909, %add3A_910 : i32
      %get3A_912 = arith.index_cast %add3A_911 : i32 to index
      %get3A_913 = tpu.vector_load %arg10[%get3A_912] {strides = array<i32>} : memref<8192xf32, #tpu.memory_space<vmem>>, vector<16xf32>,
      %gt3A_914 = arith.cmpf ogt, %get3A_913, %broadcast_in_dim3A_6 : vector<16xf32>
      %select_n3A_915 = arith.select %gt3A_914, %broadcast_in_dim3A_2, %broadcast_in_dim3A_0 : vector<16xi1>, vector<16xf32>
      %sub3A_916 = arith.subf %select_n3A_915, %get3A_866 : vector<16xf32>
      %abs3A_917 = math.absf %sub3A_916 : vector<16xf32>
      %add3A_918 = arith.addf %scan3A_860, %abs3A_917 : vector<16xf32>
      %mul3A_919 = arith.constant 128 : i32
      %mul3A_920 = arith.muli %scan3A_855, %mul3A_919 : i32
      %add3A_921 = arith.constant 80 : i32
      %add3A_922 = arith.addi %mul3A_920, %add3A_921 : i32
      %get3A_923 = arith.index_cast %add3A_922 : i32 to index
      %get3A_924 = tpu.vector_load %arg10[%get3A_923] {strides = array<i32>} : memref<8192xf32, #tpu.memory_space<vmem>>, vector<16xf32>,
      %gt3A_925 = arith.cmpf ogt, %get3A_924, %broadcast_in_dim3A_6 : vector<16xf32>
      %select_n3A_926 = arith.select %gt3A_925, %broadcast_in_dim3A_2, %broadcast_in_dim3A_0 : vector<16xi1>, vector<16xf32>
      %sub3A_927 = arith.subf %select_n3A_926, %get3A_866 : vector<16xf32>
      %abs3A_928 = math.absf %sub3A_927 : vector<16xf32>
      %add3A_929 = arith.addf %scan3A_861, %abs3A_928 : vector<16xf32>
      %mul3A_930 = arith.constant 128 : i32
      %mul3A_931 = arith.muli %scan3A_855, %mul3A_930 : i32
      %add3A_932 = arith.constant 96 : i32
      %add3A_933 = arith.addi %mul3A_931, %add3A_932 : i32
      %get3A_934 = arith.index_cast %add3A_933 : i32 to index
      %get3A_935 = tpu.vector_load %arg10[%get3A_934] {strides = array<i32>} : memref<8192xf32, #tpu.memory_space<vmem>>, vector<16xf32>,
      %gt3A_936 = arith.cmpf ogt, %get3A_935, %broadcast_in_dim3A_6 : vector<16xf32>
      %select_n3A_937 = arith.select %gt3A_936, %broadcast_in_dim3A_2, %broadcast_in_dim3A_0 : vector<16xi1>, vector<16xf32>
      %sub3A_938 = arith.subf %select_n3A_937, %get3A_866 : vector<16xf32>
      %abs3A_939 = math.absf %sub3A_938 : vector<16xf32>
      %add3A_940 = arith.addf %scan3A_862, %abs3A_939 : vector<16xf32>
      %mul3A_941 = arith.constant 128 : i32
      %mul3A_942 = arith.muli %scan3A_855, %mul3A_941 : i32
      %add3A_943 = arith.constant 112 : i32
      %add3A_944 = arith.addi %mul3A_942, %add3A_943 : i32
      %get3A_945 = arith.index_cast %add3A_944 : i32 to index
      %get3A_946 = tpu.vector_load %arg10[%get3A_945] {strides = array<i32>} : memref<8192xf32, #tpu.memory_space<vmem>>, vector<16xf32>,
      %gt3A_947 = arith.cmpf ogt, %get3A_946, %broadcast_in_dim3A_6 : vector<16xf32>
      %select_n3A_948 = arith.select %gt3A_947, %broadcast_in_dim3A_2, %broadcast_in_dim3A_0 : vector<16xi1>, vector<16xf32>
      %sub3A_949 = arith.subf %select_n3A_948, %get3A_866 : vector<16xf32>
      %abs3A_950 = math.absf %sub3A_949 : vector<16xf32>
      %add3A_951 = arith.addf %scan3A_863, %abs3A_950 : vector<16xf32>
      scf.yield %add3A_874, %add3A_885, %add3A_896, %add3A_907, %add3A_918, %add3A_929, %add3A_940, %add3A_951 : vector<16xf32>, vector<16xf32>, vector<16xf32>, vector<16xf32>, vector<16xf32>, vector<16xf32>, vector<16xf32>, vector<16xf32>
    }
    %scan3A_78 = arith.constant 8 : i32
    %dma_wait3A_79 = arith.constant 2048 : i32
    %dma_wait3A_80 = tpu.memref_slice %arg10[%dma_wait3A_79] : memref<8192xf32, #tpu.memory_space<vmem>> -> memref<1024xf32, #tpu.memory_space<vmem>>
    %dma_wait3A_81 = arith.constant 2048 : i32
    %dma_wait3A_82 = tpu.memref_slice %arg9[%dma_wait3A_81] : memref<8192xi32, #tpu.memory_space<vmem>> -> memref<1024xi32, #tpu.memory_space<vmem>>
    %dma_wait3A_83 = arith.constant 0 : i32
    %dma_wait3A_84 = tpu.memref_slice %arg2[%dma_wait3A_83] : memref<16777216xf32, #tpu.memory_space<hbm>> -> memref<16777216xf32, #tpu.memory_space<hbm>>
    tpu.wait_indirect_dma semaphore(%arg18 : memref<!tpu.dma_semaphore, #tpu.memory_space<semaphore_mem>>) src(%dma_wait3A_84 : memref<16777216xf32, #tpu.memory_space<hbm>>) dst(%dma_wait3A_80 : memref<1024xf32, #tpu.memory_space<vmem>>)
    %scan3A_85 = arith.constant 16 : i32
    %scan3A_86 = arith.constant 8 : i32
    %scan3A_87 = arith.addi %scan3A_85, %scan3A_86 : i32
    %scan3A_88 = arith.constant 1 : i32
    %scan3A_89:8 = scf.for %scan3A_855 = %scan3A_85 to %scan3A_87 step %scan3A_88 iter_args(%scan3A_856 = %scan3A_77#0, %scan3A_857 = %scan3A_77#1, %scan3A_858 = %scan3A_77#2, %scan3A_859 = %scan3A_77#3, %scan3A_860 = %scan3A_77#4, %scan3A_861 = %scan3A_77#5, %scan3A_862 = %scan3A_77#6, %scan3A_863 = %scan3A_77#7) -> (vector<16xf32>, vector<16xf32>, vector<16xf32>, vector<16xf32>, vector<16xf32>, vector<16xf32>, vector<16xf32>, vector<16xf32>)  : i32 {
      %get3A_864 = arith.index_cast %scan3A_855 : i32 to index
      %get3A_865 = arith.constant 0 : index
      %get3A_866 = tpu.vector_load %arg11[%get3A_864, %get3A_865] {strides = array<i32>} : memref<64x16xf32, #tpu.memory_space<vmem>>, vector<16xf32>,
      %mul3A_867 = arith.constant 128 : i32
      %mul3A_868 = arith.muli %scan3A_855, %mul3A_867 : i32
      %add3A_869 = arith.constant 0 : i32
      %add3A_870 = arith.addi %mul3A_868, %add3A_869 : i32
      %get3A_871 = arith.index_cast %add3A_870 : i32 to index
      %get3A_872 = tpu.vector_load %arg10[%get3A_871] {strides = array<i32>} : memref<8192xf32, #tpu.memory_space<vmem>>, vector<16xf32>,
      %gt3A = arith.cmpf ogt, %get3A_872, %broadcast_in_dim3A_6 : vector<16xf32>
      %select_n3A_873 = arith.select %gt3A, %broadcast_in_dim3A_2, %broadcast_in_dim3A_0 : vector<16xi1>, vector<16xf32>
      %sub3A = arith.subf %select_n3A_873, %get3A_866 : vector<16xf32>
      %abs3A = math.absf %sub3A : vector<16xf32>
      %add3A_874 = arith.addf %scan3A_856, %abs3A : vector<16xf32>
      %mul3A_875 = arith.constant 128 : i32
      %mul3A_876 = arith.muli %scan3A_855, %mul3A_875 : i32
      %add3A_877 = arith.constant 16 : i32
      %add3A_878 = arith.addi %mul3A_876, %add3A_877 : i32
      %get3A_879 = arith.index_cast %add3A_878 : i32 to index
      %get3A_880 = tpu.vector_load %arg10[%get3A_879] {strides = array<i32>} : memref<8192xf32, #tpu.memory_space<vmem>>, vector<16xf32>,
      %gt3A_881 = arith.cmpf ogt, %get3A_880, %broadcast_in_dim3A_6 : vector<16xf32>
      %select_n3A_882 = arith.select %gt3A_881, %broadcast_in_dim3A_2, %broadcast_in_dim3A_0 : vector<16xi1>, vector<16xf32>
      %sub3A_883 = arith.subf %select_n3A_882, %get3A_866 : vector<16xf32>
      %abs3A_884 = math.absf %sub3A_883 : vector<16xf32>
      %add3A_885 = arith.addf %scan3A_857, %abs3A_884 : vector<16xf32>
      %mul3A_886 = arith.constant 128 : i32
      %mul3A_887 = arith.muli %scan3A_855, %mul3A_886 : i32
      %add3A_888 = arith.constant 32 : i32
      %add3A_889 = arith.addi %mul3A_887, %add3A_888 : i32
      %get3A_890 = arith.index_cast %add3A_889 : i32 to index
      %get3A_891 = tpu.vector_load %arg10[%get3A_890] {strides = array<i32>} : memref<8192xf32, #tpu.memory_space<vmem>>, vector<16xf32>,
      %gt3A_892 = arith.cmpf ogt, %get3A_891, %broadcast_in_dim3A_6 : vector<16xf32>
      %select_n3A_893 = arith.select %gt3A_892, %broadcast_in_dim3A_2, %broadcast_in_dim3A_0 : vector<16xi1>, vector<16xf32>
      %sub3A_894 = arith.subf %select_n3A_893, %get3A_866 : vector<16xf32>
      %abs3A_895 = math.absf %sub3A_894 : vector<16xf32>
      %add3A_896 = arith.addf %scan3A_858, %abs3A_895 : vector<16xf32>
      %mul3A_897 = arith.constant 128 : i32
      %mul3A_898 = arith.muli %scan3A_855, %mul3A_897 : i32
      %add3A_899 = arith.constant 48 : i32
      %add3A_900 = arith.addi %mul3A_898, %add3A_899 : i32
      %get3A_901 = arith.index_cast %add3A_900 : i32 to index
      %get3A_902 = tpu.vector_load %arg10[%get3A_901] {strides = array<i32>} : memref<8192xf32, #tpu.memory_space<vmem>>, vector<16xf32>,
      %gt3A_903 = arith.cmpf ogt, %get3A_902, %broadcast_in_dim3A_6 : vector<16xf32>
      %select_n3A_904 = arith.select %gt3A_903, %broadcast_in_dim3A_2, %broadcast_in_dim3A_0 : vector<16xi1>, vector<16xf32>
      %sub3A_905 = arith.subf %select_n3A_904, %get3A_866 : vector<16xf32>
      %abs3A_906 = math.absf %sub3A_905 : vector<16xf32>
      %add3A_907 = arith.addf %scan3A_859, %abs3A_906 : vector<16xf32>
      %mul3A_908 = arith.constant 128 : i32
      %mul3A_909 = arith.muli %scan3A_855, %mul3A_908 : i32
      %add3A_910 = arith.constant 64 : i32
      %add3A_911 = arith.addi %mul3A_909, %add3A_910 : i32
      %get3A_912 = arith.index_cast %add3A_911 : i32 to index
      %get3A_913 = tpu.vector_load %arg10[%get3A_912] {strides = array<i32>} : memref<8192xf32, #tpu.memory_space<vmem>>, vector<16xf32>,
      %gt3A_914 = arith.cmpf ogt, %get3A_913, %broadcast_in_dim3A_6 : vector<16xf32>
      %select_n3A_915 = arith.select %gt3A_914, %broadcast_in_dim3A_2, %broadcast_in_dim3A_0 : vector<16xi1>, vector<16xf32>
      %sub3A_916 = arith.subf %select_n3A_915, %get3A_866 : vector<16xf32>
      %abs3A_917 = math.absf %sub3A_916 : vector<16xf32>
      %add3A_918 = arith.addf %scan3A_860, %abs3A_917 : vector<16xf32>
      %mul3A_919 = arith.constant 128 : i32
      %mul3A_920 = arith.muli %scan3A_855, %mul3A_919 : i32
      %add3A_921 = arith.constant 80 : i32
      %add3A_922 = arith.addi %mul3A_920, %add3A_921 : i32
      %get3A_923 = arith.index_cast %add3A_922 : i32 to index
      %get3A_924 = tpu.vector_load %arg10[%get3A_923] {strides = array<i32>} : memref<8192xf32, #tpu.memory_space<vmem>>, vector<16xf32>,
      %gt3A_925 = arith.cmpf ogt, %get3A_924, %broadcast_in_dim3A_6 : vector<16xf32>
      %select_n3A_926 = arith.select %gt3A_925, %broadcast_in_dim3A_2, %broadcast_in_dim3A_0 : vector<16xi1>, vector<16xf32>
      %sub3A_927 = arith.subf %select_n3A_926, %get3A_866 : vector<16xf32>
      %abs3A_928 = math.absf %sub3A_927 : vector<16xf32>
      %add3A_929 = arith.addf %scan3A_861, %abs3A_928 : vector<16xf32>
      %mul3A_930 = arith.constant 128 : i32
      %mul3A_931 = arith.muli %scan3A_855, %mul3A_930 : i32
      %add3A_932 = arith.constant 96 : i32
      %add3A_933 = arith.addi %mul3A_931, %add3A_932 : i32
      %get3A_934 = arith.index_cast %add3A_933 : i32 to index
      %get3A_935 = tpu.vector_load %arg10[%get3A_934] {strides = array<i32>} : memref<8192xf32, #tpu.memory_space<vmem>>, vector<16xf32>,
      %gt3A_936 = arith.cmpf ogt, %get3A_935, %broadcast_in_dim3A_6 : vector<16xf32>
      %select_n3A_937 = arith.select %gt3A_936, %broadcast_in_dim3A_2, %broadcast_in_dim3A_0 : vector<16xi1>, vector<16xf32>
      %sub3A_938 = arith.subf %select_n3A_937, %get3A_866 : vector<16xf32>
      %abs3A_939 = math.absf %sub3A_938 : vector<16xf32>
      %add3A_940 = arith.addf %scan3A_862, %abs3A_939 : vector<16xf32>
      %mul3A_941 = arith.constant 128 : i32
      %mul3A_942 = arith.muli %scan3A_855, %mul3A_941 : i32
      %add3A_943 = arith.constant 112 : i32
      %add3A_944 = arith.addi %mul3A_942, %add3A_943 : i32
      %get3A_945 = arith.index_cast %add3A_944 : i32 to index
      %get3A_946 = tpu.vector_load %arg10[%get3A_945] {strides = array<i32>} : memref<8192xf32, #tpu.memory_space<vmem>>, vector<16xf32>,
      %gt3A_947 = arith.cmpf ogt, %get3A_946, %broadcast_in_dim3A_6 : vector<16xf32>
      %select_n3A_948 = arith.select %gt3A_947, %broadcast_in_dim3A_2, %broadcast_in_dim3A_0 : vector<16xi1>, vector<16xf32>
      %sub3A_949 = arith.subf %select_n3A_948, %get3A_866 : vector<16xf32>
      %abs3A_950 = math.absf %sub3A_949 : vector<16xf32>
      %add3A_951 = arith.addf %scan3A_863, %abs3A_950 : vector<16xf32>
      scf.yield %add3A_874, %add3A_885, %add3A_896, %add3A_907, %add3A_918, %add3A_929, %add3A_940, %add3A_951 : vector<16xf32>, vector<16xf32>, vector<16xf32>, vector<16xf32>, vector<16xf32>, vector<16xf32>, vector<16xf32>, vector<16xf32>
    }
    %scan3A_90 = arith.constant 8 : i32
    %dma_wait3A_91 = arith.constant 3072 : i32
    %dma_wait3A_92 = tpu.memref_slice %arg10[%dma_wait3A_91] : memref<8192xf32, #tpu.memory_space<vmem>> -> memref<1024xf32, #tpu.memory_space<vmem>>
    %dma_wait3A_93 = arith.constant 3072 : i32
    %dma_wait3A_94 = tpu.memref_slice %arg9[%dma_wait3A_93] : memref<8192xi32, #tpu.memory_space<vmem>> -> memref<1024xi32, #tpu.memory_space<vmem>>
    %dma_wait3A_95 = arith.constant 0 : i32
    %dma_wait3A_96 = tpu.memref_slice %arg2[%dma_wait3A_95] : memref<16777216xf32, #tpu.memory_space<hbm>> -> memref<16777216xf32, #tpu.memory_space<hbm>>
    tpu.wait_indirect_dma semaphore(%arg19 : memref<!tpu.dma_semaphore, #tpu.memory_space<semaphore_mem>>) src(%dma_wait3A_96 : memref<16777216xf32, #tpu.memory_space<hbm>>) dst(%dma_wait3A_92 : memref<1024xf32, #tpu.memory_space<vmem>>)
    %scan3A_97 = arith.constant 24 : i32
    %scan3A_98 = arith.constant 8 : i32
    %scan3A_99 = arith.addi %scan3A_97, %scan3A_98 : i32
    %scan3A_100 = arith.constant 1 : i32
    %scan3A_101:8 = scf.for %scan3A_855 = %scan3A_97 to %scan3A_99 step %scan3A_100 iter_args(%scan3A_856 = %scan3A_89#0, %scan3A_857 = %scan3A_89#1, %scan3A_858 = %scan3A_89#2, %scan3A_859 = %scan3A_89#3, %scan3A_860 = %scan3A_89#4, %scan3A_861 = %scan3A_89#5, %scan3A_862 = %scan3A_89#6, %scan3A_863 = %scan3A_89#7) -> (vector<16xf32>, vector<16xf32>, vector<16xf32>, vector<16xf32>, vector<16xf32>, vector<16xf32>, vector<16xf32>, vector<16xf32>)  : i32 {
      %get3A_864 = arith.index_cast %scan3A_855 : i32 to index
      %get3A_865 = arith.constant 0 : index
      %get3A_866 = tpu.vector_load %arg11[%get3A_864, %get3A_865] {strides = array<i32>} : memref<64x16xf32, #tpu.memory_space<vmem>>, vector<16xf32>,
      %mul3A_867 = arith.constant 128 : i32
      %mul3A_868 = arith.muli %scan3A_855, %mul3A_867 : i32
      %add3A_869 = arith.constant 0 : i32
      %add3A_870 = arith.addi %mul3A_868, %add3A_869 : i32
      %get3A_871 = arith.index_cast %add3A_870 : i32 to index
      %get3A_872 = tpu.vector_load %arg10[%get3A_871] {strides = array<i32>} : memref<8192xf32, #tpu.memory_space<vmem>>, vector<16xf32>,
      %gt3A = arith.cmpf ogt, %get3A_872, %broadcast_in_dim3A_6 : vector<16xf32>
      %select_n3A_873 = arith.select %gt3A, %broadcast_in_dim3A_2, %broadcast_in_dim3A_0 : vector<16xi1>, vector<16xf32>
      %sub3A = arith.subf %select_n3A_873, %get3A_866 : vector<16xf32>
      %abs3A = math.absf %sub3A : vector<16xf32>
      %add3A_874 = arith.addf %scan3A_856, %abs3A : vector<16xf32>
      %mul3A_875 = arith.constant 128 : i32
      %mul3A_876 = arith.muli %scan3A_855, %mul3A_875 : i32
      %add3A_877 = arith.constant 16 : i32
      %add3A_878 = arith.addi %mul3A_876, %add3A_877 : i32
      %get3A_879 = arith.index_cast %add3A_878 : i32 to index
      %get3A_880 = tpu.vector_load %arg10[%get3A_879] {strides = array<i32>} : memref<8192xf32, #tpu.memory_space<vmem>>, vector<16xf32>,
      %gt3A_881 = arith.cmpf ogt, %get3A_880, %broadcast_in_dim3A_6 : vector<16xf32>
      %select_n3A_882 = arith.select %gt3A_881, %broadcast_in_dim3A_2, %broadcast_in_dim3A_0 : vector<16xi1>, vector<16xf32>
      %sub3A_883 = arith.subf %select_n3A_882, %get3A_866 : vector<16xf32>
      %abs3A_884 = math.absf %sub3A_883 : vector<16xf32>
      %add3A_885 = arith.addf %scan3A_857, %abs3A_884 : vector<16xf32>
      %mul3A_886 = arith.constant 128 : i32
      %mul3A_887 = arith.muli %scan3A_855, %mul3A_886 : i32
      %add3A_888 = arith.constant 32 : i32
      %add3A_889 = arith.addi %mul3A_887, %add3A_888 : i32
      %get3A_890 = arith.index_cast %add3A_889 : i32 to index
      %get3A_891 = tpu.vector_load %arg10[%get3A_890] {strides = array<i32>} : memref<8192xf32, #tpu.memory_space<vmem>>, vector<16xf32>,
      %gt3A_892 = arith.cmpf ogt, %get3A_891, %broadcast_in_dim3A_6 : vector<16xf32>
      %select_n3A_893 = arith.select %gt3A_892, %broadcast_in_dim3A_2, %broadcast_in_dim3A_0 : vector<16xi1>, vector<16xf32>
      %sub3A_894 = arith.subf %select_n3A_893, %get3A_866 : vector<16xf32>
      %abs3A_895 = math.absf %sub3A_894 : vector<16xf32>
      %add3A_896 = arith.addf %scan3A_858, %abs3A_895 : vector<16xf32>
      %mul3A_897 = arith.constant 128 : i32
      %mul3A_898 = arith.muli %scan3A_855, %mul3A_897 : i32
      %add3A_899 = arith.constant 48 : i32
      %add3A_900 = arith.addi %mul3A_898, %add3A_899 : i32
      %get3A_901 = arith.index_cast %add3A_900 : i32 to index
      %get3A_902 = tpu.vector_load %arg10[%get3A_901] {strides = array<i32>} : memref<8192xf32, #tpu.memory_space<vmem>>, vector<16xf32>,
      %gt3A_903 = arith.cmpf ogt, %get3A_902, %broadcast_in_dim3A_6 : vector<16xf32>
      %select_n3A_904 = arith.select %gt3A_903, %broadcast_in_dim3A_2, %broadcast_in_dim3A_0 : vector<16xi1>, vector<16xf32>
      %sub3A_905 = arith.subf %select_n3A_904, %get3A_866 : vector<16xf32>
      %abs3A_906 = math.absf %sub3A_905 : vector<16xf32>
      %add3A_907 = arith.addf %scan3A_859, %abs3A_906 : vector<16xf32>
      %mul3A_908 = arith.constant 128 : i32
      %mul3A_909 = arith.muli %scan3A_855, %mul3A_908 : i32
      %add3A_910 = arith.constant 64 : i32
      %add3A_911 = arith.addi %mul3A_909, %add3A_910 : i32
      %get3A_912 = arith.index_cast %add3A_911 : i32 to index
      %get3A_913 = tpu.vector_load %arg10[%get3A_912] {strides = array<i32>} : memref<8192xf32, #tpu.memory_space<vmem>>, vector<16xf32>,
      %gt3A_914 = arith.cmpf ogt, %get3A_913, %broadcast_in_dim3A_6 : vector<16xf32>
      %select_n3A_915 = arith.select %gt3A_914, %broadcast_in_dim3A_2, %broadcast_in_dim3A_0 : vector<16xi1>, vector<16xf32>
      %sub3A_916 = arith.subf %select_n3A_915, %get3A_866 : vector<16xf32>
      %abs3A_917 = math.absf %sub3A_916 : vector<16xf32>
      %add3A_918 = arith.addf %scan3A_860, %abs3A_917 : vector<16xf32>
      %mul3A_919 = arith.constant 128 : i32
      %mul3A_920 = arith.muli %scan3A_855, %mul3A_919 : i32
      %add3A_921 = arith.constant 80 : i32
      %add3A_922 = arith.addi %mul3A_920, %add3A_921 : i32
      %get3A_923 = arith.index_cast %add3A_922 : i32 to index
      %get3A_924 = tpu.vector_load %arg10[%get3A_923] {strides = array<i32>} : memref<8192xf32, #tpu.memory_space<vmem>>, vector<16xf32>,
      %gt3A_925 = arith.cmpf ogt, %get3A_924, %broadcast_in_dim3A_6 : vector<16xf32>
      %select_n3A_926 = arith.select %gt3A_925, %broadcast_in_dim3A_2, %broadcast_in_dim3A_0 : vector<16xi1>, vector<16xf32>
      %sub3A_927 = arith.subf %select_n3A_926, %get3A_866 : vector<16xf32>
      %abs3A_928 = math.absf %sub3A_927 : vector<16xf32>
      %add3A_929 = arith.addf %scan3A_861, %abs3A_928 : vector<16xf32>
      %mul3A_930 = arith.constant 128 : i32
      %mul3A_931 = arith.muli %scan3A_855, %mul3A_930 : i32
      %add3A_932 = arith.constant 96 : i32
      %add3A_933 = arith.addi %mul3A_931, %add3A_932 : i32
      %get3A_934 = arith.index_cast %add3A_933 : i32 to index
      %get3A_935 = tpu.vector_load %arg10[%get3A_934] {strides = array<i32>} : memref<8192xf32, #tpu.memory_space<vmem>>, vector<16xf32>,
      %gt3A_936 = arith.cmpf ogt, %get3A_935, %broadcast_in_dim3A_6 : vector<16xf32>
      %select_n3A_937 = arith.select %gt3A_936, %broadcast_in_dim3A_2, %broadcast_in_dim3A_0 : vector<16xi1>, vector<16xf32>
      %sub3A_938 = arith.subf %select_n3A_937, %get3A_866 : vector<16xf32>
      %abs3A_939 = math.absf %sub3A_938 : vector<16xf32>
      %add3A_940 = arith.addf %scan3A_862, %abs3A_939 : vector<16xf32>
      %mul3A_941 = arith.constant 128 : i32
      %mul3A_942 = arith.muli %scan3A_855, %mul3A_941 : i32
      %add3A_943 = arith.constant 112 : i32
      %add3A_944 = arith.addi %mul3A_942, %add3A_943 : i32
      %get3A_945 = arith.index_cast %add3A_944 : i32 to index
      %get3A_946 = tpu.vector_load %arg10[%get3A_945] {strides = array<i32>} : memref<8192xf32, #tpu.memory_space<vmem>>, vector<16xf32>,
      %gt3A_947 = arith.cmpf ogt, %get3A_946, %broadcast_in_dim3A_6 : vector<16xf32>
      %select_n3A_948 = arith.select %gt3A_947, %broadcast_in_dim3A_2, %broadcast_in_dim3A_0 : vector<16xi1>, vector<16xf32>
      %sub3A_949 = arith.subf %select_n3A_948, %get3A_866 : vector<16xf32>
      %abs3A_950 = math.absf %sub3A_949 : vector<16xf32>
      %add3A_951 = arith.addf %scan3A_863, %abs3A_950 : vector<16xf32>
      scf.yield %add3A_874, %add3A_885, %add3A_896, %add3A_907, %add3A_918, %add3A_929, %add3A_940, %add3A_951 : vector<16xf32>, vector<16xf32>, vector<16xf32>, vector<16xf32>, vector<16xf32>, vector<16xf32>, vector<16xf32>, vector<16xf32>
    }
    %scan3A_102 = arith.constant 8 : i32
    %dma_wait3A_103 = arith.constant 4096 : i32
    %dma_wait3A_104 = tpu.memref_slice %arg10[%dma_wait3A_103] : memref<8192xf32, #tpu.memory_space<vmem>> -> memref<1024xf32, #tpu.memory_space<vmem>>
    %dma_wait3A_105 = arith.constant 4096 : i32
    %dma_wait3A_106 = tpu.memref_slice %arg9[%dma_wait3A_105] : memref<8192xi32, #tpu.memory_space<vmem>> -> memref<1024xi32, #tpu.memory_space<vmem>>
    %dma_wait3A_107 = arith.constant 0 : i32
    %dma_wait3A_108 = tpu.memref_slice %arg2[%dma_wait3A_107] : memref<16777216xf32, #tpu.memory_space<hbm>> -> memref<16777216xf32, #tpu.memory_space<hbm>>
    tpu.wait_indirect_dma semaphore(%arg20 : memref<!tpu.dma_semaphore, #tpu.memory_space<semaphore_mem>>) src(%dma_wait3A_108 : memref<16777216xf32, #tpu.memory_space<hbm>>) dst(%dma_wait3A_104 : memref<1024xf32, #tpu.memory_space<vmem>>)
    %scan3A_109 = arith.constant 32 : i32
    %scan3A_110 = arith.constant 8 : i32
    %scan3A_111 = arith.addi %scan3A_109, %scan3A_110 : i32
    %scan3A_112 = arith.constant 1 : i32
    %scan3A_113:8 = scf.for %scan3A_855 = %scan3A_109 to %scan3A_111 step %scan3A_112 iter_args(%scan3A_856 = %scan3A_101#0, %scan3A_857 = %scan3A_101#1, %scan3A_858 = %scan3A_101#2, %scan3A_859 = %scan3A_101#3, %scan3A_860 = %scan3A_101#4, %scan3A_861 = %scan3A_101#5, %scan3A_862 = %scan3A_101#6, %scan3A_863 = %scan3A_101#7) -> (vector<16xf32>, vector<16xf32>, vector<16xf32>, vector<16xf32>, vector<16xf32>, vector<16xf32>, vector<16xf32>, vector<16xf32>)  : i32 {
      %get3A_864 = arith.index_cast %scan3A_855 : i32 to index
      %get3A_865 = arith.constant 0 : index
      %get3A_866 = tpu.vector_load %arg11[%get3A_864, %get3A_865] {strides = array<i32>} : memref<64x16xf32, #tpu.memory_space<vmem>>, vector<16xf32>,
      %mul3A_867 = arith.constant 128 : i32
      %mul3A_868 = arith.muli %scan3A_855, %mul3A_867 : i32
      %add3A_869 = arith.constant 0 : i32
      %add3A_870 = arith.addi %mul3A_868, %add3A_869 : i32
      %get3A_871 = arith.index_cast %add3A_870 : i32 to index
      %get3A_872 = tpu.vector_load %arg10[%get3A_871] {strides = array<i32>} : memref<8192xf32, #tpu.memory_space<vmem>>, vector<16xf32>,
      %gt3A = arith.cmpf ogt, %get3A_872, %broadcast_in_dim3A_6 : vector<16xf32>
      %select_n3A_873 = arith.select %gt3A, %broadcast_in_dim3A_2, %broadcast_in_dim3A_0 : vector<16xi1>, vector<16xf32>
      %sub3A = arith.subf %select_n3A_873, %get3A_866 : vector<16xf32>
      %abs3A = math.absf %sub3A : vector<16xf32>
      %add3A_874 = arith.addf %scan3A_856, %abs3A : vector<16xf32>
      %mul3A_875 = arith.constant 128 : i32
      %mul3A_876 = arith.muli %scan3A_855, %mul3A_875 : i32
      %add3A_877 = arith.constant 16 : i32
      %add3A_878 = arith.addi %mul3A_876, %add3A_877 : i32
      %get3A_879 = arith.index_cast %add3A_878 : i32 to index
      %get3A_880 = tpu.vector_load %arg10[%get3A_879] {strides = array<i32>} : memref<8192xf32, #tpu.memory_space<vmem>>, vector<16xf32>,
      %gt3A_881 = arith.cmpf ogt, %get3A_880, %broadcast_in_dim3A_6 : vector<16xf32>
      %select_n3A_882 = arith.select %gt3A_881, %broadcast_in_dim3A_2, %broadcast_in_dim3A_0 : vector<16xi1>, vector<16xf32>
      %sub3A_883 = arith.subf %select_n3A_882, %get3A_866 : vector<16xf32>
      %abs3A_884 = math.absf %sub3A_883 : vector<16xf32>
      %add3A_885 = arith.addf %scan3A_857, %abs3A_884 : vector<16xf32>
      %mul3A_886 = arith.constant 128 : i32
      %mul3A_887 = arith.muli %scan3A_855, %mul3A_886 : i32
      %add3A_888 = arith.constant 32 : i32
      %add3A_889 = arith.addi %mul3A_887, %add3A_888 : i32
      %get3A_890 = arith.index_cast %add3A_889 : i32 to index
      %get3A_891 = tpu.vector_load %arg10[%get3A_890] {strides = array<i32>} : memref<8192xf32, #tpu.memory_space<vmem>>, vector<16xf32>,
      %gt3A_892 = arith.cmpf ogt, %get3A_891, %broadcast_in_dim3A_6 : vector<16xf32>
      %select_n3A_893 = arith.select %gt3A_892, %broadcast_in_dim3A_2, %broadcast_in_dim3A_0 : vector<16xi1>, vector<16xf32>
      %sub3A_894 = arith.subf %select_n3A_893, %get3A_866 : vector<16xf32>
      %abs3A_895 = math.absf %sub3A_894 : vector<16xf32>
      %add3A_896 = arith.addf %scan3A_858, %abs3A_895 : vector<16xf32>
      %mul3A_897 = arith.constant 128 : i32
      %mul3A_898 = arith.muli %scan3A_855, %mul3A_897 : i32
      %add3A_899 = arith.constant 48 : i32
      %add3A_900 = arith.addi %mul3A_898, %add3A_899 : i32
      %get3A_901 = arith.index_cast %add3A_900 : i32 to index
      %get3A_902 = tpu.vector_load %arg10[%get3A_901] {strides = array<i32>} : memref<8192xf32, #tpu.memory_space<vmem>>, vector<16xf32>,
      %gt3A_903 = arith.cmpf ogt, %get3A_902, %broadcast_in_dim3A_6 : vector<16xf32>
      %select_n3A_904 = arith.select %gt3A_903, %broadcast_in_dim3A_2, %broadcast_in_dim3A_0 : vector<16xi1>, vector<16xf32>
      %sub3A_905 = arith.subf %select_n3A_904, %get3A_866 : vector<16xf32>
      %abs3A_906 = math.absf %sub3A_905 : vector<16xf32>
      %add3A_907 = arith.addf %scan3A_859, %abs3A_906 : vector<16xf32>
      %mul3A_908 = arith.constant 128 : i32
      %mul3A_909 = arith.muli %scan3A_855, %mul3A_908 : i32
      %add3A_910 = arith.constant 64 : i32
      %add3A_911 = arith.addi %mul3A_909, %add3A_910 : i32
      %get3A_912 = arith.index_cast %add3A_911 : i32 to index
      %get3A_913 = tpu.vector_load %arg10[%get3A_912] {strides = array<i32>} : memref<8192xf32, #tpu.memory_space<vmem>>, vector<16xf32>,
      %gt3A_914 = arith.cmpf ogt, %get3A_913, %broadcast_in_dim3A_6 : vector<16xf32>
      %select_n3A_915 = arith.select %gt3A_914, %broadcast_in_dim3A_2, %broadcast_in_dim3A_0 : vector<16xi1>, vector<16xf32>
      %sub3A_916 = arith.subf %select_n3A_915, %get3A_866 : vector<16xf32>
      %abs3A_917 = math.absf %sub3A_916 : vector<16xf32>
      %add3A_918 = arith.addf %scan3A_860, %abs3A_917 : vector<16xf32>
      %mul3A_919 = arith.constant 128 : i32
      %mul3A_920 = arith.muli %scan3A_855, %mul3A_919 : i32
      %add3A_921 = arith.constant 80 : i32
      %add3A_922 = arith.addi %mul3A_920, %add3A_921 : i32
      %get3A_923 = arith.index_cast %add3A_922 : i32 to index
      %get3A_924 = tpu.vector_load %arg10[%get3A_923] {strides = array<i32>} : memref<8192xf32, #tpu.memory_space<vmem>>, vector<16xf32>,
      %gt3A_925 = arith.cmpf ogt, %get3A_924, %broadcast_in_dim3A_6 : vector<16xf32>
      %select_n3A_926 = arith.select %gt3A_925, %broadcast_in_dim3A_2, %broadcast_in_dim3A_0 : vector<16xi1>, vector<16xf32>
      %sub3A_927 = arith.subf %select_n3A_926, %get3A_866 : vector<16xf32>
      %abs3A_928 = math.absf %sub3A_927 : vector<16xf32>
      %add3A_929 = arith.addf %scan3A_861, %abs3A_928 : vector<16xf32>
      %mul3A_930 = arith.constant 128 : i32
      %mul3A_931 = arith.muli %scan3A_855, %mul3A_930 : i32
      %add3A_932 = arith.constant 96 : i32
      %add3A_933 = arith.addi %mul3A_931, %add3A_932 : i32
      %get3A_934 = arith.index_cast %add3A_933 : i32 to index
      %get3A_935 = tpu.vector_load %arg10[%get3A_934] {strides = array<i32>} : memref<8192xf32, #tpu.memory_space<vmem>>, vector<16xf32>,
      %gt3A_936 = arith.cmpf ogt, %get3A_935, %broadcast_in_dim3A_6 : vector<16xf32>
      %select_n3A_937 = arith.select %gt3A_936, %broadcast_in_dim3A_2, %broadcast_in_dim3A_0 : vector<16xi1>, vector<16xf32>
      %sub3A_938 = arith.subf %select_n3A_937, %get3A_866 : vector<16xf32>
      %abs3A_939 = math.absf %sub3A_938 : vector<16xf32>
      %add3A_940 = arith.addf %scan3A_862, %abs3A_939 : vector<16xf32>
      %mul3A_941 = arith.constant 128 : i32
      %mul3A_942 = arith.muli %scan3A_855, %mul3A_941 : i32
      %add3A_943 = arith.constant 112 : i32
      %add3A_944 = arith.addi %mul3A_942, %add3A_943 : i32
      %get3A_945 = arith.index_cast %add3A_944 : i32 to index
      %get3A_946 = tpu.vector_load %arg10[%get3A_945] {strides = array<i32>} : memref<8192xf32, #tpu.memory_space<vmem>>, vector<16xf32>,
      %gt3A_947 = arith.cmpf ogt, %get3A_946, %broadcast_in_dim3A_6 : vector<16xf32>
      %select_n3A_948 = arith.select %gt3A_947, %broadcast_in_dim3A_2, %broadcast_in_dim3A_0 : vector<16xi1>, vector<16xf32>
      %sub3A_949 = arith.subf %select_n3A_948, %get3A_866 : vector<16xf32>
      %abs3A_950 = math.absf %sub3A_949 : vector<16xf32>
      %add3A_951 = arith.addf %scan3A_863, %abs3A_950 : vector<16xf32>
      scf.yield %add3A_874, %add3A_885, %add3A_896, %add3A_907, %add3A_918, %add3A_929, %add3A_940, %add3A_951 : vector<16xf32>, vector<16xf32>, vector<16xf32>, vector<16xf32>, vector<16xf32>, vector<16xf32>, vector<16xf32>, vector<16xf32>
    }
    %scan3A_114 = arith.constant 8 : i32
    %dma_wait3A_115 = arith.constant 5120 : i32
    %dma_wait3A_116 = tpu.memref_slice %arg10[%dma_wait3A_115] : memref<8192xf32, #tpu.memory_space<vmem>> -> memref<1024xf32, #tpu.memory_space<vmem>>
    %dma_wait3A_117 = arith.constant 5120 : i32
    %dma_wait3A_118 = tpu.memref_slice %arg9[%dma_wait3A_117] : memref<8192xi32, #tpu.memory_space<vmem>> -> memref<1024xi32, #tpu.memory_space<vmem>>
    %dma_wait3A_119 = arith.constant 0 : i32
    %dma_wait3A_120 = tpu.memref_slice %arg2[%dma_wait3A_119] : memref<16777216xf32, #tpu.memory_space<hbm>> -> memref<16777216xf32, #tpu.memory_space<hbm>>
    tpu.wait_indirect_dma semaphore(%arg21 : memref<!tpu.dma_semaphore, #tpu.memory_space<semaphore_mem>>) src(%dma_wait3A_120 : memref<16777216xf32, #tpu.memory_space<hbm>>) dst(%dma_wait3A_116 : memref<1024xf32, #tpu.memory_space<vmem>>)
    %scan3A_121 = arith.constant 40 : i32
    %scan3A_122 = arith.constant 8 : i32
    %scan3A_123 = arith.addi %scan3A_121, %scan3A_122 : i32
    %scan3A_124 = arith.constant 1 : i32
    %scan3A_125:8 = scf.for %scan3A_855 = %scan3A_121 to %scan3A_123 step %scan3A_124 iter_args(%scan3A_856 = %scan3A_113#0, %scan3A_857 = %scan3A_113#1, %scan3A_858 = %scan3A_113#2, %scan3A_859 = %scan3A_113#3, %scan3A_860 = %scan3A_113#4, %scan3A_861 = %scan3A_113#5, %scan3A_862 = %scan3A_113#6, %scan3A_863 = %scan3A_113#7) -> (vector<16xf32>, vector<16xf32>, vector<16xf32>, vector<16xf32>, vector<16xf32>, vector<16xf32>, vector<16xf32>, vector<16xf32>)  : i32 {
      %get3A_864 = arith.index_cast %scan3A_855 : i32 to index
      %get3A_865 = arith.constant 0 : index
      %get3A_866 = tpu.vector_load %arg11[%get3A_864, %get3A_865] {strides = array<i32>} : memref<64x16xf32, #tpu.memory_space<vmem>>, vector<16xf32>,
      %mul3A_867 = arith.constant 128 : i32
      %mul3A_868 = arith.muli %scan3A_855, %mul3A_867 : i32
      %add3A_869 = arith.constant 0 : i32
      %add3A_870 = arith.addi %mul3A_868, %add3A_869 : i32
      %get3A_871 = arith.index_cast %add3A_870 : i32 to index
      %get3A_872 = tpu.vector_load %arg10[%get3A_871] {strides = array<i32>} : memref<8192xf32, #tpu.memory_space<vmem>>, vector<16xf32>,
      %gt3A = arith.cmpf ogt, %get3A_872, %broadcast_in_dim3A_6 : vector<16xf32>
      %select_n3A_873 = arith.select %gt3A, %broadcast_in_dim3A_2, %broadcast_in_dim3A_0 : vector<16xi1>, vector<16xf32>
      %sub3A = arith.subf %select_n3A_873, %get3A_866 : vector<16xf32>
      %abs3A = math.absf %sub3A : vector<16xf32>
      %add3A_874 = arith.addf %scan3A_856, %abs3A : vector<16xf32>
      %mul3A_875 = arith.constant 128 : i32
      %mul3A_876 = arith.muli %scan3A_855, %mul3A_875 : i32
      %add3A_877 = arith.constant 16 : i32
      %add3A_878 = arith.addi %mul3A_876, %add3A_877 : i32
      %get3A_879 = arith.index_cast %add3A_878 : i32 to index
      %get3A_880 = tpu.vector_load %arg10[%get3A_879] {strides = array<i32>} : memref<8192xf32, #tpu.memory_space<vmem>>, vector<16xf32>,
      %gt3A_881 = arith.cmpf ogt, %get3A_880, %broadcast_in_dim3A_6 : vector<16xf32>
      %select_n3A_882 = arith.select %gt3A_881, %broadcast_in_dim3A_2, %broadcast_in_dim3A_0 : vector<16xi1>, vector<16xf32>
      %sub3A_883 = arith.subf %select_n3A_882, %get3A_866 : vector<16xf32>
      %abs3A_884 = math.absf %sub3A_883 : vector<16xf32>
      %add3A_885 = arith.addf %scan3A_857, %abs3A_884 : vector<16xf32>
      %mul3A_886 = arith.constant 128 : i32
      %mul3A_887 = arith.muli %scan3A_855, %mul3A_886 : i32
      %add3A_888 = arith.constant 32 : i32
      %add3A_889 = arith.addi %mul3A_887, %add3A_888 : i32
      %get3A_890 = arith.index_cast %add3A_889 : i32 to index
      %get3A_891 = tpu.vector_load %arg10[%get3A_890] {strides = array<i32>} : memref<8192xf32, #tpu.memory_space<vmem>>, vector<16xf32>,
      %gt3A_892 = arith.cmpf ogt, %get3A_891, %broadcast_in_dim3A_6 : vector<16xf32>
      %select_n3A_893 = arith.select %gt3A_892, %broadcast_in_dim3A_2, %broadcast_in_dim3A_0 : vector<16xi1>, vector<16xf32>
      %sub3A_894 = arith.subf %select_n3A_893, %get3A_866 : vector<16xf32>
      %abs3A_895 = math.absf %sub3A_894 : vector<16xf32>
      %add3A_896 = arith.addf %scan3A_858, %abs3A_895 : vector<16xf32>
      %mul3A_897 = arith.constant 128 : i32
      %mul3A_898 = arith.muli %scan3A_855, %mul3A_897 : i32
      %add3A_899 = arith.constant 48 : i32
      %add3A_900 = arith.addi %mul3A_898, %add3A_899 : i32
      %get3A_901 = arith.index_cast %add3A_900 : i32 to index
      %get3A_902 = tpu.vector_load %arg10[%get3A_901] {strides = array<i32>} : memref<8192xf32, #tpu.memory_space<vmem>>, vector<16xf32>,
      %gt3A_903 = arith.cmpf ogt, %get3A_902, %broadcast_in_dim3A_6 : vector<16xf32>
      %select_n3A_904 = arith.select %gt3A_903, %broadcast_in_dim3A_2, %broadcast_in_dim3A_0 : vector<16xi1>, vector<16xf32>
      %sub3A_905 = arith.subf %select_n3A_904, %get3A_866 : vector<16xf32>
      %abs3A_906 = math.absf %sub3A_905 : vector<16xf32>
      %add3A_907 = arith.addf %scan3A_859, %abs3A_906 : vector<16xf32>
      %mul3A_908 = arith.constant 128 : i32
      %mul3A_909 = arith.muli %scan3A_855, %mul3A_908 : i32
      %add3A_910 = arith.constant 64 : i32
      %add3A_911 = arith.addi %mul3A_909, %add3A_910 : i32
      %get3A_912 = arith.index_cast %add3A_911 : i32 to index
      %get3A_913 = tpu.vector_load %arg10[%get3A_912] {strides = array<i32>} : memref<8192xf32, #tpu.memory_space<vmem>>, vector<16xf32>,
      %gt3A_914 = arith.cmpf ogt, %get3A_913, %broadcast_in_dim3A_6 : vector<16xf32>
      %select_n3A_915 = arith.select %gt3A_914, %broadcast_in_dim3A_2, %broadcast_in_dim3A_0 : vector<16xi1>, vector<16xf32>
      %sub3A_916 = arith.subf %select_n3A_915, %get3A_866 : vector<16xf32>
      %abs3A_917 = math.absf %sub3A_916 : vector<16xf32>
      %add3A_918 = arith.addf %scan3A_860, %abs3A_917 : vector<16xf32>
      %mul3A_919 = arith.constant 128 : i32
      %mul3A_920 = arith.muli %scan3A_855, %mul3A_919 : i32
      %add3A_921 = arith.constant 80 : i32
      %add3A_922 = arith.addi %mul3A_920, %add3A_921 : i32
      %get3A_923 = arith.index_cast %add3A_922 : i32 to index
      %get3A_924 = tpu.vector_load %arg10[%get3A_923] {strides = array<i32>} : memref<8192xf32, #tpu.memory_space<vmem>>, vector<16xf32>,
      %gt3A_925 = arith.cmpf ogt, %get3A_924, %broadcast_in_dim3A_6 : vector<16xf32>
      %select_n3A_926 = arith.select %gt3A_925, %broadcast_in_dim3A_2, %broadcast_in_dim3A_0 : vector<16xi1>, vector<16xf32>
      %sub3A_927 = arith.subf %select_n3A_926, %get3A_866 : vector<16xf32>
      %abs3A_928 = math.absf %sub3A_927 : vector<16xf32>
      %add3A_929 = arith.addf %scan3A_861, %abs3A_928 : vector<16xf32>
      %mul3A_930 = arith.constant 128 : i32
      %mul3A_931 = arith.muli %scan3A_855, %mul3A_930 : i32
      %add3A_932 = arith.constant 96 : i32
      %add3A_933 = arith.addi %mul3A_931, %add3A_932 : i32
      %get3A_934 = arith.index_cast %add3A_933 : i32 to index
      %get3A_935 = tpu.vector_load %arg10[%get3A_934] {strides = array<i32>} : memref<8192xf32, #tpu.memory_space<vmem>>, vector<16xf32>,
      %gt3A_936 = arith.cmpf ogt, %get3A_935, %broadcast_in_dim3A_6 : vector<16xf32>
      %select_n3A_937 = arith.select %gt3A_936, %broadcast_in_dim3A_2, %broadcast_in_dim3A_0 : vector<16xi1>, vector<16xf32>
      %sub3A_938 = arith.subf %select_n3A_937, %get3A_866 : vector<16xf32>
      %abs3A_939 = math.absf %sub3A_938 : vector<16xf32>
      %add3A_940 = arith.addf %scan3A_862, %abs3A_939 : vector<16xf32>
      %mul3A_941 = arith.constant 128 : i32
      %mul3A_942 = arith.muli %scan3A_855, %mul3A_941 : i32
      %add3A_943 = arith.constant 112 : i32
      %add3A_944 = arith.addi %mul3A_942, %add3A_943 : i32
      %get3A_945 = arith.index_cast %add3A_944 : i32 to index
      %get3A_946 = tpu.vector_load %arg10[%get3A_945] {strides = array<i32>} : memref<8192xf32, #tpu.memory_space<vmem>>, vector<16xf32>,
      %gt3A_947 = arith.cmpf ogt, %get3A_946, %broadcast_in_dim3A_6 : vector<16xf32>
      %select_n3A_948 = arith.select %gt3A_947, %broadcast_in_dim3A_2, %broadcast_in_dim3A_0 : vector<16xi1>, vector<16xf32>
      %sub3A_949 = arith.subf %select_n3A_948, %get3A_866 : vector<16xf32>
      %abs3A_950 = math.absf %sub3A_949 : vector<16xf32>
      %add3A_951 = arith.addf %scan3A_863, %abs3A_950 : vector<16xf32>
      scf.yield %add3A_874, %add3A_885, %add3A_896, %add3A_907, %add3A_918, %add3A_929, %add3A_940, %add3A_951 : vector<16xf32>, vector<16xf32>, vector<16xf32>, vector<16xf32>, vector<16xf32>, vector<16xf32>, vector<16xf32>, vector<16xf32>
    }
    %scan3A_126 = arith.constant 8 : i32
    %dma_wait3A_127 = arith.constant 6144 : i32
    %dma_wait3A_128 = tpu.memref_slice %arg10[%dma_wait3A_127] : memref<8192xf32, #tpu.memory_space<vmem>> -> memref<1024xf32, #tpu.memory_space<vmem>>
    %dma_wait3A_129 = arith.constant 6144 : i32
    %dma_wait3A_130 = tpu.memref_slice %arg9[%dma_wait3A_129] : memref<8192xi32, #tpu.memory_space<vmem>> -> memref<1024xi32, #tpu.memory_space<vmem>>
    %dma_wait3A_131 = arith.constant 0 : i32
    %dma_wait3A_132 = tpu.memref_slice %arg2[%dma_wait3A_131] : memref<16777216xf32, #tpu.memory_space<hbm>> -> memref<16777216xf32, #tpu.memory_space<hbm>>
    tpu.wait_indirect_dma semaphore(%arg22 : memref<!tpu.dma_semaphore, #tpu.memory_space<semaphore_mem>>) src(%dma_wait3A_132 : memref<16777216xf32, #tpu.memory_space<hbm>>) dst(%dma_wait3A_128 : memref<1024xf32, #tpu.memory_space<vmem>>)
    %scan3A_133 = arith.constant 48 : i32
    %scan3A_134 = arith.constant 8 : i32
    %scan3A_135 = arith.addi %scan3A_133, %scan3A_134 : i32
    %scan3A_136 = arith.constant 1 : i32
    %scan3A_137:8 = scf.for %scan3A_855 = %scan3A_133 to %scan3A_135 step %scan3A_136 iter_args(%scan3A_856 = %scan3A_125#0, %scan3A_857 = %scan3A_125#1, %scan3A_858 = %scan3A_125#2, %scan3A_859 = %scan3A_125#3, %scan3A_860 = %scan3A_125#4, %scan3A_861 = %scan3A_125#5, %scan3A_862 = %scan3A_125#6, %scan3A_863 = %scan3A_125#7) -> (vector<16xf32>, vector<16xf32>, vector<16xf32>, vector<16xf32>, vector<16xf32>, vector<16xf32>, vector<16xf32>, vector<16xf32>)  : i32 {
      %get3A_864 = arith.index_cast %scan3A_855 : i32 to index
      %get3A_865 = arith.constant 0 : index
      %get3A_866 = tpu.vector_load %arg11[%get3A_864, %get3A_865] {strides = array<i32>} : memref<64x16xf32, #tpu.memory_space<vmem>>, vector<16xf32>,
      %mul3A_867 = arith.constant 128 : i32
      %mul3A_868 = arith.muli %scan3A_855, %mul3A_867 : i32
      %add3A_869 = arith.constant 0 : i32
      %add3A_870 = arith.addi %mul3A_868, %add3A_869 : i32
      %get3A_871 = arith.index_cast %add3A_870 : i32 to index
      %get3A_872 = tpu.vector_load %arg10[%get3A_871] {strides = array<i32>} : memref<8192xf32, #tpu.memory_space<vmem>>, vector<16xf32>,
      %gt3A = arith.cmpf ogt, %get3A_872, %broadcast_in_dim3A_6 : vector<16xf32>
      %select_n3A_873 = arith.select %gt3A, %broadcast_in_dim3A_2, %broadcast_in_dim3A_0 : vector<16xi1>, vector<16xf32>
      %sub3A = arith.subf %select_n3A_873, %get3A_866 : vector<16xf32>
      %abs3A = math.absf %sub3A : vector<16xf32>
      %add3A_874 = arith.addf %scan3A_856, %abs3A : vector<16xf32>
      %mul3A_875 = arith.constant 128 : i32
      %mul3A_876 = arith.muli %scan3A_855, %mul3A_875 : i32
      %add3A_877 = arith.constant 16 : i32
      %add3A_878 = arith.addi %mul3A_876, %add3A_877 : i32
      %get3A_879 = arith.index_cast %add3A_878 : i32 to index
      %get3A_880 = tpu.vector_load %arg10[%get3A_879] {strides = array<i32>} : memref<8192xf32, #tpu.memory_space<vmem>>, vector<16xf32>,
      %gt3A_881 = arith.cmpf ogt, %get3A_880, %broadcast_in_dim3A_6 : vector<16xf32>
      %select_n3A_882 = arith.select %gt3A_881, %broadcast_in_dim3A_2, %broadcast_in_dim3A_0 : vector<16xi1>, vector<16xf32>
      %sub3A_883 = arith.subf %select_n3A_882, %get3A_866 : vector<16xf32>
      %abs3A_884 = math.absf %sub3A_883 : vector<16xf32>
      %add3A_885 = arith.addf %scan3A_857, %abs3A_884 : vector<16xf32>
      %mul3A_886 = arith.constant 128 : i32
      %mul3A_887 = arith.muli %scan3A_855, %mul3A_886 : i32
      %add3A_888 = arith.constant 32 : i32
      %add3A_889 = arith.addi %mul3A_887, %add3A_888 : i32
      %get3A_890 = arith.index_cast %add3A_889 : i32 to index
      %get3A_891 = tpu.vector_load %arg10[%get3A_890] {strides = array<i32>} : memref<8192xf32, #tpu.memory_space<vmem>>, vector<16xf32>,
      %gt3A_892 = arith.cmpf ogt, %get3A_891, %broadcast_in_dim3A_6 : vector<16xf32>
      %select_n3A_893 = arith.select %gt3A_892, %broadcast_in_dim3A_2, %broadcast_in_dim3A_0 : vector<16xi1>, vector<16xf32>
      %sub3A_894 = arith.subf %select_n3A_893, %get3A_866 : vector<16xf32>
      %abs3A_895 = math.absf %sub3A_894 : vector<16xf32>
      %add3A_896 = arith.addf %scan3A_858, %abs3A_895 : vector<16xf32>
      %mul3A_897 = arith.constant 128 : i32
      %mul3A_898 = arith.muli %scan3A_855, %mul3A_897 : i32
      %add3A_899 = arith.constant 48 : i32
      %add3A_900 = arith.addi %mul3A_898, %add3A_899 : i32
      %get3A_901 = arith.index_cast %add3A_900 : i32 to index
      %get3A_902 = tpu.vector_load %arg10[%get3A_901] {strides = array<i32>} : memref<8192xf32, #tpu.memory_space<vmem>>, vector<16xf32>,
      %gt3A_903 = arith.cmpf ogt, %get3A_902, %broadcast_in_dim3A_6 : vector<16xf32>
      %select_n3A_904 = arith.select %gt3A_903, %broadcast_in_dim3A_2, %broadcast_in_dim3A_0 : vector<16xi1>, vector<16xf32>
      %sub3A_905 = arith.subf %select_n3A_904, %get3A_866 : vector<16xf32>
      %abs3A_906 = math.absf %sub3A_905 : vector<16xf32>
      %add3A_907 = arith.addf %scan3A_859, %abs3A_906 : vector<16xf32>
      %mul3A_908 = arith.constant 128 : i32
      %mul3A_909 = arith.muli %scan3A_855, %mul3A_908 : i32
      %add3A_910 = arith.constant 64 : i32
      %add3A_911 = arith.addi %mul3A_909, %add3A_910 : i32
      %get3A_912 = arith.index_cast %add3A_911 : i32 to index
      %get3A_913 = tpu.vector_load %arg10[%get3A_912] {strides = array<i32>} : memref<8192xf32, #tpu.memory_space<vmem>>, vector<16xf32>,
      %gt3A_914 = arith.cmpf ogt, %get3A_913, %broadcast_in_dim3A_6 : vector<16xf32>
      %select_n3A_915 = arith.select %gt3A_914, %broadcast_in_dim3A_2, %broadcast_in_dim3A_0 : vector<16xi1>, vector<16xf32>
      %sub3A_916 = arith.subf %select_n3A_915, %get3A_866 : vector<16xf32>
      %abs3A_917 = math.absf %sub3A_916 : vector<16xf32>
      %add3A_918 = arith.addf %scan3A_860, %abs3A_917 : vector<16xf32>
      %mul3A_919 = arith.constant 128 : i32
      %mul3A_920 = arith.muli %scan3A_855, %mul3A_919 : i32
      %add3A_921 = arith.constant 80 : i32
      %add3A_922 = arith.addi %mul3A_920, %add3A_921 : i32
      %get3A_923 = arith.index_cast %add3A_922 : i32 to index
      %get3A_924 = tpu.vector_load %arg10[%get3A_923] {strides = array<i32>} : memref<8192xf32, #tpu.memory_space<vmem>>, vector<16xf32>,
      %gt3A_925 = arith.cmpf ogt, %get3A_924, %broadcast_in_dim3A_6 : vector<16xf32>
      %select_n3A_926 = arith.select %gt3A_925, %broadcast_in_dim3A_2, %broadcast_in_dim3A_0 : vector<16xi1>, vector<16xf32>
      %sub3A_927 = arith.subf %select_n3A_926, %get3A_866 : vector<16xf32>
      %abs3A_928 = math.absf %sub3A_927 : vector<16xf32>
      %add3A_929 = arith.addf %scan3A_861, %abs3A_928 : vector<16xf32>
      %mul3A_930 = arith.constant 128 : i32
      %mul3A_931 = arith.muli %scan3A_855, %mul3A_930 : i32
      %add3A_932 = arith.constant 96 : i32
      %add3A_933 = arith.addi %mul3A_931, %add3A_932 : i32
      %get3A_934 = arith.index_cast %add3A_933 : i32 to index
      %get3A_935 = tpu.vector_load %arg10[%get3A_934] {strides = array<i32>} : memref<8192xf32, #tpu.memory_space<vmem>>, vector<16xf32>,
      %gt3A_936 = arith.cmpf ogt, %get3A_935, %broadcast_in_dim3A_6 : vector<16xf32>
      %select_n3A_937 = arith.select %gt3A_936, %broadcast_in_dim3A_2, %broadcast_in_dim3A_0 : vector<16xi1>, vector<16xf32>
      %sub3A_938 = arith.subf %select_n3A_937, %get3A_866 : vector<16xf32>
      %abs3A_939 = math.absf %sub3A_938 : vector<16xf32>
      %add3A_940 = arith.addf %scan3A_862, %abs3A_939 : vector<16xf32>
      %mul3A_941 = arith.constant 128 : i32
      %mul3A_942 = arith.muli %scan3A_855, %mul3A_941 : i32
      %add3A_943 = arith.constant 112 : i32
      %add3A_944 = arith.addi %mul3A_942, %add3A_943 : i32
      %get3A_945 = arith.index_cast %add3A_944 : i32 to index
      %get3A_946 = tpu.vector_load %arg10[%get3A_945] {strides = array<i32>} : memref<8192xf32, #tpu.memory_space<vmem>>, vector<16xf32>,
      %gt3A_947 = arith.cmpf ogt, %get3A_946, %broadcast_in_dim3A_6 : vector<16xf32>
      %select_n3A_948 = arith.select %gt3A_947, %broadcast_in_dim3A_2, %broadcast_in_dim3A_0 : vector<16xi1>, vector<16xf32>
      %sub3A_949 = arith.subf %select_n3A_948, %get3A_866 : vector<16xf32>
      %abs3A_950 = math.absf %sub3A_949 : vector<16xf32>
      %add3A_951 = arith.addf %scan3A_863, %abs3A_950 : vector<16xf32>
      scf.yield %add3A_874, %add3A_885, %add3A_896, %add3A_907, %add3A_918, %add3A_929, %add3A_940, %add3A_951 : vector<16xf32>, vector<16xf32>, vector<16xf32>, vector<16xf32>, vector<16xf32>, vector<16xf32>, vector<16xf32>, vector<16xf32>
    }
    %scan3A_138 = arith.constant 8 : i32
    %dma_wait3A_139 = arith.constant 7168 : i32
    %dma_wait3A_140 = tpu.memref_slice %arg10[%dma_wait3A_139] : memref<8192xf32, #tpu.memory_space<vmem>> -> memref<1024xf32, #tpu.memory_space<vmem>>
    %dma_wait3A_141 = arith.constant 7168 : i32
    %dma_wait3A_142 = tpu.memref_slice %arg9[%dma_wait3A_141] : memref<8192xi32, #tpu.memory_space<vmem>> -> memref<1024xi32, #tpu.memory_space<vmem>>
    %dma_wait3A_143 = arith.constant 0 : i32
    %dma_wait3A_144 = tpu.memref_slice %arg2[%dma_wait3A_143] : memref<16777216xf32, #tpu.memory_space<hbm>> -> memref<16777216xf32, #tpu.memory_space<hbm>>
    tpu.wait_indirect_dma semaphore(%arg23 : memref<!tpu.dma_semaphore, #tpu.memory_space<semaphore_mem>>) src(%dma_wait3A_144 : memref<16777216xf32, #tpu.memory_space<hbm>>) dst(%dma_wait3A_140 : memref<1024xf32, #tpu.memory_space<vmem>>)
    %scan3A_145 = arith.constant 56 : i32
    %scan3A_146 = arith.constant 8 : i32
    %scan3A_147 = arith.addi %scan3A_145, %scan3A_146 : i32
    %scan3A_148 = arith.constant 1 : i32
    %scan3A_149:8 = scf.for %scan3A_855 = %scan3A_145 to %scan3A_147 step %scan3A_148 iter_args(%scan3A_856 = %scan3A_137#0, %scan3A_857 = %scan3A_137#1, %scan3A_858 = %scan3A_137#2, %scan3A_859 = %scan3A_137#3, %scan3A_860 = %scan3A_137#4, %scan3A_861 = %scan3A_137#5, %scan3A_862 = %scan3A_137#6, %scan3A_863 = %scan3A_137#7) -> (vector<16xf32>, vector<16xf32>, vector<16xf32>, vector<16xf32>, vector<16xf32>, vector<16xf32>, vector<16xf32>, vector<16xf32>)  : i32 {
      %get3A_864 = arith.index_cast %scan3A_855 : i32 to index
      %get3A_865 = arith.constant 0 : index
      %get3A_866 = tpu.vector_load %arg11[%get3A_864, %get3A_865] {strides = array<i32>} : memref<64x16xf32, #tpu.memory_space<vmem>>, vector<16xf32>,
      %mul3A_867 = arith.constant 128 : i32
      %mul3A_868 = arith.muli %scan3A_855, %mul3A_867 : i32
      %add3A_869 = arith.constant 0 : i32
      %add3A_870 = arith.addi %mul3A_868, %add3A_869 : i32
      %get3A_871 = arith.index_cast %add3A_870 : i32 to index
      %get3A_872 = tpu.vector_load %arg10[%get3A_871] {strides = array<i32>} : memref<8192xf32, #tpu.memory_space<vmem>>, vector<16xf32>,
      %gt3A = arith.cmpf ogt, %get3A_872, %broadcast_in_dim3A_6 : vector<16xf32>
      %select_n3A_873 = arith.select %gt3A, %broadcast_in_dim3A_2, %broadcast_in_dim3A_0 : vector<16xi1>, vector<16xf32>
      %sub3A = arith.subf %select_n3A_873, %get3A_866 : vector<16xf32>
      %abs3A = math.absf %sub3A : vector<16xf32>
      %add3A_874 = arith.addf %scan3A_856, %abs3A : vector<16xf32>
      %mul3A_875 = arith.constant 128 : i32
      %mul3A_876 = arith.muli %scan3A_855, %mul3A_875 : i32
      %add3A_877 = arith.constant 16 : i32
      %add3A_878 = arith.addi %mul3A_876, %add3A_877 : i32
      %get3A_879 = arith.index_cast %add3A_878 : i32 to index
      %get3A_880 = tpu.vector_load %arg10[%get3A_879] {strides = array<i32>} : memref<8192xf32, #tpu.memory_space<vmem>>, vector<16xf32>,
      %gt3A_881 = arith.cmpf ogt, %get3A_880, %broadcast_in_dim3A_6 : vector<16xf32>
      %select_n3A_882 = arith.select %gt3A_881, %broadcast_in_dim3A_2, %broadcast_in_dim3A_0 : vector<16xi1>, vector<16xf32>
      %sub3A_883 = arith.subf %select_n3A_882, %get3A_866 : vector<16xf32>
      %abs3A_884 = math.absf %sub3A_883 : vector<16xf32>
      %add3A_885 = arith.addf %scan3A_857, %abs3A_884 : vector<16xf32>
      %mul3A_886 = arith.constant 128 : i32
      %mul3A_887 = arith.muli %scan3A_855, %mul3A_886 : i32
      %add3A_888 = arith.constant 32 : i32
      %add3A_889 = arith.addi %mul3A_887, %add3A_888 : i32
      %get3A_890 = arith.index_cast %add3A_889 : i32 to index
      %get3A_891 = tpu.vector_load %arg10[%get3A_890] {strides = array<i32>} : memref<8192xf32, #tpu.memory_space<vmem>>, vector<16xf32>,
      %gt3A_892 = arith.cmpf ogt, %get3A_891, %broadcast_in_dim3A_6 : vector<16xf32>
      %select_n3A_893 = arith.select %gt3A_892, %broadcast_in_dim3A_2, %broadcast_in_dim3A_0 : vector<16xi1>, vector<16xf32>
      %sub3A_894 = arith.subf %select_n3A_893, %get3A_866 : vector<16xf32>
      %abs3A_895 = math.absf %sub3A_894 : vector<16xf32>
      %add3A_896 = arith.addf %scan3A_858, %abs3A_895 : vector<16xf32>
      %mul3A_897 = arith.constant 128 : i32
      %mul3A_898 = arith.muli %scan3A_855, %mul3A_897 : i32
      %add3A_899 = arith.constant 48 : i32
      %add3A_900 = arith.addi %mul3A_898, %add3A_899 : i32
      %get3A_901 = arith.index_cast %add3A_900 : i32 to index
      %get3A_902 = tpu.vector_load %arg10[%get3A_901] {strides = array<i32>} : memref<8192xf32, #tpu.memory_space<vmem>>, vector<16xf32>,
      %gt3A_903 = arith.cmpf ogt, %get3A_902, %broadcast_in_dim3A_6 : vector<16xf32>
      %select_n3A_904 = arith.select %gt3A_903, %broadcast_in_dim3A_2, %broadcast_in_dim3A_0 : vector<16xi1>, vector<16xf32>
      %sub3A_905 = arith.subf %select_n3A_904, %get3A_866 : vector<16xf32>
      %abs3A_906 = math.absf %sub3A_905 : vector<16xf32>
      %add3A_907 = arith.addf %scan3A_859, %abs3A_906 : vector<16xf32>
      %mul3A_908 = arith.constant 128 : i32
      %mul3A_909 = arith.muli %scan3A_855, %mul3A_908 : i32
      %add3A_910 = arith.constant 64 : i32
      %add3A_911 = arith.addi %mul3A_909, %add3A_910 : i32
      %get3A_912 = arith.index_cast %add3A_911 : i32 to index
      %get3A_913 = tpu.vector_load %arg10[%get3A_912] {strides = array<i32>} : memref<8192xf32, #tpu.memory_space<vmem>>, vector<16xf32>,
      %gt3A_914 = arith.cmpf ogt, %get3A_913, %broadcast_in_dim3A_6 : vector<16xf32>
      %select_n3A_915 = arith.select %gt3A_914, %broadcast_in_dim3A_2, %broadcast_in_dim3A_0 : vector<16xi1>, vector<16xf32>
      %sub3A_916 = arith.subf %select_n3A_915, %get3A_866 : vector<16xf32>
      %abs3A_917 = math.absf %sub3A_916 : vector<16xf32>
      %add3A_918 = arith.addf %scan3A_860, %abs3A_917 : vector<16xf32>
      %mul3A_919 = arith.constant 128 : i32
      %mul3A_920 = arith.muli %scan3A_855, %mul3A_919 : i32
      %add3A_921 = arith.constant 80 : i32
      %add3A_922 = arith.addi %mul3A_920, %add3A_921 : i32
      %get3A_923 = arith.index_cast %add3A_922 : i32 to index
      %get3A_924 = tpu.vector_load %arg10[%get3A_923] {strides = array<i32>} : memref<8192xf32, #tpu.memory_space<vmem>>, vector<16xf32>,
      %gt3A_925 = arith.cmpf ogt, %get3A_924, %broadcast_in_dim3A_6 : vector<16xf32>
      %select_n3A_926 = arith.select %gt3A_925, %broadcast_in_dim3A_2, %broadcast_in_dim3A_0 : vector<16xi1>, vector<16xf32>
      %sub3A_927 = arith.subf %select_n3A_926, %get3A_866 : vector<16xf32>
      %abs3A_928 = math.absf %sub3A_927 : vector<16xf32>
      %add3A_929 = arith.addf %scan3A_861, %abs3A_928 : vector<16xf32>
      %mul3A_930 = arith.constant 128 : i32
      %mul3A_931 = arith.muli %scan3A_855, %mul3A_930 : i32
      %add3A_932 = arith.constant 96 : i32
      %add3A_933 = arith.addi %mul3A_931, %add3A_932 : i32
      %get3A_934 = arith.index_cast %add3A_933 : i32 to index
      %get3A_935 = tpu.vector_load %arg10[%get3A_934] {strides = array<i32>} : memref<8192xf32, #tpu.memory_space<vmem>>, vector<16xf32>,
      %gt3A_936 = arith.cmpf ogt, %get3A_935, %broadcast_in_dim3A_6 : vector<16xf32>
      %select_n3A_937 = arith.select %gt3A_936, %broadcast_in_dim3A_2, %broadcast_in_dim3A_0 : vector<16xi1>, vector<16xf32>
      %sub3A_938 = arith.subf %select_n3A_937, %get3A_866 : vector<16xf32>
      %abs3A_939 = math.absf %sub3A_938 : vector<16xf32>
      %add3A_940 = arith.addf %scan3A_862, %abs3A_939 : vector<16xf32>
      %mul3A_941 = arith.constant 128 : i32
      %mul3A_942 = arith.muli %scan3A_855, %mul3A_941 : i32
      %add3A_943 = arith.constant 112 : i32
      %add3A_944 = arith.addi %mul3A_942, %add3A_943 : i32
      %get3A_945 = arith.index_cast %add3A_944 : i32 to index
      %get3A_946 = tpu.vector_load %arg10[%get3A_945] {strides = array<i32>} : memref<8192xf32, #tpu.memory_space<vmem>>, vector<16xf32>,
      %gt3A_947 = arith.cmpf ogt, %get3A_946, %broadcast_in_dim3A_6 : vector<16xf32>
      %select_n3A_948 = arith.select %gt3A_947, %broadcast_in_dim3A_2, %broadcast_in_dim3A_0 : vector<16xi1>, vector<16xf32>
      %sub3A_949 = arith.subf %select_n3A_948, %get3A_866 : vector<16xf32>
      %abs3A_950 = math.absf %sub3A_949 : vector<16xf32>
      %add3A_951 = arith.addf %scan3A_863, %abs3A_950 : vector<16xf32>
      scf.yield %add3A_874, %add3A_885, %add3A_896, %add3A_907, %add3A_918, %add3A_929, %add3A_940, %add3A_951 : vector<16xf32>, vector<16xf32>, vector<16xf32>, vector<16xf32>, vector<16xf32>, vector<16xf32>, vector<16xf32>, vector<16xf32>
    }
    %scan3A_150 = arith.constant 8 : i32
    %eq3A = arith.cmpf oeq, %scan3A_149#0, %broadcast_in_dim3A_0 : vector<16xf32>
    %select_n3A = arith.select %eq3A, %broadcast_in_dim3A_2, %broadcast_in_dim3A_0 : vector<16xi1>, vector<16xf32>
    %swap3A = arith.constant 0 : index
    %swap3A_151 = tpu.vector_load %arg14[%swap3A] {strides = array<i32>} : memref<128xf32, #tpu.memory_space<vmem>>, vector<16xf32>,
    tpu.vector_store %arg14[%swap3A], %select_n3A {strides = array<i32>} : memref<128xf32, #tpu.memory_space<vmem>>, vector<16xf32>,
    %eq3A_152 = arith.cmpf oeq, %scan3A_149#1, %broadcast_in_dim3A_0 : vector<16xf32>
    %select_n3A_153 = arith.select %eq3A_152, %broadcast_in_dim3A_2, %broadcast_in_dim3A_0 : vector<16xi1>, vector<16xf32>
    %swap3A_154 = arith.constant 16 : index
    %swap3A_155 = tpu.vector_load %arg14[%swap3A_154] {strides = array<i32>} : memref<128xf32, #tpu.memory_space<vmem>>, vector<16xf32>,
    tpu.vector_store %arg14[%swap3A_154], %select_n3A_153 {strides = array<i32>} : memref<128xf32, #tpu.memory_space<vmem>>, vector<16xf32>,
    %eq3A_156 = arith.cmpf oeq, %scan3A_149#2, %broadcast_in_dim3A_0 : vector<16xf32>
    %select_n3A_157 = arith.select %eq3A_156, %broadcast_in_dim3A_2, %broadcast_in_dim3A_0 : vector<16xi1>, vector<16xf32>
    %swap3A_158 = arith.constant 32 : index
    %swap3A_159 = tpu.vector_load %arg14[%swap3A_158] {strides = array<i32>} : memref<128xf32, #tpu.memory_space<vmem>>, vector<16xf32>,
    tpu.vector_store %arg14[%swap3A_158], %select_n3A_157 {strides = array<i32>} : memref<128xf32, #tpu.memory_space<vmem>>, vector<16xf32>,
    %eq3A_160 = arith.cmpf oeq, %scan3A_149#3, %broadcast_in_dim3A_0 : vector<16xf32>
    %select_n3A_161 = arith.select %eq3A_160, %broadcast_in_dim3A_2, %broadcast_in_dim3A_0 : vector<16xi1>, vector<16xf32>
    %swap3A_162 = arith.constant 48 : index
    %swap3A_163 = tpu.vector_load %arg14[%swap3A_162] {strides = array<i32>} : memref<128xf32, #tpu.memory_space<vmem>>, vector<16xf32>,
    tpu.vector_store %arg14[%swap3A_162], %select_n3A_161 {strides = array<i32>} : memref<128xf32, #tpu.memory_space<vmem>>, vector<16xf32>,
    %eq3A_164 = arith.cmpf oeq, %scan3A_149#4, %broadcast_in_dim3A_0 : vector<16xf32>
    %select_n3A_165 = arith.select %eq3A_164, %broadcast_in_dim3A_2, %broadcast_in_dim3A_0 : vector<16xi1>, vector<16xf32>
    %swap3A_166 = arith.constant 64 : index
    %swap3A_167 = tpu.vector_load %arg14[%swap3A_166] {strides = array<i32>} : memref<128xf32, #tpu.memory_space<vmem>>, vector<16xf32>,
    tpu.vector_store %arg14[%swap3A_166], %select_n3A_165 {strides = array<i32>} : memref<128xf32, #tpu.memory_space<vmem>>, vector<16xf32>,
    %eq3A_168 = arith.cmpf oeq, %scan3A_149#5, %broadcast_in_dim3A_0 : vector<16xf32>
    %select_n3A_169 = arith.select %eq3A_168, %broadcast_in_dim3A_2, %broadcast_in_dim3A_0 : vector<16xi1>, vector<16xf32>
    %swap3A_170 = arith.constant 80 : index
    %swap3A_171 = tpu.vector_load %arg14[%swap3A_170] {strides = array<i32>} : memref<128xf32, #tpu.memory_space<vmem>>, vector<16xf32>,
    tpu.vector_store %arg14[%swap3A_170], %select_n3A_169 {strides = array<i32>} : memref<128xf32, #tpu.memory_space<vmem>>, vector<16xf32>,
    %eq3A_172 = arith.cmpf oeq, %scan3A_149#6, %broadcast_in_dim3A_0 : vector<16xf32>
    %select_n3A_173 = arith.select %eq3A_172, %broadcast_in_dim3A_2, %broadcast_in_dim3A_0 : vector<16xi1>, vector<16xf32>
    %swap3A_174 = arith.constant 96 : index
    %swap3A_175 = tpu.vector_load %arg14[%swap3A_174] {strides = array<i32>} : memref<128xf32, #tpu.memory_space<vmem>>, vector<16xf32>,
    tpu.vector_store %arg14[%swap3A_174], %select_n3A_173 {strides = array<i32>} : memref<128xf32, #tpu.memory_space<vmem>>, vector<16xf32>,
    %eq3A_176 = arith.cmpf oeq, %scan3A_149#7, %broadcast_in_dim3A_0 : vector<16xf32>
    %select_n3A_177 = arith.select %eq3A_176, %broadcast_in_dim3A_2, %broadcast_in_dim3A_0 : vector<16xi1>, vector<16xf32>
    %swap3A_178 = arith.constant 112 : index
    %swap3A_179 = tpu.vector_load %arg14[%swap3A_178] {strides = array<i32>} : memref<128xf32, #tpu.memory_space<vmem>>, vector<16xf32>,
    tpu.vector_store %arg14[%swap3A_178], %select_n3A_177 {strides = array<i32>} : memref<128xf32, #tpu.memory_space<vmem>>, vector<16xf32>,
    %get3A_180 = arith.constant 0 : i32
    %get3A_181 = arith.index_cast %get3A_180 : i32 to index
    %get3A_182 = arith.constant 0 : index
    %get3A_183 = tpu.vector_load %arg13[%get3A_181, %get3A_182] {strides = array<i32>} : memref<64x16xi32, #tpu.memory_space<vmem>>, vector<16xi32>,
    %gather3A = tpu.vector_load_idx %arg14[%get3A_183] : memref<128xf32, #tpu.memory_space<vmem>>[vector<16xi32>], vector<16xf32>,
    %mul3A_184 = arith.mulf %gather3A, %div3A : vector<16xf32>
    %swap3A_185 = arith.constant 0 : i32
    %swap3A_186 = arith.index_cast %swap3A_185 : i32 to index
    %swap3A_187 = arith.constant 0 : index
    %swap3A_188 = tpu.vector_load %arg15[%swap3A_186, %swap3A_187] {strides = array<i32>} : memref<64x16xf32, #tpu.memory_space<vmem>>, vector<16xf32>,
    tpu.vector_store %arg15[%swap3A_186, %swap3A_187], %mul3A_184 {strides = array<i32>} : memref<64x16xf32, #tpu.memory_space<vmem>>, vector<16xf32>,
    %get3A_189 = arith.constant 1 : i32
    %get3A_190 = arith.index_cast %get3A_189 : i32 to index
    %get3A_191 = arith.constant 0 : index
    %get3A_192 = tpu.vector_load %arg13[%get3A_190, %get3A_191] {strides = array<i32>} : memref<64x16xi32, #tpu.memory_space<vmem>>, vector<16xi32>,
    %gather3A_193 = tpu.vector_load_idx %arg14[%get3A_192] : memref<128xf32, #tpu.memory_space<vmem>>[vector<16xi32>], vector<16xf32>,
    %mul3A_194 = arith.mulf %gather3A_193, %div3A : vector<16xf32>
    %swap3A_195 = arith.constant 1 : i32
    %swap3A_196 = arith.index_cast %swap3A_195 : i32 to index
    %swap3A_197 = arith.constant 0 : index
    %swap3A_198 = tpu.vector_load %arg15[%swap3A_196, %swap3A_197] {strides = array<i32>} : memref<64x16xf32, #tpu.memory_space<vmem>>, vector<16xf32>,
    tpu.vector_store %arg15[%swap3A_196, %swap3A_197], %mul3A_194 {strides = array<i32>} : memref<64x16xf32, #tpu.memory_space<vmem>>, vector<16xf32>,
    %get3A_199 = arith.constant 2 : i32
    %get3A_200 = arith.index_cast %get3A_199 : i32 to index
    %get3A_201 = arith.constant 0 : index
    %get3A_202 = tpu.vector_load %arg13[%get3A_200, %get3A_201] {strides = array<i32>} : memref<64x16xi32, #tpu.memory_space<vmem>>, vector<16xi32>,
    %gather3A_203 = tpu.vector_load_idx %arg14[%get3A_202] : memref<128xf32, #tpu.memory_space<vmem>>[vector<16xi32>], vector<16xf32>,
    %mul3A_204 = arith.mulf %gather3A_203, %div3A : vector<16xf32>
    %swap3A_205 = arith.constant 2 : i32
    %swap3A_206 = arith.index_cast %swap3A_205 : i32 to index
    %swap3A_207 = arith.constant 0 : index
    %swap3A_208 = tpu.vector_load %arg15[%swap3A_206, %swap3A_207] {strides = array<i32>} : memref<64x16xf32, #tpu.memory_space<vmem>>, vector<16xf32>,
    tpu.vector_store %arg15[%swap3A_206, %swap3A_207], %mul3A_204 {strides = array<i32>} : memref<64x16xf32, #tpu.memory_space<vmem>>, vector<16xf32>,
    %get3A_209 = arith.constant 3 : i32
    %get3A_210 = arith.index_cast %get3A_209 : i32 to index
    %get3A_211 = arith.constant 0 : index
    %get3A_212 = tpu.vector_load %arg13[%get3A_210, %get3A_211] {strides = array<i32>} : memref<64x16xi32, #tpu.memory_space<vmem>>, vector<16xi32>,
    %gather3A_213 = tpu.vector_load_idx %arg14[%get3A_212] : memref<128xf32, #tpu.memory_space<vmem>>[vector<16xi32>], vector<16xf32>,
    %mul3A_214 = arith.mulf %gather3A_213, %div3A : vector<16xf32>
    %swap3A_215 = arith.constant 3 : i32
    %swap3A_216 = arith.index_cast %swap3A_215 : i32 to index
    %swap3A_217 = arith.constant 0 : index
    %swap3A_218 = tpu.vector_load %arg15[%swap3A_216, %swap3A_217] {strides = array<i32>} : memref<64x16xf32, #tpu.memory_space<vmem>>, vector<16xf32>,
    tpu.vector_store %arg15[%swap3A_216, %swap3A_217], %mul3A_214 {strides = array<i32>} : memref<64x16xf32, #tpu.memory_space<vmem>>, vector<16xf32>,
    %get3A_219 = arith.constant 4 : i32
    %get3A_220 = arith.index_cast %get3A_219 : i32 to index
    %get3A_221 = arith.constant 0 : index
    %get3A_222 = tpu.vector_load %arg13[%get3A_220, %get3A_221] {strides = array<i32>} : memref<64x16xi32, #tpu.memory_space<vmem>>, vector<16xi32>,
    %gather3A_223 = tpu.vector_load_idx %arg14[%get3A_222] : memref<128xf32, #tpu.memory_space<vmem>>[vector<16xi32>], vector<16xf32>,
    %mul3A_224 = arith.mulf %gather3A_223, %div3A : vector<16xf32>
    %swap3A_225 = arith.constant 4 : i32
    %swap3A_226 = arith.index_cast %swap3A_225 : i32 to index
    %swap3A_227 = arith.constant 0 : index
    %swap3A_228 = tpu.vector_load %arg15[%swap3A_226, %swap3A_227] {strides = array<i32>} : memref<64x16xf32, #tpu.memory_space<vmem>>, vector<16xf32>,
    tpu.vector_store %arg15[%swap3A_226, %swap3A_227], %mul3A_224 {strides = array<i32>} : memref<64x16xf32, #tpu.memory_space<vmem>>, vector<16xf32>,
    %get3A_229 = arith.constant 5 : i32
    %get3A_230 = arith.index_cast %get3A_229 : i32 to index
    %get3A_231 = arith.constant 0 : index
    %get3A_232 = tpu.vector_load %arg13[%get3A_230, %get3A_231] {strides = array<i32>} : memref<64x16xi32, #tpu.memory_space<vmem>>, vector<16xi32>,
    %gather3A_233 = tpu.vector_load_idx %arg14[%get3A_232] : memref<128xf32, #tpu.memory_space<vmem>>[vector<16xi32>], vector<16xf32>,
    %mul3A_234 = arith.mulf %gather3A_233, %div3A : vector<16xf32>
    %swap3A_235 = arith.constant 5 : i32
    %swap3A_236 = arith.index_cast %swap3A_235 : i32 to index
    %swap3A_237 = arith.constant 0 : index
    %swap3A_238 = tpu.vector_load %arg15[%swap3A_236, %swap3A_237] {strides = array<i32>} : memref<64x16xf32, #tpu.memory_space<vmem>>, vector<16xf32>,
    tpu.vector_store %arg15[%swap3A_236, %swap3A_237], %mul3A_234 {strides = array<i32>} : memref<64x16xf32, #tpu.memory_space<vmem>>, vector<16xf32>,
    %get3A_239 = arith.constant 6 : i32
    %get3A_240 = arith.index_cast %get3A_239 : i32 to index
    %get3A_241 = arith.constant 0 : index
    %get3A_242 = tpu.vector_load %arg13[%get3A_240, %get3A_241] {strides = array<i32>} : memref<64x16xi32, #tpu.memory_space<vmem>>, vector<16xi32>,
    %gather3A_243 = tpu.vector_load_idx %arg14[%get3A_242] : memref<128xf32, #tpu.memory_space<vmem>>[vector<16xi32>], vector<16xf32>,
    %mul3A_244 = arith.mulf %gather3A_243, %div3A : vector<16xf32>
    %swap3A_245 = arith.constant 6 : i32
    %swap3A_246 = arith.index_cast %swap3A_245 : i32 to index
    %swap3A_247 = arith.constant 0 : index
    %swap3A_248 = tpu.vector_load %arg15[%swap3A_246, %swap3A_247] {strides = array<i32>} : memref<64x16xf32, #tpu.memory_space<vmem>>, vector<16xf32>,
    tpu.vector_store %arg15[%swap3A_246, %swap3A_247], %mul3A_244 {strides = array<i32>} : memref<64x16xf32, #tpu.memory_space<vmem>>, vector<16xf32>,
    %get3A_249 = arith.constant 7 : i32
    %get3A_250 = arith.index_cast %get3A_249 : i32 to index
    %get3A_251 = arith.constant 0 : index
    %get3A_252 = tpu.vector_load %arg13[%get3A_250, %get3A_251] {strides = array<i32>} : memref<64x16xi32, #tpu.memory_space<vmem>>, vector<16xi32>,
    %gather3A_253 = tpu.vector_load_idx %arg14[%get3A_252] : memref<128xf32, #tpu.memory_space<vmem>>[vector<16xi32>], vector<16xf32>,
    %mul3A_254 = arith.mulf %gather3A_253, %div3A : vector<16xf32>
    %swap3A_255 = arith.constant 7 : i32
    %swap3A_256 = arith.index_cast %swap3A_255 : i32 to index
    %swap3A_257 = arith.constant 0 : index
    %swap3A_258 = tpu.vector_load %arg15[%swap3A_256, %swap3A_257] {strides = array<i32>} : memref<64x16xf32, #tpu.memory_space<vmem>>, vector<16xf32>,
    tpu.vector_store %arg15[%swap3A_256, %swap3A_257], %mul3A_254 {strides = array<i32>} : memref<64x16xf32, #tpu.memory_space<vmem>>, vector<16xf32>,
    %get3A_259 = arith.constant 8 : i32
    %get3A_260 = arith.index_cast %get3A_259 : i32 to index
    %get3A_261 = arith.constant 0 : index
    %get3A_262 = tpu.vector_load %arg13[%get3A_260, %get3A_261] {strides = array<i32>} : memref<64x16xi32, #tpu.memory_space<vmem>>, vector<16xi32>,
    %gather3A_263 = tpu.vector_load_idx %arg14[%get3A_262] : memref<128xf32, #tpu.memory_space<vmem>>[vector<16xi32>], vector<16xf32>,
    %mul3A_264 = arith.mulf %gather3A_263, %div3A : vector<16xf32>
    %swap3A_265 = arith.constant 8 : i32
    %swap3A_266 = arith.index_cast %swap3A_265 : i32 to index
    %swap3A_267 = arith.constant 0 : index
    %swap3A_268 = tpu.vector_load %arg15[%swap3A_266, %swap3A_267] {strides = array<i32>} : memref<64x16xf32, #tpu.memory_space<vmem>>, vector<16xf32>,
    tpu.vector_store %arg15[%swap3A_266, %swap3A_267], %mul3A_264 {strides = array<i32>} : memref<64x16xf32, #tpu.memory_space<vmem>>, vector<16xf32>,
    %get3A_269 = arith.constant 9 : i32
    %get3A_270 = arith.index_cast %get3A_269 : i32 to index
    %get3A_271 = arith.constant 0 : index
    %get3A_272 = tpu.vector_load %arg13[%get3A_270, %get3A_271] {strides = array<i32>} : memref<64x16xi32, #tpu.memory_space<vmem>>, vector<16xi32>,
    %gather3A_273 = tpu.vector_load_idx %arg14[%get3A_272] : memref<128xf32, #tpu.memory_space<vmem>>[vector<16xi32>], vector<16xf32>,
    %mul3A_274 = arith.mulf %gather3A_273, %div3A : vector<16xf32>
    %swap3A_275 = arith.constant 9 : i32
    %swap3A_276 = arith.index_cast %swap3A_275 : i32 to index
    %swap3A_277 = arith.constant 0 : index
    %swap3A_278 = tpu.vector_load %arg15[%swap3A_276, %swap3A_277] {strides = array<i32>} : memref<64x16xf32, #tpu.memory_space<vmem>>, vector<16xf32>,
    tpu.vector_store %arg15[%swap3A_276, %swap3A_277], %mul3A_274 {strides = array<i32>} : memref<64x16xf32, #tpu.memory_space<vmem>>, vector<16xf32>,
    %get3A_279 = arith.constant 10 : i32
    %get3A_280 = arith.index_cast %get3A_279 : i32 to index
    %get3A_281 = arith.constant 0 : index
    %get3A_282 = tpu.vector_load %arg13[%get3A_280, %get3A_281] {strides = array<i32>} : memref<64x16xi32, #tpu.memory_space<vmem>>, vector<16xi32>,
    %gather3A_283 = tpu.vector_load_idx %arg14[%get3A_282] : memref<128xf32, #tpu.memory_space<vmem>>[vector<16xi32>], vector<16xf32>,
    %mul3A_284 = arith.mulf %gather3A_283, %div3A : vector<16xf32>
    %swap3A_285 = arith.constant 10 : i32
    %swap3A_286 = arith.index_cast %swap3A_285 : i32 to index
    %swap3A_287 = arith.constant 0 : index
    %swap3A_288 = tpu.vector_load %arg15[%swap3A_286, %swap3A_287] {strides = array<i32>} : memref<64x16xf32, #tpu.memory_space<vmem>>, vector<16xf32>,
    tpu.vector_store %arg15[%swap3A_286, %swap3A_287], %mul3A_284 {strides = array<i32>} : memref<64x16xf32, #tpu.memory_space<vmem>>, vector<16xf32>,
    %get3A_289 = arith.constant 11 : i32
    %get3A_290 = arith.index_cast %get3A_289 : i32 to index
    %get3A_291 = arith.constant 0 : index
    %get3A_292 = tpu.vector_load %arg13[%get3A_290, %get3A_291] {strides = array<i32>} : memref<64x16xi32, #tpu.memory_space<vmem>>, vector<16xi32>,
    %gather3A_293 = tpu.vector_load_idx %arg14[%get3A_292] : memref<128xf32, #tpu.memory_space<vmem>>[vector<16xi32>], vector<16xf32>,
    %mul3A_294 = arith.mulf %gather3A_293, %div3A : vector<16xf32>
    %swap3A_295 = arith.constant 11 : i32
    %swap3A_296 = arith.index_cast %swap3A_295 : i32 to index
    %swap3A_297 = arith.constant 0 : index
    %swap3A_298 = tpu.vector_load %arg15[%swap3A_296, %swap3A_297] {strides = array<i32>} : memref<64x16xf32, #tpu.memory_space<vmem>>, vector<16xf32>,
    tpu.vector_store %arg15[%swap3A_296, %swap3A_297], %mul3A_294 {strides = array<i32>} : memref<64x16xf32, #tpu.memory_space<vmem>>, vector<16xf32>,
    %get3A_299 = arith.constant 12 : i32
    %get3A_300 = arith.index_cast %get3A_299 : i32 to index
    %get3A_301 = arith.constant 0 : index
    %get3A_302 = tpu.vector_load %arg13[%get3A_300, %get3A_301] {strides = array<i32>} : memref<64x16xi32, #tpu.memory_space<vmem>>, vector<16xi32>,
    %gather3A_303 = tpu.vector_load_idx %arg14[%get3A_302] : memref<128xf32, #tpu.memory_space<vmem>>[vector<16xi32>], vector<16xf32>,
    %mul3A_304 = arith.mulf %gather3A_303, %div3A : vector<16xf32>
    %swap3A_305 = arith.constant 12 : i32
    %swap3A_306 = arith.index_cast %swap3A_305 : i32 to index
    %swap3A_307 = arith.constant 0 : index
    %swap3A_308 = tpu.vector_load %arg15[%swap3A_306, %swap3A_307] {strides = array<i32>} : memref<64x16xf32, #tpu.memory_space<vmem>>, vector<16xf32>,
    tpu.vector_store %arg15[%swap3A_306, %swap3A_307], %mul3A_304 {strides = array<i32>} : memref<64x16xf32, #tpu.memory_space<vmem>>, vector<16xf32>,
    %get3A_309 = arith.constant 13 : i32
    %get3A_310 = arith.index_cast %get3A_309 : i32 to index
    %get3A_311 = arith.constant 0 : index
    %get3A_312 = tpu.vector_load %arg13[%get3A_310, %get3A_311] {strides = array<i32>} : memref<64x16xi32, #tpu.memory_space<vmem>>, vector<16xi32>,
    %gather3A_313 = tpu.vector_load_idx %arg14[%get3A_312] : memref<128xf32, #tpu.memory_space<vmem>>[vector<16xi32>], vector<16xf32>,
    %mul3A_314 = arith.mulf %gather3A_313, %div3A : vector<16xf32>
    %swap3A_315 = arith.constant 13 : i32
    %swap3A_316 = arith.index_cast %swap3A_315 : i32 to index
    %swap3A_317 = arith.constant 0 : index
    %swap3A_318 = tpu.vector_load %arg15[%swap3A_316, %swap3A_317] {strides = array<i32>} : memref<64x16xf32, #tpu.memory_space<vmem>>, vector<16xf32>,
    tpu.vector_store %arg15[%swap3A_316, %swap3A_317], %mul3A_314 {strides = array<i32>} : memref<64x16xf32, #tpu.memory_space<vmem>>, vector<16xf32>,
    %get3A_319 = arith.constant 14 : i32
    %get3A_320 = arith.index_cast %get3A_319 : i32 to index
    %get3A_321 = arith.constant 0 : index
    %get3A_322 = tpu.vector_load %arg13[%get3A_320, %get3A_321] {strides = array<i32>} : memref<64x16xi32, #tpu.memory_space<vmem>>, vector<16xi32>,
    %gather3A_323 = tpu.vector_load_idx %arg14[%get3A_322] : memref<128xf32, #tpu.memory_space<vmem>>[vector<16xi32>], vector<16xf32>,
    %mul3A_324 = arith.mulf %gather3A_323, %div3A : vector<16xf32>
    %swap3A_325 = arith.constant 14 : i32
    %swap3A_326 = arith.index_cast %swap3A_325 : i32 to index
    %swap3A_327 = arith.constant 0 : index
    %swap3A_328 = tpu.vector_load %arg15[%swap3A_326, %swap3A_327] {strides = array<i32>} : memref<64x16xf32, #tpu.memory_space<vmem>>, vector<16xf32>,
    tpu.vector_store %arg15[%swap3A_326, %swap3A_327], %mul3A_324 {strides = array<i32>} : memref<64x16xf32, #tpu.memory_space<vmem>>, vector<16xf32>,
    %get3A_329 = arith.constant 15 : i32
    %get3A_330 = arith.index_cast %get3A_329 : i32 to index
    %get3A_331 = arith.constant 0 : index
    %get3A_332 = tpu.vector_load %arg13[%get3A_330, %get3A_331] {strides = array<i32>} : memref<64x16xi32, #tpu.memory_space<vmem>>, vector<16xi32>,
    %gather3A_333 = tpu.vector_load_idx %arg14[%get3A_332] : memref<128xf32, #tpu.memory_space<vmem>>[vector<16xi32>], vector<16xf32>,
    %mul3A_334 = arith.mulf %gather3A_333, %div3A : vector<16xf32>
    %swap3A_335 = arith.constant 15 : i32
    %swap3A_336 = arith.index_cast %swap3A_335 : i32 to index
    %swap3A_337 = arith.constant 0 : index
    %swap3A_338 = tpu.vector_load %arg15[%swap3A_336, %swap3A_337] {strides = array<i32>} : memref<64x16xf32, #tpu.memory_space<vmem>>, vector<16xf32>,
    tpu.vector_store %arg15[%swap3A_336, %swap3A_337], %mul3A_334 {strides = array<i32>} : memref<64x16xf32, #tpu.memory_space<vmem>>, vector<16xf32>,
    %get3A_339 = arith.constant 16 : i32
    %get3A_340 = arith.index_cast %get3A_339 : i32 to index
    %get3A_341 = arith.constant 0 : index
    %get3A_342 = tpu.vector_load %arg13[%get3A_340, %get3A_341] {strides = array<i32>} : memref<64x16xi32, #tpu.memory_space<vmem>>, vector<16xi32>,
    %gather3A_343 = tpu.vector_load_idx %arg14[%get3A_342] : memref<128xf32, #tpu.memory_space<vmem>>[vector<16xi32>], vector<16xf32>,
    %mul3A_344 = arith.mulf %gather3A_343, %div3A : vector<16xf32>
    %swap3A_345 = arith.constant 16 : i32
    %swap3A_346 = arith.index_cast %swap3A_345 : i32 to index
    %swap3A_347 = arith.constant 0 : index
    %swap3A_348 = tpu.vector_load %arg15[%swap3A_346, %swap3A_347] {strides = array<i32>} : memref<64x16xf32, #tpu.memory_space<vmem>>, vector<16xf32>,
    tpu.vector_store %arg15[%swap3A_346, %swap3A_347], %mul3A_344 {strides = array<i32>} : memref<64x16xf32, #tpu.memory_space<vmem>>, vector<16xf32>,
    %get3A_349 = arith.constant 17 : i32
    %get3A_350 = arith.index_cast %get3A_349 : i32 to index
    %get3A_351 = arith.constant 0 : index
    %get3A_352 = tpu.vector_load %arg13[%get3A_350, %get3A_351] {strides = array<i32>} : memref<64x16xi32, #tpu.memory_space<vmem>>, vector<16xi32>,
    %gather3A_353 = tpu.vector_load_idx %arg14[%get3A_352] : memref<128xf32, #tpu.memory_space<vmem>>[vector<16xi32>], vector<16xf32>,
    %mul3A_354 = arith.mulf %gather3A_353, %div3A : vector<16xf32>
    %swap3A_355 = arith.constant 17 : i32
    %swap3A_356 = arith.index_cast %swap3A_355 : i32 to index
    %swap3A_357 = arith.constant 0 : index
    %swap3A_358 = tpu.vector_load %arg15[%swap3A_356, %swap3A_357] {strides = array<i32>} : memref<64x16xf32, #tpu.memory_space<vmem>>, vector<16xf32>,
    tpu.vector_store %arg15[%swap3A_356, %swap3A_357], %mul3A_354 {strides = array<i32>} : memref<64x16xf32, #tpu.memory_space<vmem>>, vector<16xf32>,
    %get3A_359 = arith.constant 18 : i32
    %get3A_360 = arith.index_cast %get3A_359 : i32 to index
    %get3A_361 = arith.constant 0 : index
    %get3A_362 = tpu.vector_load %arg13[%get3A_360, %get3A_361] {strides = array<i32>} : memref<64x16xi32, #tpu.memory_space<vmem>>, vector<16xi32>,
    %gather3A_363 = tpu.vector_load_idx %arg14[%get3A_362] : memref<128xf32, #tpu.memory_space<vmem>>[vector<16xi32>], vector<16xf32>,
    %mul3A_364 = arith.mulf %gather3A_363, %div3A : vector<16xf32>
    %swap3A_365 = arith.constant 18 : i32
    %swap3A_366 = arith.index_cast %swap3A_365 : i32 to index
    %swap3A_367 = arith.constant 0 : index
    %swap3A_368 = tpu.vector_load %arg15[%swap3A_366, %swap3A_367] {strides = array<i32>} : memref<64x16xf32, #tpu.memory_space<vmem>>, vector<16xf32>,
    tpu.vector_store %arg15[%swap3A_366, %swap3A_367], %mul3A_364 {strides = array<i32>} : memref<64x16xf32, #tpu.memory_space<vmem>>, vector<16xf32>,
    %get3A_369 = arith.constant 19 : i32
    %get3A_370 = arith.index_cast %get3A_369 : i32 to index
    %get3A_371 = arith.constant 0 : index
    %get3A_372 = tpu.vector_load %arg13[%get3A_370, %get3A_371] {strides = array<i32>} : memref<64x16xi32, #tpu.memory_space<vmem>>, vector<16xi32>,
    %gather3A_373 = tpu.vector_load_idx %arg14[%get3A_372] : memref<128xf32, #tpu.memory_space<vmem>>[vector<16xi32>], vector<16xf32>,
    %mul3A_374 = arith.mulf %gather3A_373, %div3A : vector<16xf32>
    %swap3A_375 = arith.constant 19 : i32
    %swap3A_376 = arith.index_cast %swap3A_375 : i32 to index
    %swap3A_377 = arith.constant 0 : index
    %swap3A_378 = tpu.vector_load %arg15[%swap3A_376, %swap3A_377] {strides = array<i32>} : memref<64x16xf32, #tpu.memory_space<vmem>>, vector<16xf32>,
    tpu.vector_store %arg15[%swap3A_376, %swap3A_377], %mul3A_374 {strides = array<i32>} : memref<64x16xf32, #tpu.memory_space<vmem>>, vector<16xf32>,
    %get3A_379 = arith.constant 20 : i32
    %get3A_380 = arith.index_cast %get3A_379 : i32 to index
    %get3A_381 = arith.constant 0 : index
    %get3A_382 = tpu.vector_load %arg13[%get3A_380, %get3A_381] {strides = array<i32>} : memref<64x16xi32, #tpu.memory_space<vmem>>, vector<16xi32>,
    %gather3A_383 = tpu.vector_load_idx %arg14[%get3A_382] : memref<128xf32, #tpu.memory_space<vmem>>[vector<16xi32>], vector<16xf32>,
    %mul3A_384 = arith.mulf %gather3A_383, %div3A : vector<16xf32>
    %swap3A_385 = arith.constant 20 : i32
    %swap3A_386 = arith.index_cast %swap3A_385 : i32 to index
    %swap3A_387 = arith.constant 0 : index
    %swap3A_388 = tpu.vector_load %arg15[%swap3A_386, %swap3A_387] {strides = array<i32>} : memref<64x16xf32, #tpu.memory_space<vmem>>, vector<16xf32>,
    tpu.vector_store %arg15[%swap3A_386, %swap3A_387], %mul3A_384 {strides = array<i32>} : memref<64x16xf32, #tpu.memory_space<vmem>>, vector<16xf32>,
    %get3A_389 = arith.constant 21 : i32
    %get3A_390 = arith.index_cast %get3A_389 : i32 to index
    %get3A_391 = arith.constant 0 : index
    %get3A_392 = tpu.vector_load %arg13[%get3A_390, %get3A_391] {strides = array<i32>} : memref<64x16xi32, #tpu.memory_space<vmem>>, vector<16xi32>,
    %gather3A_393 = tpu.vector_load_idx %arg14[%get3A_392] : memref<128xf32, #tpu.memory_space<vmem>>[vector<16xi32>], vector<16xf32>,
    %mul3A_394 = arith.mulf %gather3A_393, %div3A : vector<16xf32>
    %swap3A_395 = arith.constant 21 : i32
    %swap3A_396 = arith.index_cast %swap3A_395 : i32 to index
    %swap3A_397 = arith.constant 0 : index
    %swap3A_398 = tpu.vector_load %arg15[%swap3A_396, %swap3A_397] {strides = array<i32>} : memref<64x16xf32, #tpu.memory_space<vmem>>, vector<16xf32>,
    tpu.vector_store %arg15[%swap3A_396, %swap3A_397], %mul3A_394 {strides = array<i32>} : memref<64x16xf32, #tpu.memory_space<vmem>>, vector<16xf32>,
    %get3A_399 = arith.constant 22 : i32
    %get3A_400 = arith.index_cast %get3A_399 : i32 to index
    %get3A_401 = arith.constant 0 : index
    %get3A_402 = tpu.vector_load %arg13[%get3A_400, %get3A_401] {strides = array<i32>} : memref<64x16xi32, #tpu.memory_space<vmem>>, vector<16xi32>,
    %gather3A_403 = tpu.vector_load_idx %arg14[%get3A_402] : memref<128xf32, #tpu.memory_space<vmem>>[vector<16xi32>], vector<16xf32>,
    %mul3A_404 = arith.mulf %gather3A_403, %div3A : vector<16xf32>
    %swap3A_405 = arith.constant 22 : i32
    %swap3A_406 = arith.index_cast %swap3A_405 : i32 to index
    %swap3A_407 = arith.constant 0 : index
    %swap3A_408 = tpu.vector_load %arg15[%swap3A_406, %swap3A_407] {strides = array<i32>} : memref<64x16xf32, #tpu.memory_space<vmem>>, vector<16xf32>,
    tpu.vector_store %arg15[%swap3A_406, %swap3A_407], %mul3A_404 {strides = array<i32>} : memref<64x16xf32, #tpu.memory_space<vmem>>, vector<16xf32>,
    %get3A_409 = arith.constant 23 : i32
    %get3A_410 = arith.index_cast %get3A_409 : i32 to index
    %get3A_411 = arith.constant 0 : index
    %get3A_412 = tpu.vector_load %arg13[%get3A_410, %get3A_411] {strides = array<i32>} : memref<64x16xi32, #tpu.memory_space<vmem>>, vector<16xi32>,
    %gather3A_413 = tpu.vector_load_idx %arg14[%get3A_412] : memref<128xf32, #tpu.memory_space<vmem>>[vector<16xi32>], vector<16xf32>,
    %mul3A_414 = arith.mulf %gather3A_413, %div3A : vector<16xf32>
    %swap3A_415 = arith.constant 23 : i32
    %swap3A_416 = arith.index_cast %swap3A_415 : i32 to index
    %swap3A_417 = arith.constant 0 : index
    %swap3A_418 = tpu.vector_load %arg15[%swap3A_416, %swap3A_417] {strides = array<i32>} : memref<64x16xf32, #tpu.memory_space<vmem>>, vector<16xf32>,
    tpu.vector_store %arg15[%swap3A_416, %swap3A_417], %mul3A_414 {strides = array<i32>} : memref<64x16xf32, #tpu.memory_space<vmem>>, vector<16xf32>,
    %get3A_419 = arith.constant 24 : i32
    %get3A_420 = arith.index_cast %get3A_419 : i32 to index
    %get3A_421 = arith.constant 0 : index
    %get3A_422 = tpu.vector_load %arg13[%get3A_420, %get3A_421] {strides = array<i32>} : memref<64x16xi32, #tpu.memory_space<vmem>>, vector<16xi32>,
    %gather3A_423 = tpu.vector_load_idx %arg14[%get3A_422] : memref<128xf32, #tpu.memory_space<vmem>>[vector<16xi32>], vector<16xf32>,
    %mul3A_424 = arith.mulf %gather3A_423, %div3A : vector<16xf32>
    %swap3A_425 = arith.constant 24 : i32
    %swap3A_426 = arith.index_cast %swap3A_425 : i32 to index
    %swap3A_427 = arith.constant 0 : index
    %swap3A_428 = tpu.vector_load %arg15[%swap3A_426, %swap3A_427] {strides = array<i32>} : memref<64x16xf32, #tpu.memory_space<vmem>>, vector<16xf32>,
    tpu.vector_store %arg15[%swap3A_426, %swap3A_427], %mul3A_424 {strides = array<i32>} : memref<64x16xf32, #tpu.memory_space<vmem>>, vector<16xf32>,
    %get3A_429 = arith.constant 25 : i32
    %get3A_430 = arith.index_cast %get3A_429 : i32 to index
    %get3A_431 = arith.constant 0 : index
    %get3A_432 = tpu.vector_load %arg13[%get3A_430, %get3A_431] {strides = array<i32>} : memref<64x16xi32, #tpu.memory_space<vmem>>, vector<16xi32>,
    %gather3A_433 = tpu.vector_load_idx %arg14[%get3A_432] : memref<128xf32, #tpu.memory_space<vmem>>[vector<16xi32>], vector<16xf32>,
    %mul3A_434 = arith.mulf %gather3A_433, %div3A : vector<16xf32>
    %swap3A_435 = arith.constant 25 : i32
    %swap3A_436 = arith.index_cast %swap3A_435 : i32 to index
    %swap3A_437 = arith.constant 0 : index
    %swap3A_438 = tpu.vector_load %arg15[%swap3A_436, %swap3A_437] {strides = array<i32>} : memref<64x16xf32, #tpu.memory_space<vmem>>, vector<16xf32>,
    tpu.vector_store %arg15[%swap3A_436, %swap3A_437], %mul3A_434 {strides = array<i32>} : memref<64x16xf32, #tpu.memory_space<vmem>>, vector<16xf32>,
    %get3A_439 = arith.constant 26 : i32
    %get3A_440 = arith.index_cast %get3A_439 : i32 to index
    %get3A_441 = arith.constant 0 : index
    %get3A_442 = tpu.vector_load %arg13[%get3A_440, %get3A_441] {strides = array<i32>} : memref<64x16xi32, #tpu.memory_space<vmem>>, vector<16xi32>,
    %gather3A_443 = tpu.vector_load_idx %arg14[%get3A_442] : memref<128xf32, #tpu.memory_space<vmem>>[vector<16xi32>], vector<16xf32>,
    %mul3A_444 = arith.mulf %gather3A_443, %div3A : vector<16xf32>
    %swap3A_445 = arith.constant 26 : i32
    %swap3A_446 = arith.index_cast %swap3A_445 : i32 to index
    %swap3A_447 = arith.constant 0 : index
    %swap3A_448 = tpu.vector_load %arg15[%swap3A_446, %swap3A_447] {strides = array<i32>} : memref<64x16xf32, #tpu.memory_space<vmem>>, vector<16xf32>,
    tpu.vector_store %arg15[%swap3A_446, %swap3A_447], %mul3A_444 {strides = array<i32>} : memref<64x16xf32, #tpu.memory_space<vmem>>, vector<16xf32>,
    %get3A_449 = arith.constant 27 : i32
    %get3A_450 = arith.index_cast %get3A_449 : i32 to index
    %get3A_451 = arith.constant 0 : index
    %get3A_452 = tpu.vector_load %arg13[%get3A_450, %get3A_451] {strides = array<i32>} : memref<64x16xi32, #tpu.memory_space<vmem>>, vector<16xi32>,
    %gather3A_453 = tpu.vector_load_idx %arg14[%get3A_452] : memref<128xf32, #tpu.memory_space<vmem>>[vector<16xi32>], vector<16xf32>,
    %mul3A_454 = arith.mulf %gather3A_453, %div3A : vector<16xf32>
    %swap3A_455 = arith.constant 27 : i32
    %swap3A_456 = arith.index_cast %swap3A_455 : i32 to index
    %swap3A_457 = arith.constant 0 : index
    %swap3A_458 = tpu.vector_load %arg15[%swap3A_456, %swap3A_457] {strides = array<i32>} : memref<64x16xf32, #tpu.memory_space<vmem>>, vector<16xf32>,
    tpu.vector_store %arg15[%swap3A_456, %swap3A_457], %mul3A_454 {strides = array<i32>} : memref<64x16xf32, #tpu.memory_space<vmem>>, vector<16xf32>,
    %get3A_459 = arith.constant 28 : i32
    %get3A_460 = arith.index_cast %get3A_459 : i32 to index
    %get3A_461 = arith.constant 0 : index
    %get3A_462 = tpu.vector_load %arg13[%get3A_460, %get3A_461] {strides = array<i32>} : memref<64x16xi32, #tpu.memory_space<vmem>>, vector<16xi32>,
    %gather3A_463 = tpu.vector_load_idx %arg14[%get3A_462] : memref<128xf32, #tpu.memory_space<vmem>>[vector<16xi32>], vector<16xf32>,
    %mul3A_464 = arith.mulf %gather3A_463, %div3A : vector<16xf32>
    %swap3A_465 = arith.constant 28 : i32
    %swap3A_466 = arith.index_cast %swap3A_465 : i32 to index
    %swap3A_467 = arith.constant 0 : index
    %swap3A_468 = tpu.vector_load %arg15[%swap3A_466, %swap3A_467] {strides = array<i32>} : memref<64x16xf32, #tpu.memory_space<vmem>>, vector<16xf32>,
    tpu.vector_store %arg15[%swap3A_466, %swap3A_467], %mul3A_464 {strides = array<i32>} : memref<64x16xf32, #tpu.memory_space<vmem>>, vector<16xf32>,
    %get3A_469 = arith.constant 29 : i32
    %get3A_470 = arith.index_cast %get3A_469 : i32 to index
    %get3A_471 = arith.constant 0 : index
    %get3A_472 = tpu.vector_load %arg13[%get3A_470, %get3A_471] {strides = array<i32>} : memref<64x16xi32, #tpu.memory_space<vmem>>, vector<16xi32>,
    %gather3A_473 = tpu.vector_load_idx %arg14[%get3A_472] : memref<128xf32, #tpu.memory_space<vmem>>[vector<16xi32>], vector<16xf32>,
    %mul3A_474 = arith.mulf %gather3A_473, %div3A : vector<16xf32>
    %swap3A_475 = arith.constant 29 : i32
    %swap3A_476 = arith.index_cast %swap3A_475 : i32 to index
    %swap3A_477 = arith.constant 0 : index
    %swap3A_478 = tpu.vector_load %arg15[%swap3A_476, %swap3A_477] {strides = array<i32>} : memref<64x16xf32, #tpu.memory_space<vmem>>, vector<16xf32>,
    tpu.vector_store %arg15[%swap3A_476, %swap3A_477], %mul3A_474 {strides = array<i32>} : memref<64x16xf32, #tpu.memory_space<vmem>>, vector<16xf32>,
    %get3A_479 = arith.constant 30 : i32
    %get3A_480 = arith.index_cast %get3A_479 : i32 to index
    %get3A_481 = arith.constant 0 : index
    %get3A_482 = tpu.vector_load %arg13[%get3A_480, %get3A_481] {strides = array<i32>} : memref<64x16xi32, #tpu.memory_space<vmem>>, vector<16xi32>,
    %gather3A_483 = tpu.vector_load_idx %arg14[%get3A_482] : memref<128xf32, #tpu.memory_space<vmem>>[vector<16xi32>], vector<16xf32>,
    %mul3A_484 = arith.mulf %gather3A_483, %div3A : vector<16xf32>
    %swap3A_485 = arith.constant 30 : i32
    %swap3A_486 = arith.index_cast %swap3A_485 : i32 to index
    %swap3A_487 = arith.constant 0 : index
    %swap3A_488 = tpu.vector_load %arg15[%swap3A_486, %swap3A_487] {strides = array<i32>} : memref<64x16xf32, #tpu.memory_space<vmem>>, vector<16xf32>,
    tpu.vector_store %arg15[%swap3A_486, %swap3A_487], %mul3A_484 {strides = array<i32>} : memref<64x16xf32, #tpu.memory_space<vmem>>, vector<16xf32>,
    %get3A_489 = arith.constant 31 : i32
    %get3A_490 = arith.index_cast %get3A_489 : i32 to index
    %get3A_491 = arith.constant 0 : index
    %get3A_492 = tpu.vector_load %arg13[%get3A_490, %get3A_491] {strides = array<i32>} : memref<64x16xi32, #tpu.memory_space<vmem>>, vector<16xi32>,
    %gather3A_493 = tpu.vector_load_idx %arg14[%get3A_492] : memref<128xf32, #tpu.memory_space<vmem>>[vector<16xi32>], vector<16xf32>,
    %mul3A_494 = arith.mulf %gather3A_493, %div3A : vector<16xf32>
    %swap3A_495 = arith.constant 31 : i32
    %swap3A_496 = arith.index_cast %swap3A_495 : i32 to index
    %swap3A_497 = arith.constant 0 : index
    %swap3A_498 = tpu.vector_load %arg15[%swap3A_496, %swap3A_497] {strides = array<i32>} : memref<64x16xf32, #tpu.memory_space<vmem>>, vector<16xf32>,
    tpu.vector_store %arg15[%swap3A_496, %swap3A_497], %mul3A_494 {strides = array<i32>} : memref<64x16xf32, #tpu.memory_space<vmem>>, vector<16xf32>,
    %get3A_499 = arith.constant 32 : i32
    %get3A_500 = arith.index_cast %get3A_499 : i32 to index
    %get3A_501 = arith.constant 0 : index
    %get3A_502 = tpu.vector_load %arg13[%get3A_500, %get3A_501] {strides = array<i32>} : memref<64x16xi32, #tpu.memory_space<vmem>>, vector<16xi32>,
    %gather3A_503 = tpu.vector_load_idx %arg14[%get3A_502] : memref<128xf32, #tpu.memory_space<vmem>>[vector<16xi32>], vector<16xf32>,
    %mul3A_504 = arith.mulf %gather3A_503, %div3A : vector<16xf32>
    %swap3A_505 = arith.constant 32 : i32
    %swap3A_506 = arith.index_cast %swap3A_505 : i32 to index
    %swap3A_507 = arith.constant 0 : index
    %swap3A_508 = tpu.vector_load %arg15[%swap3A_506, %swap3A_507] {strides = array<i32>} : memref<64x16xf32, #tpu.memory_space<vmem>>, vector<16xf32>,
    tpu.vector_store %arg15[%swap3A_506, %swap3A_507], %mul3A_504 {strides = array<i32>} : memref<64x16xf32, #tpu.memory_space<vmem>>, vector<16xf32>,
    %get3A_509 = arith.constant 33 : i32
    %get3A_510 = arith.index_cast %get3A_509 : i32 to index
    %get3A_511 = arith.constant 0 : index
    %get3A_512 = tpu.vector_load %arg13[%get3A_510, %get3A_511] {strides = array<i32>} : memref<64x16xi32, #tpu.memory_space<vmem>>, vector<16xi32>,
    %gather3A_513 = tpu.vector_load_idx %arg14[%get3A_512] : memref<128xf32, #tpu.memory_space<vmem>>[vector<16xi32>], vector<16xf32>,
    %mul3A_514 = arith.mulf %gather3A_513, %div3A : vector<16xf32>
    %swap3A_515 = arith.constant 33 : i32
    %swap3A_516 = arith.index_cast %swap3A_515 : i32 to index
    %swap3A_517 = arith.constant 0 : index
    %swap3A_518 = tpu.vector_load %arg15[%swap3A_516, %swap3A_517] {strides = array<i32>} : memref<64x16xf32, #tpu.memory_space<vmem>>, vector<16xf32>,
    tpu.vector_store %arg15[%swap3A_516, %swap3A_517], %mul3A_514 {strides = array<i32>} : memref<64x16xf32, #tpu.memory_space<vmem>>, vector<16xf32>,
    %get3A_519 = arith.constant 34 : i32
    %get3A_520 = arith.index_cast %get3A_519 : i32 to index
    %get3A_521 = arith.constant 0 : index
    %get3A_522 = tpu.vector_load %arg13[%get3A_520, %get3A_521] {strides = array<i32>} : memref<64x16xi32, #tpu.memory_space<vmem>>, vector<16xi32>,
    %gather3A_523 = tpu.vector_load_idx %arg14[%get3A_522] : memref<128xf32, #tpu.memory_space<vmem>>[vector<16xi32>], vector<16xf32>,
    %mul3A_524 = arith.mulf %gather3A_523, %div3A : vector<16xf32>
    %swap3A_525 = arith.constant 34 : i32
    %swap3A_526 = arith.index_cast %swap3A_525 : i32 to index
    %swap3A_527 = arith.constant 0 : index
    %swap3A_528 = tpu.vector_load %arg15[%swap3A_526, %swap3A_527] {strides = array<i32>} : memref<64x16xf32, #tpu.memory_space<vmem>>, vector<16xf32>,
    tpu.vector_store %arg15[%swap3A_526, %swap3A_527], %mul3A_524 {strides = array<i32>} : memref<64x16xf32, #tpu.memory_space<vmem>>, vector<16xf32>,
    %get3A_529 = arith.constant 35 : i32
    %get3A_530 = arith.index_cast %get3A_529 : i32 to index
    %get3A_531 = arith.constant 0 : index
    %get3A_532 = tpu.vector_load %arg13[%get3A_530, %get3A_531] {strides = array<i32>} : memref<64x16xi32, #tpu.memory_space<vmem>>, vector<16xi32>,
    %gather3A_533 = tpu.vector_load_idx %arg14[%get3A_532] : memref<128xf32, #tpu.memory_space<vmem>>[vector<16xi32>], vector<16xf32>,
    %mul3A_534 = arith.mulf %gather3A_533, %div3A : vector<16xf32>
    %swap3A_535 = arith.constant 35 : i32
    %swap3A_536 = arith.index_cast %swap3A_535 : i32 to index
    %swap3A_537 = arith.constant 0 : index
    %swap3A_538 = tpu.vector_load %arg15[%swap3A_536, %swap3A_537] {strides = array<i32>} : memref<64x16xf32, #tpu.memory_space<vmem>>, vector<16xf32>,
    tpu.vector_store %arg15[%swap3A_536, %swap3A_537], %mul3A_534 {strides = array<i32>} : memref<64x16xf32, #tpu.memory_space<vmem>>, vector<16xf32>,
    %get3A_539 = arith.constant 36 : i32
    %get3A_540 = arith.index_cast %get3A_539 : i32 to index
    %get3A_541 = arith.constant 0 : index
    %get3A_542 = tpu.vector_load %arg13[%get3A_540, %get3A_541] {strides = array<i32>} : memref<64x16xi32, #tpu.memory_space<vmem>>, vector<16xi32>,
    %gather3A_543 = tpu.vector_load_idx %arg14[%get3A_542] : memref<128xf32, #tpu.memory_space<vmem>>[vector<16xi32>], vector<16xf32>,
    %mul3A_544 = arith.mulf %gather3A_543, %div3A : vector<16xf32>
    %swap3A_545 = arith.constant 36 : i32
    %swap3A_546 = arith.index_cast %swap3A_545 : i32 to index
    %swap3A_547 = arith.constant 0 : index
    %swap3A_548 = tpu.vector_load %arg15[%swap3A_546, %swap3A_547] {strides = array<i32>} : memref<64x16xf32, #tpu.memory_space<vmem>>, vector<16xf32>,
    tpu.vector_store %arg15[%swap3A_546, %swap3A_547], %mul3A_544 {strides = array<i32>} : memref<64x16xf32, #tpu.memory_space<vmem>>, vector<16xf32>,
    %get3A_549 = arith.constant 37 : i32
    %get3A_550 = arith.index_cast %get3A_549 : i32 to index
    %get3A_551 = arith.constant 0 : index
    %get3A_552 = tpu.vector_load %arg13[%get3A_550, %get3A_551] {strides = array<i32>} : memref<64x16xi32, #tpu.memory_space<vmem>>, vector<16xi32>,
    %gather3A_553 = tpu.vector_load_idx %arg14[%get3A_552] : memref<128xf32, #tpu.memory_space<vmem>>[vector<16xi32>], vector<16xf32>,
    %mul3A_554 = arith.mulf %gather3A_553, %div3A : vector<16xf32>
    %swap3A_555 = arith.constant 37 : i32
    %swap3A_556 = arith.index_cast %swap3A_555 : i32 to index
    %swap3A_557 = arith.constant 0 : index
    %swap3A_558 = tpu.vector_load %arg15[%swap3A_556, %swap3A_557] {strides = array<i32>} : memref<64x16xf32, #tpu.memory_space<vmem>>, vector<16xf32>,
    tpu.vector_store %arg15[%swap3A_556, %swap3A_557], %mul3A_554 {strides = array<i32>} : memref<64x16xf32, #tpu.memory_space<vmem>>, vector<16xf32>,
    %get3A_559 = arith.constant 38 : i32
    %get3A_560 = arith.index_cast %get3A_559 : i32 to index
    %get3A_561 = arith.constant 0 : index
    %get3A_562 = tpu.vector_load %arg13[%get3A_560, %get3A_561] {strides = array<i32>} : memref<64x16xi32, #tpu.memory_space<vmem>>, vector<16xi32>,
    %gather3A_563 = tpu.vector_load_idx %arg14[%get3A_562] : memref<128xf32, #tpu.memory_space<vmem>>[vector<16xi32>], vector<16xf32>,
    %mul3A_564 = arith.mulf %gather3A_563, %div3A : vector<16xf32>
    %swap3A_565 = arith.constant 38 : i32
    %swap3A_566 = arith.index_cast %swap3A_565 : i32 to index
    %swap3A_567 = arith.constant 0 : index
    %swap3A_568 = tpu.vector_load %arg15[%swap3A_566, %swap3A_567] {strides = array<i32>} : memref<64x16xf32, #tpu.memory_space<vmem>>, vector<16xf32>,
    tpu.vector_store %arg15[%swap3A_566, %swap3A_567], %mul3A_564 {strides = array<i32>} : memref<64x16xf32, #tpu.memory_space<vmem>>, vector<16xf32>,
    %get3A_569 = arith.constant 39 : i32
    %get3A_570 = arith.index_cast %get3A_569 : i32 to index
    %get3A_571 = arith.constant 0 : index
    %get3A_572 = tpu.vector_load %arg13[%get3A_570, %get3A_571] {strides = array<i32>} : memref<64x16xi32, #tpu.memory_space<vmem>>, vector<16xi32>,
    %gather3A_573 = tpu.vector_load_idx %arg14[%get3A_572] : memref<128xf32, #tpu.memory_space<vmem>>[vector<16xi32>], vector<16xf32>,
    %mul3A_574 = arith.mulf %gather3A_573, %div3A : vector<16xf32>
    %swap3A_575 = arith.constant 39 : i32
    %swap3A_576 = arith.index_cast %swap3A_575 : i32 to index
    %swap3A_577 = arith.constant 0 : index
    %swap3A_578 = tpu.vector_load %arg15[%swap3A_576, %swap3A_577] {strides = array<i32>} : memref<64x16xf32, #tpu.memory_space<vmem>>, vector<16xf32>,
    tpu.vector_store %arg15[%swap3A_576, %swap3A_577], %mul3A_574 {strides = array<i32>} : memref<64x16xf32, #tpu.memory_space<vmem>>, vector<16xf32>,
    %get3A_579 = arith.constant 40 : i32
    %get3A_580 = arith.index_cast %get3A_579 : i32 to index
    %get3A_581 = arith.constant 0 : index
    %get3A_582 = tpu.vector_load %arg13[%get3A_580, %get3A_581] {strides = array<i32>} : memref<64x16xi32, #tpu.memory_space<vmem>>, vector<16xi32>,
    %gather3A_583 = tpu.vector_load_idx %arg14[%get3A_582] : memref<128xf32, #tpu.memory_space<vmem>>[vector<16xi32>], vector<16xf32>,
    %mul3A_584 = arith.mulf %gather3A_583, %div3A : vector<16xf32>
    %swap3A_585 = arith.constant 40 : i32
    %swap3A_586 = arith.index_cast %swap3A_585 : i32 to index
    %swap3A_587 = arith.constant 0 : index
    %swap3A_588 = tpu.vector_load %arg15[%swap3A_586, %swap3A_587] {strides = array<i32>} : memref<64x16xf32, #tpu.memory_space<vmem>>, vector<16xf32>,
    tpu.vector_store %arg15[%swap3A_586, %swap3A_587], %mul3A_584 {strides = array<i32>} : memref<64x16xf32, #tpu.memory_space<vmem>>, vector<16xf32>,
    %get3A_589 = arith.constant 41 : i32
    %get3A_590 = arith.index_cast %get3A_589 : i32 to index
    %get3A_591 = arith.constant 0 : index
    %get3A_592 = tpu.vector_load %arg13[%get3A_590, %get3A_591] {strides = array<i32>} : memref<64x16xi32, #tpu.memory_space<vmem>>, vector<16xi32>,
    %gather3A_593 = tpu.vector_load_idx %arg14[%get3A_592] : memref<128xf32, #tpu.memory_space<vmem>>[vector<16xi32>], vector<16xf32>,
    %mul3A_594 = arith.mulf %gather3A_593, %div3A : vector<16xf32>
    %swap3A_595 = arith.constant 41 : i32
    %swap3A_596 = arith.index_cast %swap3A_595 : i32 to index
    %swap3A_597 = arith.constant 0 : index
    %swap3A_598 = tpu.vector_load %arg15[%swap3A_596, %swap3A_597] {strides = array<i32>} : memref<64x16xf32, #tpu.memory_space<vmem>>, vector<16xf32>,
    tpu.vector_store %arg15[%swap3A_596, %swap3A_597], %mul3A_594 {strides = array<i32>} : memref<64x16xf32, #tpu.memory_space<vmem>>, vector<16xf32>,
    %get3A_599 = arith.constant 42 : i32
    %get3A_600 = arith.index_cast %get3A_599 : i32 to index
    %get3A_601 = arith.constant 0 : index
    %get3A_602 = tpu.vector_load %arg13[%get3A_600, %get3A_601] {strides = array<i32>} : memref<64x16xi32, #tpu.memory_space<vmem>>, vector<16xi32>,
    %gather3A_603 = tpu.vector_load_idx %arg14[%get3A_602] : memref<128xf32, #tpu.memory_space<vmem>>[vector<16xi32>], vector<16xf32>,
    %mul3A_604 = arith.mulf %gather3A_603, %div3A : vector<16xf32>
    %swap3A_605 = arith.constant 42 : i32
    %swap3A_606 = arith.index_cast %swap3A_605 : i32 to index
    %swap3A_607 = arith.constant 0 : index
    %swap3A_608 = tpu.vector_load %arg15[%swap3A_606, %swap3A_607] {strides = array<i32>} : memref<64x16xf32, #tpu.memory_space<vmem>>, vector<16xf32>,
    tpu.vector_store %arg15[%swap3A_606, %swap3A_607], %mul3A_604 {strides = array<i32>} : memref<64x16xf32, #tpu.memory_space<vmem>>, vector<16xf32>,
    %get3A_609 = arith.constant 43 : i32
    %get3A_610 = arith.index_cast %get3A_609 : i32 to index
    %get3A_611 = arith.constant 0 : index
    %get3A_612 = tpu.vector_load %arg13[%get3A_610, %get3A_611] {strides = array<i32>} : memref<64x16xi32, #tpu.memory_space<vmem>>, vector<16xi32>,
    %gather3A_613 = tpu.vector_load_idx %arg14[%get3A_612] : memref<128xf32, #tpu.memory_space<vmem>>[vector<16xi32>], vector<16xf32>,
    %mul3A_614 = arith.mulf %gather3A_613, %div3A : vector<16xf32>
    %swap3A_615 = arith.constant 43 : i32
    %swap3A_616 = arith.index_cast %swap3A_615 : i32 to index
    %swap3A_617 = arith.constant 0 : index
    %swap3A_618 = tpu.vector_load %arg15[%swap3A_616, %swap3A_617] {strides = array<i32>} : memref<64x16xf32, #tpu.memory_space<vmem>>, vector<16xf32>,
    tpu.vector_store %arg15[%swap3A_616, %swap3A_617], %mul3A_614 {strides = array<i32>} : memref<64x16xf32, #tpu.memory_space<vmem>>, vector<16xf32>,
    %get3A_619 = arith.constant 44 : i32
    %get3A_620 = arith.index_cast %get3A_619 : i32 to index
    %get3A_621 = arith.constant 0 : index
    %get3A_622 = tpu.vector_load %arg13[%get3A_620, %get3A_621] {strides = array<i32>} : memref<64x16xi32, #tpu.memory_space<vmem>>, vector<16xi32>,
    %gather3A_623 = tpu.vector_load_idx %arg14[%get3A_622] : memref<128xf32, #tpu.memory_space<vmem>>[vector<16xi32>], vector<16xf32>,
    %mul3A_624 = arith.mulf %gather3A_623, %div3A : vector<16xf32>
    %swap3A_625 = arith.constant 44 : i32
    %swap3A_626 = arith.index_cast %swap3A_625 : i32 to index
    %swap3A_627 = arith.constant 0 : index
    %swap3A_628 = tpu.vector_load %arg15[%swap3A_626, %swap3A_627] {strides = array<i32>} : memref<64x16xf32, #tpu.memory_space<vmem>>, vector<16xf32>,
    tpu.vector_store %arg15[%swap3A_626, %swap3A_627], %mul3A_624 {strides = array<i32>} : memref<64x16xf32, #tpu.memory_space<vmem>>, vector<16xf32>,
    %get3A_629 = arith.constant 45 : i32
    %get3A_630 = arith.index_cast %get3A_629 : i32 to index
    %get3A_631 = arith.constant 0 : index
    %get3A_632 = tpu.vector_load %arg13[%get3A_630, %get3A_631] {strides = array<i32>} : memref<64x16xi32, #tpu.memory_space<vmem>>, vector<16xi32>,
    %gather3A_633 = tpu.vector_load_idx %arg14[%get3A_632] : memref<128xf32, #tpu.memory_space<vmem>>[vector<16xi32>], vector<16xf32>,
    %mul3A_634 = arith.mulf %gather3A_633, %div3A : vector<16xf32>
    %swap3A_635 = arith.constant 45 : i32
    %swap3A_636 = arith.index_cast %swap3A_635 : i32 to index
    %swap3A_637 = arith.constant 0 : index
    %swap3A_638 = tpu.vector_load %arg15[%swap3A_636, %swap3A_637] {strides = array<i32>} : memref<64x16xf32, #tpu.memory_space<vmem>>, vector<16xf32>,
    tpu.vector_store %arg15[%swap3A_636, %swap3A_637], %mul3A_634 {strides = array<i32>} : memref<64x16xf32, #tpu.memory_space<vmem>>, vector<16xf32>,
    %get3A_639 = arith.constant 46 : i32
    %get3A_640 = arith.index_cast %get3A_639 : i32 to index
    %get3A_641 = arith.constant 0 : index
    %get3A_642 = tpu.vector_load %arg13[%get3A_640, %get3A_641] {strides = array<i32>} : memref<64x16xi32, #tpu.memory_space<vmem>>, vector<16xi32>,
    %gather3A_643 = tpu.vector_load_idx %arg14[%get3A_642] : memref<128xf32, #tpu.memory_space<vmem>>[vector<16xi32>], vector<16xf32>,
    %mul3A_644 = arith.mulf %gather3A_643, %div3A : vector<16xf32>
    %swap3A_645 = arith.constant 46 : i32
    %swap3A_646 = arith.index_cast %swap3A_645 : i32 to index
    %swap3A_647 = arith.constant 0 : index
    %swap3A_648 = tpu.vector_load %arg15[%swap3A_646, %swap3A_647] {strides = array<i32>} : memref<64x16xf32, #tpu.memory_space<vmem>>, vector<16xf32>,
    tpu.vector_store %arg15[%swap3A_646, %swap3A_647], %mul3A_644 {strides = array<i32>} : memref<64x16xf32, #tpu.memory_space<vmem>>, vector<16xf32>,
    %get3A_649 = arith.constant 47 : i32
    %get3A_650 = arith.index_cast %get3A_649 : i32 to index
    %get3A_651 = arith.constant 0 : index
    %get3A_652 = tpu.vector_load %arg13[%get3A_650, %get3A_651] {strides = array<i32>} : memref<64x16xi32, #tpu.memory_space<vmem>>, vector<16xi32>,
    %gather3A_653 = tpu.vector_load_idx %arg14[%get3A_652] : memref<128xf32, #tpu.memory_space<vmem>>[vector<16xi32>], vector<16xf32>,
    %mul3A_654 = arith.mulf %gather3A_653, %div3A : vector<16xf32>
    %swap3A_655 = arith.constant 47 : i32
    %swap3A_656 = arith.index_cast %swap3A_655 : i32 to index
    %swap3A_657 = arith.constant 0 : index
    %swap3A_658 = tpu.vector_load %arg15[%swap3A_656, %swap3A_657] {strides = array<i32>} : memref<64x16xf32, #tpu.memory_space<vmem>>, vector<16xf32>,
    tpu.vector_store %arg15[%swap3A_656, %swap3A_657], %mul3A_654 {strides = array<i32>} : memref<64x16xf32, #tpu.memory_space<vmem>>, vector<16xf32>,
    %get3A_659 = arith.constant 48 : i32
    %get3A_660 = arith.index_cast %get3A_659 : i32 to index
    %get3A_661 = arith.constant 0 : index
    %get3A_662 = tpu.vector_load %arg13[%get3A_660, %get3A_661] {strides = array<i32>} : memref<64x16xi32, #tpu.memory_space<vmem>>, vector<16xi32>,
    %gather3A_663 = tpu.vector_load_idx %arg14[%get3A_662] : memref<128xf32, #tpu.memory_space<vmem>>[vector<16xi32>], vector<16xf32>,
    %mul3A_664 = arith.mulf %gather3A_663, %div3A : vector<16xf32>
    %swap3A_665 = arith.constant 48 : i32
    %swap3A_666 = arith.index_cast %swap3A_665 : i32 to index
    %swap3A_667 = arith.constant 0 : index
    %swap3A_668 = tpu.vector_load %arg15[%swap3A_666, %swap3A_667] {strides = array<i32>} : memref<64x16xf32, #tpu.memory_space<vmem>>, vector<16xf32>,
    tpu.vector_store %arg15[%swap3A_666, %swap3A_667], %mul3A_664 {strides = array<i32>} : memref<64x16xf32, #tpu.memory_space<vmem>>, vector<16xf32>,
    %get3A_669 = arith.constant 49 : i32
    %get3A_670 = arith.index_cast %get3A_669 : i32 to index
    %get3A_671 = arith.constant 0 : index
    %get3A_672 = tpu.vector_load %arg13[%get3A_670, %get3A_671] {strides = array<i32>} : memref<64x16xi32, #tpu.memory_space<vmem>>, vector<16xi32>,
    %gather3A_673 = tpu.vector_load_idx %arg14[%get3A_672] : memref<128xf32, #tpu.memory_space<vmem>>[vector<16xi32>], vector<16xf32>,
    %mul3A_674 = arith.mulf %gather3A_673, %div3A : vector<16xf32>
    %swap3A_675 = arith.constant 49 : i32
    %swap3A_676 = arith.index_cast %swap3A_675 : i32 to index
    %swap3A_677 = arith.constant 0 : index
    %swap3A_678 = tpu.vector_load %arg15[%swap3A_676, %swap3A_677] {strides = array<i32>} : memref<64x16xf32, #tpu.memory_space<vmem>>, vector<16xf32>,
    tpu.vector_store %arg15[%swap3A_676, %swap3A_677], %mul3A_674 {strides = array<i32>} : memref<64x16xf32, #tpu.memory_space<vmem>>, vector<16xf32>,
    %get3A_679 = arith.constant 50 : i32
    %get3A_680 = arith.index_cast %get3A_679 : i32 to index
    %get3A_681 = arith.constant 0 : index
    %get3A_682 = tpu.vector_load %arg13[%get3A_680, %get3A_681] {strides = array<i32>} : memref<64x16xi32, #tpu.memory_space<vmem>>, vector<16xi32>,
    %gather3A_683 = tpu.vector_load_idx %arg14[%get3A_682] : memref<128xf32, #tpu.memory_space<vmem>>[vector<16xi32>], vector<16xf32>,
    %mul3A_684 = arith.mulf %gather3A_683, %div3A : vector<16xf32>
    %swap3A_685 = arith.constant 50 : i32
    %swap3A_686 = arith.index_cast %swap3A_685 : i32 to index
    %swap3A_687 = arith.constant 0 : index
    %swap3A_688 = tpu.vector_load %arg15[%swap3A_686, %swap3A_687] {strides = array<i32>} : memref<64x16xf32, #tpu.memory_space<vmem>>, vector<16xf32>,
    tpu.vector_store %arg15[%swap3A_686, %swap3A_687], %mul3A_684 {strides = array<i32>} : memref<64x16xf32, #tpu.memory_space<vmem>>, vector<16xf32>,
    %get3A_689 = arith.constant 51 : i32
    %get3A_690 = arith.index_cast %get3A_689 : i32 to index
    %get3A_691 = arith.constant 0 : index
    %get3A_692 = tpu.vector_load %arg13[%get3A_690, %get3A_691] {strides = array<i32>} : memref<64x16xi32, #tpu.memory_space<vmem>>, vector<16xi32>,
    %gather3A_693 = tpu.vector_load_idx %arg14[%get3A_692] : memref<128xf32, #tpu.memory_space<vmem>>[vector<16xi32>], vector<16xf32>,
    %mul3A_694 = arith.mulf %gather3A_693, %div3A : vector<16xf32>
    %swap3A_695 = arith.constant 51 : i32
    %swap3A_696 = arith.index_cast %swap3A_695 : i32 to index
    %swap3A_697 = arith.constant 0 : index
    %swap3A_698 = tpu.vector_load %arg15[%swap3A_696, %swap3A_697] {strides = array<i32>} : memref<64x16xf32, #tpu.memory_space<vmem>>, vector<16xf32>,
    tpu.vector_store %arg15[%swap3A_696, %swap3A_697], %mul3A_694 {strides = array<i32>} : memref<64x16xf32, #tpu.memory_space<vmem>>, vector<16xf32>,
    %get3A_699 = arith.constant 52 : i32
    %get3A_700 = arith.index_cast %get3A_699 : i32 to index
    %get3A_701 = arith.constant 0 : index
    %get3A_702 = tpu.vector_load %arg13[%get3A_700, %get3A_701] {strides = array<i32>} : memref<64x16xi32, #tpu.memory_space<vmem>>, vector<16xi32>,
    %gather3A_703 = tpu.vector_load_idx %arg14[%get3A_702] : memref<128xf32, #tpu.memory_space<vmem>>[vector<16xi32>], vector<16xf32>,
    %mul3A_704 = arith.mulf %gather3A_703, %div3A : vector<16xf32>
    %swap3A_705 = arith.constant 52 : i32
    %swap3A_706 = arith.index_cast %swap3A_705 : i32 to index
    %swap3A_707 = arith.constant 0 : index
    %swap3A_708 = tpu.vector_load %arg15[%swap3A_706, %swap3A_707] {strides = array<i32>} : memref<64x16xf32, #tpu.memory_space<vmem>>, vector<16xf32>,
    tpu.vector_store %arg15[%swap3A_706, %swap3A_707], %mul3A_704 {strides = array<i32>} : memref<64x16xf32, #tpu.memory_space<vmem>>, vector<16xf32>,
    %get3A_709 = arith.constant 53 : i32
    %get3A_710 = arith.index_cast %get3A_709 : i32 to index
    %get3A_711 = arith.constant 0 : index
    %get3A_712 = tpu.vector_load %arg13[%get3A_710, %get3A_711] {strides = array<i32>} : memref<64x16xi32, #tpu.memory_space<vmem>>, vector<16xi32>,
    %gather3A_713 = tpu.vector_load_idx %arg14[%get3A_712] : memref<128xf32, #tpu.memory_space<vmem>>[vector<16xi32>], vector<16xf32>,
    %mul3A_714 = arith.mulf %gather3A_713, %div3A : vector<16xf32>
    %swap3A_715 = arith.constant 53 : i32
    %swap3A_716 = arith.index_cast %swap3A_715 : i32 to index
    %swap3A_717 = arith.constant 0 : index
    %swap3A_718 = tpu.vector_load %arg15[%swap3A_716, %swap3A_717] {strides = array<i32>} : memref<64x16xf32, #tpu.memory_space<vmem>>, vector<16xf32>,
    tpu.vector_store %arg15[%swap3A_716, %swap3A_717], %mul3A_714 {strides = array<i32>} : memref<64x16xf32, #tpu.memory_space<vmem>>, vector<16xf32>,
    %get3A_719 = arith.constant 54 : i32
    %get3A_720 = arith.index_cast %get3A_719 : i32 to index
    %get3A_721 = arith.constant 0 : index
    %get3A_722 = tpu.vector_load %arg13[%get3A_720, %get3A_721] {strides = array<i32>} : memref<64x16xi32, #tpu.memory_space<vmem>>, vector<16xi32>,
    %gather3A_723 = tpu.vector_load_idx %arg14[%get3A_722] : memref<128xf32, #tpu.memory_space<vmem>>[vector<16xi32>], vector<16xf32>,
    %mul3A_724 = arith.mulf %gather3A_723, %div3A : vector<16xf32>
    %swap3A_725 = arith.constant 54 : i32
    %swap3A_726 = arith.index_cast %swap3A_725 : i32 to index
    %swap3A_727 = arith.constant 0 : index
    %swap3A_728 = tpu.vector_load %arg15[%swap3A_726, %swap3A_727] {strides = array<i32>} : memref<64x16xf32, #tpu.memory_space<vmem>>, vector<16xf32>,
    tpu.vector_store %arg15[%swap3A_726, %swap3A_727], %mul3A_724 {strides = array<i32>} : memref<64x16xf32, #tpu.memory_space<vmem>>, vector<16xf32>,
    %get3A_729 = arith.constant 55 : i32
    %get3A_730 = arith.index_cast %get3A_729 : i32 to index
    %get3A_731 = arith.constant 0 : index
    %get3A_732 = tpu.vector_load %arg13[%get3A_730, %get3A_731] {strides = array<i32>} : memref<64x16xi32, #tpu.memory_space<vmem>>, vector<16xi32>,
    %gather3A_733 = tpu.vector_load_idx %arg14[%get3A_732] : memref<128xf32, #tpu.memory_space<vmem>>[vector<16xi32>], vector<16xf32>,
    %mul3A_734 = arith.mulf %gather3A_733, %div3A : vector<16xf32>
    %swap3A_735 = arith.constant 55 : i32
    %swap3A_736 = arith.index_cast %swap3A_735 : i32 to index
    %swap3A_737 = arith.constant 0 : index
    %swap3A_738 = tpu.vector_load %arg15[%swap3A_736, %swap3A_737] {strides = array<i32>} : memref<64x16xf32, #tpu.memory_space<vmem>>, vector<16xf32>,
    tpu.vector_store %arg15[%swap3A_736, %swap3A_737], %mul3A_734 {strides = array<i32>} : memref<64x16xf32, #tpu.memory_space<vmem>>, vector<16xf32>,
    %get3A_739 = arith.constant 56 : i32
    %get3A_740 = arith.index_cast %get3A_739 : i32 to index
    %get3A_741 = arith.constant 0 : index
    %get3A_742 = tpu.vector_load %arg13[%get3A_740, %get3A_741] {strides = array<i32>} : memref<64x16xi32, #tpu.memory_space<vmem>>, vector<16xi32>,
    %gather3A_743 = tpu.vector_load_idx %arg14[%get3A_742] : memref<128xf32, #tpu.memory_space<vmem>>[vector<16xi32>], vector<16xf32>,
    %mul3A_744 = arith.mulf %gather3A_743, %div3A : vector<16xf32>
    %swap3A_745 = arith.constant 56 : i32
    %swap3A_746 = arith.index_cast %swap3A_745 : i32 to index
    %swap3A_747 = arith.constant 0 : index
    %swap3A_748 = tpu.vector_load %arg15[%swap3A_746, %swap3A_747] {strides = array<i32>} : memref<64x16xf32, #tpu.memory_space<vmem>>, vector<16xf32>,
    tpu.vector_store %arg15[%swap3A_746, %swap3A_747], %mul3A_744 {strides = array<i32>} : memref<64x16xf32, #tpu.memory_space<vmem>>, vector<16xf32>,
    %get3A_749 = arith.constant 57 : i32
    %get3A_750 = arith.index_cast %get3A_749 : i32 to index
    %get3A_751 = arith.constant 0 : index
    %get3A_752 = tpu.vector_load %arg13[%get3A_750, %get3A_751] {strides = array<i32>} : memref<64x16xi32, #tpu.memory_space<vmem>>, vector<16xi32>,
    %gather3A_753 = tpu.vector_load_idx %arg14[%get3A_752] : memref<128xf32, #tpu.memory_space<vmem>>[vector<16xi32>], vector<16xf32>,
    %mul3A_754 = arith.mulf %gather3A_753, %div3A : vector<16xf32>
    %swap3A_755 = arith.constant 57 : i32
    %swap3A_756 = arith.index_cast %swap3A_755 : i32 to index
    %swap3A_757 = arith.constant 0 : index
    %swap3A_758 = tpu.vector_load %arg15[%swap3A_756, %swap3A_757] {strides = array<i32>} : memref<64x16xf32, #tpu.memory_space<vmem>>, vector<16xf32>,
    tpu.vector_store %arg15[%swap3A_756, %swap3A_757], %mul3A_754 {strides = array<i32>} : memref<64x16xf32, #tpu.memory_space<vmem>>, vector<16xf32>,
    %get3A_759 = arith.constant 58 : i32
    %get3A_760 = arith.index_cast %get3A_759 : i32 to index
    %get3A_761 = arith.constant 0 : index
    %get3A_762 = tpu.vector_load %arg13[%get3A_760, %get3A_761] {strides = array<i32>} : memref<64x16xi32, #tpu.memory_space<vmem>>, vector<16xi32>,
    %gather3A_763 = tpu.vector_load_idx %arg14[%get3A_762] : memref<128xf32, #tpu.memory_space<vmem>>[vector<16xi32>], vector<16xf32>,
    %mul3A_764 = arith.mulf %gather3A_763, %div3A : vector<16xf32>
    %swap3A_765 = arith.constant 58 : i32
    %swap3A_766 = arith.index_cast %swap3A_765 : i32 to index
    %swap3A_767 = arith.constant 0 : index
    %swap3A_768 = tpu.vector_load %arg15[%swap3A_766, %swap3A_767] {strides = array<i32>} : memref<64x16xf32, #tpu.memory_space<vmem>>, vector<16xf32>,
    tpu.vector_store %arg15[%swap3A_766, %swap3A_767], %mul3A_764 {strides = array<i32>} : memref<64x16xf32, #tpu.memory_space<vmem>>, vector<16xf32>,
    %get3A_769 = arith.constant 59 : i32
    %get3A_770 = arith.index_cast %get3A_769 : i32 to index
    %get3A_771 = arith.constant 0 : index
    %get3A_772 = tpu.vector_load %arg13[%get3A_770, %get3A_771] {strides = array<i32>} : memref<64x16xi32, #tpu.memory_space<vmem>>, vector<16xi32>,
    %gather3A_773 = tpu.vector_load_idx %arg14[%get3A_772] : memref<128xf32, #tpu.memory_space<vmem>>[vector<16xi32>], vector<16xf32>,
    %mul3A_774 = arith.mulf %gather3A_773, %div3A : vector<16xf32>
    %swap3A_775 = arith.constant 59 : i32
    %swap3A_776 = arith.index_cast %swap3A_775 : i32 to index
    %swap3A_777 = arith.constant 0 : index
    %swap3A_778 = tpu.vector_load %arg15[%swap3A_776, %swap3A_777] {strides = array<i32>} : memref<64x16xf32, #tpu.memory_space<vmem>>, vector<16xf32>,
    tpu.vector_store %arg15[%swap3A_776, %swap3A_777], %mul3A_774 {strides = array<i32>} : memref<64x16xf32, #tpu.memory_space<vmem>>, vector<16xf32>,
    %get3A_779 = arith.constant 60 : i32
    %get3A_780 = arith.index_cast %get3A_779 : i32 to index
    %get3A_781 = arith.constant 0 : index
    %get3A_782 = tpu.vector_load %arg13[%get3A_780, %get3A_781] {strides = array<i32>} : memref<64x16xi32, #tpu.memory_space<vmem>>, vector<16xi32>,
    %gather3A_783 = tpu.vector_load_idx %arg14[%get3A_782] : memref<128xf32, #tpu.memory_space<vmem>>[vector<16xi32>], vector<16xf32>,
    %mul3A_784 = arith.mulf %gather3A_783, %div3A : vector<16xf32>
    %swap3A_785 = arith.constant 60 : i32
    %swap3A_786 = arith.index_cast %swap3A_785 : i32 to index
    %swap3A_787 = arith.constant 0 : index
    %swap3A_788 = tpu.vector_load %arg15[%swap3A_786, %swap3A_787] {strides = array<i32>} : memref<64x16xf32, #tpu.memory_space<vmem>>, vector<16xf32>,
    tpu.vector_store %arg15[%swap3A_786, %swap3A_787], %mul3A_784 {strides = array<i32>} : memref<64x16xf32, #tpu.memory_space<vmem>>, vector<16xf32>,
    %get3A_789 = arith.constant 61 : i32
    %get3A_790 = arith.index_cast %get3A_789 : i32 to index
    %get3A_791 = arith.constant 0 : index
    %get3A_792 = tpu.vector_load %arg13[%get3A_790, %get3A_791] {strides = array<i32>} : memref<64x16xi32, #tpu.memory_space<vmem>>, vector<16xi32>,
    %gather3A_793 = tpu.vector_load_idx %arg14[%get3A_792] : memref<128xf32, #tpu.memory_space<vmem>>[vector<16xi32>], vector<16xf32>,
    %mul3A_794 = arith.mulf %gather3A_793, %div3A : vector<16xf32>
    %swap3A_795 = arith.constant 61 : i32
    %swap3A_796 = arith.index_cast %swap3A_795 : i32 to index
    %swap3A_797 = arith.constant 0 : index
    %swap3A_798 = tpu.vector_load %arg15[%swap3A_796, %swap3A_797] {strides = array<i32>} : memref<64x16xf32, #tpu.memory_space<vmem>>, vector<16xf32>,
    tpu.vector_store %arg15[%swap3A_796, %swap3A_797], %mul3A_794 {strides = array<i32>} : memref<64x16xf32, #tpu.memory_space<vmem>>, vector<16xf32>,
    %get3A_799 = arith.constant 62 : i32
    %get3A_800 = arith.index_cast %get3A_799 : i32 to index
    %get3A_801 = arith.constant 0 : index
    %get3A_802 = tpu.vector_load %arg13[%get3A_800, %get3A_801] {strides = array<i32>} : memref<64x16xi32, #tpu.memory_space<vmem>>, vector<16xi32>,
    %gather3A_803 = tpu.vector_load_idx %arg14[%get3A_802] : memref<128xf32, #tpu.memory_space<vmem>>[vector<16xi32>], vector<16xf32>,
    %mul3A_804 = arith.mulf %gather3A_803, %div3A : vector<16xf32>
    %swap3A_805 = arith.constant 62 : i32
    %swap3A_806 = arith.index_cast %swap3A_805 : i32 to index
    %swap3A_807 = arith.constant 0 : index
    %swap3A_808 = tpu.vector_load %arg15[%swap3A_806, %swap3A_807] {strides = array<i32>} : memref<64x16xf32, #tpu.memory_space<vmem>>, vector<16xf32>,
    tpu.vector_store %arg15[%swap3A_806, %swap3A_807], %mul3A_804 {strides = array<i32>} : memref<64x16xf32, #tpu.memory_space<vmem>>, vector<16xf32>,
    %get3A_809 = arith.constant 63 : i32
    %get3A_810 = arith.index_cast %get3A_809 : i32 to index
    %get3A_811 = arith.constant 0 : index
    %get3A_812 = tpu.vector_load %arg13[%get3A_810, %get3A_811] {strides = array<i32>} : memref<64x16xi32, #tpu.memory_space<vmem>>, vector<16xi32>,
    %gather3A_813 = tpu.vector_load_idx %arg14[%get3A_812] : memref<128xf32, #tpu.memory_space<vmem>>[vector<16xi32>], vector<16xf32>,
    %mul3A_814 = arith.mulf %gather3A_813, %div3A : vector<16xf32>
    %swap3A_815 = arith.constant 63 : i32
    %swap3A_816 = arith.index_cast %swap3A_815 : i32 to index
    %swap3A_817 = arith.constant 0 : index
    %swap3A_818 = tpu.vector_load %arg15[%swap3A_816, %swap3A_817] {strides = array<i32>} : memref<64x16xf32, #tpu.memory_space<vmem>>, vector<16xf32>,
    tpu.vector_store %arg15[%swap3A_816, %swap3A_817], %mul3A_814 {strides = array<i32>} : memref<64x16xf32, #tpu.memory_space<vmem>>, vector<16xf32>,
    %mul3A_819 = arith.constant 64 : i32
    %mul3A_820 = arith.muli %add3A, %mul3A_819 : i32
    "tpu.region"() ({
      %run_scoped3A = tpu.sem_alloc : memref<!tpu.dma_semaphore, #tpu.memory_space<semaphore_mem>>
      %dma_start3A_855 = arith.constant 0 : i32
      %dma_start3A_856 = tpu.memref_slice %arg7[%mul3A_820, %dma_start3A_855] : memref<2048x16xf32, #tpu.memory_space<hbm>> -> memref<64x16xf32, #tpu.memory_space<hbm>>
      %dma_start3A_857 = arith.constant 0 : i32
      %dma_start3A_858 = tpu.memref_slice %arg7[%mul3A_820, %dma_start3A_857] : memref<2048x16xf32, #tpu.memory_space<hbm>> -> memref<64x16xf32, #tpu.memory_space<hbm>>
      tpu.enqueue_dma source(%arg15 : memref<64x16xf32, #tpu.memory_space<vmem>>) target(%dma_start3A_858 : memref<64x16xf32, #tpu.memory_space<hbm>>) target_semaphore(%run_scoped3A : memref<!tpu.dma_semaphore, #tpu.memory_space<semaphore_mem>>)
      %dma_wait3A_859 = arith.constant 0 : i32
      %dma_wait3A_860 = tpu.memref_slice %arg7[%mul3A_820, %dma_wait3A_859] : memref<2048x16xf32, #tpu.memory_space<hbm>> -> memref<64x16xf32, #tpu.memory_space<hbm>>
      %dma_wait3A_861 = arith.constant 0 : i32
      %dma_wait3A_862 = tpu.memref_slice %arg7[%mul3A_820, %dma_wait3A_861] : memref<2048x16xf32, #tpu.memory_space<hbm>> -> memref<64x16xf32, #tpu.memory_space<hbm>>
      tpu.wait_dma2 semaphore(%run_scoped3A : memref<!tpu.dma_semaphore, #tpu.memory_space<semaphore_mem>>) src(%arg15 : memref<64x16xf32, #tpu.memory_space<vmem>>) dst(%dma_wait3A_862 : memref<64x16xf32, #tpu.memory_space<hbm>>)
      tpu.yield
    }) : () -> ()
    %swap3A_821 = arith.constant 0 : i32
    %swap3A_822 = arith.index_cast %swap3A_821 : i32 to index
    %swap3A_823 = arith.constant 0 : index
    %swap3A_824 = tpu.vector_load %arg15[%swap3A_822, %swap3A_823] {strides = array<i32>} : memref<64x16xf32, #tpu.memory_space<vmem>>, vector<16xf32>,
    tpu.vector_store %arg15[%swap3A_822, %swap3A_823], %broadcast_in_dim3A_0 {strides = array<i32>} : memref<64x16xf32, #tpu.memory_space<vmem>>, vector<16xf32>,
    %swap3A_825 = arith.constant 1 : i32
    %swap3A_826 = arith.index_cast %swap3A_825 : i32 to index
    %swap3A_827 = arith.constant 0 : index
    %swap3A_828 = tpu.vector_load %arg15[%swap3A_826, %swap3A_827] {strides = array<i32>} : memref<64x16xf32, #tpu.memory_space<vmem>>, vector<16xf32>,
    tpu.vector_store %arg15[%swap3A_826, %swap3A_827], %broadcast_in_dim3A_0 {strides = array<i32>} : memref<64x16xf32, #tpu.memory_space<vmem>>, vector<16xf32>,
    %swap3A_829 = arith.constant 2 : i32
    %swap3A_830 = arith.index_cast %swap3A_829 : i32 to index
    %swap3A_831 = arith.constant 0 : index
    %swap3A_832 = tpu.vector_load %arg15[%swap3A_830, %swap3A_831] {strides = array<i32>} : memref<64x16xf32, #tpu.memory_space<vmem>>, vector<16xf32>,
    tpu.vector_store %arg15[%swap3A_830, %swap3A_831], %broadcast_in_dim3A_0 {strides = array<i32>} : memref<64x16xf32, #tpu.memory_space<vmem>>, vector<16xf32>,
    %swap3A_833 = arith.constant 3 : i32
    %swap3A_834 = arith.index_cast %swap3A_833 : i32 to index
    %swap3A_835 = arith.constant 0 : index
    %swap3A_836 = tpu.vector_load %arg15[%swap3A_834, %swap3A_835] {strides = array<i32>} : memref<64x16xf32, #tpu.memory_space<vmem>>, vector<16xf32>,
    tpu.vector_store %arg15[%swap3A_834, %swap3A_835], %broadcast_in_dim3A_0 {strides = array<i32>} : memref<64x16xf32, #tpu.memory_space<vmem>>, vector<16xf32>,
    %swap3A_837 = arith.constant 4 : i32
    %swap3A_838 = arith.index_cast %swap3A_837 : i32 to index
    %swap3A_839 = arith.constant 0 : index
    %swap3A_840 = tpu.vector_load %arg15[%swap3A_838, %swap3A_839] {strides = array<i32>} : memref<64x16xf32, #tpu.memory_space<vmem>>, vector<16xf32>,
    tpu.vector_store %arg15[%swap3A_838, %swap3A_839], %broadcast_in_dim3A_0 {strides = array<i32>} : memref<64x16xf32, #tpu.memory_space<vmem>>, vector<16xf32>,
    %swap3A_841 = arith.constant 5 : i32
    %swap3A_842 = arith.index_cast %swap3A_841 : i32 to index
    %swap3A_843 = arith.constant 0 : index
    %swap3A_844 = tpu.vector_load %arg15[%swap3A_842, %swap3A_843] {strides = array<i32>} : memref<64x16xf32, #tpu.memory_space<vmem>>, vector<16xf32>,
    tpu.vector_store %arg15[%swap3A_842, %swap3A_843], %broadcast_in_dim3A_0 {strides = array<i32>} : memref<64x16xf32, #tpu.memory_space<vmem>>, vector<16xf32>,
    %swap3A_845 = arith.constant 6 : i32
    %swap3A_846 = arith.index_cast %swap3A_845 : i32 to index
    %swap3A_847 = arith.constant 0 : index
    %swap3A_848 = tpu.vector_load %arg15[%swap3A_846, %swap3A_847] {strides = array<i32>} : memref<64x16xf32, #tpu.memory_space<vmem>>, vector<16xf32>,
    tpu.vector_store %arg15[%swap3A_846, %swap3A_847], %broadcast_in_dim3A_0 {strides = array<i32>} : memref<64x16xf32, #tpu.memory_space<vmem>>, vector<16xf32>,
    %swap3A_849 = arith.constant 7 : i32
    %swap3A_850 = arith.index_cast %swap3A_849 : i32 to index
    %swap3A_851 = arith.constant 0 : index
    %swap3A_852 = tpu.vector_load %arg15[%swap3A_850, %swap3A_851] {strides = array<i32>} : memref<64x16xf32, #tpu.memory_space<vmem>>, vector<16xf32>,
    tpu.vector_store %arg15[%swap3A_850, %swap3A_851], %broadcast_in_dim3A_0 {strides = array<i32>} : memref<64x16xf32, #tpu.memory_space<vmem>>, vector<16xf32>,
    %mul3A_853 = arith.constant 8 : i32
    %mul3A_854 = arith.muli %add3A, %mul3A_853 : i32
    "tpu.region"() ({
      %run_scoped3A = tpu.sem_alloc : memref<!tpu.dma_semaphore, #tpu.memory_space<semaphore_mem>>
      %dma_start3A_855 = arith.constant 0 : i32
      %dma_start3A_856 = arith.constant 0 : i32
      %dma_start3A_857 = tpu.memref_slice %arg15[%dma_start3A_855, %dma_start3A_856] : memref<64x16xf32, #tpu.memory_space<vmem>> -> memref<8x16xf32, #tpu.memory_space<vmem>>
      %dma_start3A_858 = arith.constant 0 : i32
      %dma_start3A_859 = tpu.memref_slice %arg8[%mul3A_854, %dma_start3A_858] : memref<256x16xf32, #tpu.memory_space<hbm>> -> memref<8x16xf32, #tpu.memory_space<hbm>>
      %dma_start3A_860 = arith.constant 0 : i32
      %dma_start3A_861 = tpu.memref_slice %arg8[%mul3A_854, %dma_start3A_860] : memref<256x16xf32, #tpu.memory_space<hbm>> -> memref<8x16xf32, #tpu.memory_space<hbm>>
      %dma_start3A_862 = arith.constant 0 : i32
      %dma_start3A_863 = arith.constant 0 : i32
      %dma_start3A_864 = tpu.memref_slice %arg15[%dma_start3A_862, %dma_start3A_863] : memref<64x16xf32, #tpu.memory_space<vmem>> -> memref<8x16xf32, #tpu.memory_space<vmem>>
      tpu.enqueue_dma source(%dma_start3A_864 : memref<8x16xf32, #tpu.memory_space<vmem>>) target(%dma_start3A_861 : memref<8x16xf32, #tpu.memory_space<hbm>>) target_semaphore(%run_scoped3A : memref<!tpu.dma_semaphore, #tpu.memory_space<semaphore_mem>>)
      %dma_wait3A_865 = arith.constant 0 : i32
      %dma_wait3A_866 = arith.constant 0 : i32
      %dma_wait3A_867 = tpu.memref_slice %arg15[%dma_wait3A_865, %dma_wait3A_866] : memref<64x16xf32, #tpu.memory_space<vmem>> -> memref<8x16xf32, #tpu.memory_space<vmem>>
      %dma_wait3A_868 = arith.constant 0 : i32
      %dma_wait3A_869 = tpu.memref_slice %arg8[%mul3A_854, %dma_wait3A_868] : memref<256x16xf32, #tpu.memory_space<hbm>> -> memref<8x16xf32, #tpu.memory_space<hbm>>
      %dma_wait3A_870 = arith.constant 0 : i32
      %dma_wait3A_871 = tpu.memref_slice %arg8[%mul3A_854, %dma_wait3A_870] : memref<256x16xf32, #tpu.memory_space<hbm>> -> memref<8x16xf32, #tpu.memory_space<hbm>>
      %dma_wait3A_872 = arith.constant 0 : i32
      %dma_wait3A_873 = arith.constant 0 : i32
      %dma_wait3A_874 = tpu.memref_slice %arg15[%dma_wait3A_872, %dma_wait3A_873] : memref<64x16xf32, #tpu.memory_space<vmem>> -> memref<8x16xf32, #tpu.memory_space<vmem>>
      tpu.wait_dma2 semaphore(%run_scoped3A : memref<!tpu.dma_semaphore, #tpu.memory_space<semaphore_mem>>) src(%dma_wait3A_874 : memref<8x16xf32, #tpu.memory_space<vmem>>) dst(%dma_wait3A_871 : memref<8x16xf32, #tpu.memory_space<hbm>>)
      tpu.yield
    }) : () -> ()
    return
  }
}

</mosaic_0001>

<sc_bundles>
// kernel: kernel.3.cloned.1.call-start
scs
__scs_entry_jumppad:
0x0: {  	(pc) =	sbr.rel $0x88, $3  }
0x1: {  	(tag) =	ssettag $0x0;
	lr =	simm.s32 $0x1  }
0x2: {  	[smem:$0x3F9E] =	sst lr;
	_ =	strace $0xD0000000  }
0x3: {  	_ = 	snop  }
0x4: {  	_ = 	snop  }
0x5: {  	_ = 	snop  }
0x6: {  	_ = 	snop  }
0x7: {  	_ = 	snop  }
__scs_overlays_trampoline_lowered:
0x8: {  	[smem:$0x3FAD] =	sst s0  }
0x9: {  	[smem:$0x3FAE] =	sst s1  }
0xa: {  	[smem:$0x3FAF] =	sst s2  }
0xb: {  	[smem:$0x3FB0] =	sst s3  }
0xc: {  	[smem:$0x3FB1] =	sst s4  }
0xd: {  	[smem:$0x3FB2] =	sst s5  }
0xe: {  	[smem:$0x3FB3] =	sst s6  }
0xf: {  	[smem:$0x3FB4] =	sst s7  }
0x10: {  	[smem:$0x3FB5] =	sst s8  }
0x11: {  	[smem:$0x3FB6] =	sst s9;
	s0 =	simm.s32 @!p0 $0x0  }
0x12: {  	s1 =	sld [smem:$0x3F9C];
	s0 =	simm.s32 @p0 $0x1  }
0x13: {  	[smem:$0x3FB7] =	sst s0;
	s0 =	simm.s32 @!p1 $0x0  }
0x14: {  	s2 =	sld [smem:$0x3F9B];
	s0 =	simm.s32 @p1 $0x1  }
0x15: {  	[smem:$0x3FB8] =	sst s0;
	s0 =	simm.s32 @!p2 $0x0  }
0x16: {  	s3 =	sld [smem:$0x3FDB];
	s0 =	simm.s32 @p2 $0x1  }
0x17: {  	s4 =	simm.s32 $0x1BF5;
	[smem:$0x3FBA] =	sst s0  }
0x18: {  	s0 =	sld [smem:$0x3F9D];
	_ =	swait.ge [sflag:s4], $0x0  }
0x19: {  	s7 =	sld [smem:$0x3F9E]  }
0x1a: {  	s8 =	sadd.s32 $0xFFFFE003, lr  }
0x1b: {  	s9 =	sadd.s32 $0xFFFFFEF7, lr;
	s5 =	simm.s32 $0xFFFFFFFF;
	p2 =	slt.u32 s8, $0xFFFFF086  }
0x1c: {  	p1 =	slt.u32 s9, $0xF7A;
	s5 =	simm.s32 @!p2 $0x0  }
0x1d: {  	s5 =	simm.s32 @p1 $0x1;
	p0 =	seq.s32 s7, s2  }
0x1e: {  	s7 =	smul.u32 @!p0 $0xF7A, s2;
	p2 =	seq.s32 @!p0 s5, $0x0  }
0x1f: {  	s9 =	smul.u32 $0xF7A, s1;
	s8 =	simm.s32 @!p0 $0x1BF5;
	p2 =	por !p2, p0  }
0x20: {  	[sflag:s8] =	ssyncset.s32 @!p0 $0xFFFFF086;
	s6 =	sadd.s32 @!p0 s3, s7;
	s7 =	simm.s32 @!p0 $0x108  }
0x21: {  	s3 =	sadd.s32 s3, s9;
	s6 =	sadd.s32 @!p0 $0x88, s6;
	s7 =	simm.s32 @p2 $0x1082  }
0x22: {  	[simem:s7], [sflag:s8] =	dma.local @!p0 [hbm:s6], $0xF7A  }
0x23: {  	s9 =	sor.u32 $0xD0000000, s2;
	s6 =	simm.s32 $0x108;
	_ =	swait.ge @!p0 [sflag:s8], $0x0  }
0x24: {  	s3 =	sadd.s32 $0x88, s3;
	s6 =	simm.s32 @!p1 $0x1082;
	[sflag:s4] =	ssyncset.s32 $0xFFFFF086  }
0x25: {  	[simem:s6], [sflag:s4] =	dma.local [hbm:s3], $0xF7A  }
0x26: {  	[smem:$0x3F9E] =	sst s1;
	(tag) =	ssettag s2;
	_ =	strace s9  }
0x27: {  	s1 =	sld [smem:$0x3FAE]  }
0x28: {  	s2 =	sld [smem:$0x3FAF]  }
0x29: {  	s4 =	sld [smem:$0x3FB1]  }
0x2a: {  	p0 =	seq.s32 s5, $0x0;
	s5 =	sld [smem:$0x3FB2]  }
0x2b: {  	s6 =	sld [smem:$0x3FB3]  }
0x2c: {  	s7 =	sld [smem:$0x3FB4]  }
0x2d: {  	s3 =	simm.s32 $0x108;
	s8 =	sld [smem:$0x3FB5]  }
0x2e: {  	s3 =	simm.s32 @!p0 $0x1082;
	s9 =	sld [smem:$0x3FB6]  }
0x2f: {  	lr =	sadd.s32 s0, s3;
	s0 =	sld [smem:$0x3FAD]  }
0x30: {  	s3 =	sld [smem:$0x3FB0]  }
0x31: {  	[smem:$0x3FB9] =	sst s10  }
0x32: {  	s10 =	sld [smem:$0x3FB7];
	_ =	sdelay $0x3  }
0x33: {  	p0 =	seq.s32 s10, $0x1;
	s10 =	sld [smem:$0x3FB9];
	_ =	sdelay $0x3  }
0x34: {  	[smem:$0x3FB9] =	sst s10  }
0x35: {  	s10 =	sld [smem:$0x3FB8];
	_ =	sdelay $0x3  }
0x36: {  	p1 =	seq.s32 s10, $0x1;
	s10 =	sld [smem:$0x3FB9];
	_ =	sdelay $0x3  }
0x37: {  	[smem:$0x3FB9] =	sst s10  }
0x38: {  	s10 =	sld [smem:$0x3FBA]  }
0x39: {  	_ = 	snop;
	(pc) =	sbr.ind lr, $3  }
0x3a: {  	_ = 	snop  }
0x3b: {  	_ = 	snop  }
0x3c: {  	p2 =	seq.s32 s10, $0x1;
	s10 =	sld [smem:$0x3FB9]  }
0x3d: {  	_ =	shalt  }
0x3e: {  	_ =	shalt  }
0x3f: {  	_ =	shalt  }
0x40: {  	_ =	shalt  }
0x41: {  	_ =	shalt  }
0x42: {  	_ =	shalt  }
0x43: {  	_ =	shalt  }
0x44: {  	_ =	shalt  }
0x45: {  	_ =	shalt  }
0x46: {  	_ =	shalt  }
0x47: {  	_ =	shalt  }
0x48: {  	_ =	shalt  }
0x49: {  	_ =	shalt  }
0x4a: {  	_ =	shalt  }
0x4b: {  	_ =	shalt  }
0x4c: {  	_ =	shalt  }
0x4d: {  	_ =	shalt  }
0x4e: {  	_ =	shalt  }
0x4f: {  	_ =	shalt  }
0x50: {  	_ =	shalt  }
0x51: {  	_ =	shalt  }
0x52: {  	_ =	shalt  }
0x53: {  	_ =	shalt  }
0x54: {  	_ =	shalt  }
0x55: {  	_ =	shalt  }
0x56: {  	_ =	shalt  }
0x57: {  	_ =	shalt  }
0x58: {  	_ =	shalt  }
0x59: {  	_ =	shalt  }
0x5a: {  	_ =	shalt  }
0x5b: {  	_ =	shalt  }
0x5c: {  	_ =	shalt  }
0x5d: {  	_ =	shalt  }
0x5e: {  	_ =	shalt  }
0x5f: {  	_ =	shalt  }
0x60: {  	_ =	shalt  }
0x61: {  	_ =	shalt  }
0x62: {  	_ =	shalt  }
0x63: {  	_ =	shalt  }
0x64: {  	_ =	shalt  }
0x65: {  	_ =	shalt  }
0x66: {  	_ =	shalt  }
0x67: {  	_ =	shalt  }
0x68: {  	_ =	shalt  }
0x69: {  	_ =	shalt  }
0x6a: {  	_ =	shalt  }
0x6b: {  	_ =	shalt  }
0x6c: {  	_ =	shalt  }
0x6d: {  	_ =	shalt  }
0x6e: {  	_ =	shalt  }
0x6f: {  	_ =	shalt  }
0x70: {  	_ =	shalt  }
0x71: {  	_ =	shalt  }
0x72: {  	_ =	shalt  }
0x73: {  	_ =	shalt  }
0x74: {  	_ =	shalt  }
0x75: {  	_ =	shalt  }
0x76: {  	_ =	shalt  }
0x77: {  	_ =	shalt  }
0x78: {  	_ =	shalt  }
0x79: {  	_ =	shalt  }
0x7a: {  	_ =	shalt  }
0x7b: {  	_ =	shalt  }
0x7c: {  	_ =	shalt  }
0x7d: {  	_ =	shalt  }
0x7e: {  	_ =	shalt  }
0x7f: {  	_ =	shalt  }
0x80: {  	_ =	shalt  }
0x81: {  	_ =	shalt  }
0x82: {  	_ =	shalt  }
0x83: {  	_ =	shalt  }
0x84: {  	_ =	shalt  }
0x85: {  	_ =	shalt  }
0x86: {  	_ =	shalt  }
0x87: {  	_ =	shalt  }
.Lfunc_end0:
.L_simem_size_0:
called_computation_lowered:
.L_overlay_start_0:
0x88: {  	s2 =	sld [smem:$0x3FD9]  }
0x89: {  	s3 =	sld [smem:$0x3FFE];
	_ =	sdelay $0x1  }
0x8a: {  	s1 =	srdreg.scid  }
0x8b: {  	s0 =	sand.u32 $0x1, s1  }
0x8c: {  	s14 =	sshll.u32 s0, $0xA;
	s2 =	sadd.s32 s3, s2  }
0x8d: {  	s2 =	sadd.s32 s2, s14  }
0x8e: {  	[smem:$0x3FC5] =	sst s2  }
0x8f: {  	_ = 	snop  }
0x90: {  	s2 =	sld [smem:$0x3FD0];
	_ =	sdelay $0x2  }
0x91: {  	s15 =	simm.s32 $0xA;
	s4 =	simm.s32 $0x10  }
0x92: {  	[smem:s4], [sflag:s15] =	dma.local [hbm:s2], $0x1  }
0x93: {  	_ =	swait.eq [sflag:s15], $0x1  }
0x94: {  	[sflag:s15] =	ssyncset.done $0x0  }
0x95: {  	s16 =	sld [smem:$0x10];
	[sflag:s15] =	ssyncadd.s32 $0xFFFFFFFF  }
0x96: {  	s17 =	sld [smem:$0x11];
	(tm) =	ssettm $0x1  }
0x97: {  	s18 =	sld [smem:$0x3FFB];
	_ =	sdelay $0x3  }
0x98: {  	_ =	strace s18  }
0x99: {  	s4 =	sld [smem:$0x3FFC];
	_ =	sdelay $0x3  }
0x9a: {  	_ =	strace s4  }
0x9b: {  	s4 =	sld [smem:$0x3FFD];
	_ =	sdelay $0x3  }
0x9c: {  	_ =	strace s4  }
0x9d: {  	_ =	strace $0x8FFFFFFF  }
0x9e: {  	s19 =	sld [smem:$0x3FDB];
	_ =	sdelay $0x1  }
0x9f: {  	s5 =	simm.s32 $_scs_section_size  }
0xa0: {  	s6 =	simm.s32 $_size__tile_overlayer_lowered;
	s7 =	simm.s32 $_tile_overlayer_lowered  }
0xa1: {  	s22 =	simm.s32 $0x1BFF;
	s21 =	sshll.u32 s7, $0x1;
	s4 =	sadd.s32 s5, s19  }
0xa2: {  	s8 =	simm.s32 $0x0;
	s20 =	sshll.u32 s6, $0x1;
	s6 =	sadd.s32 s21, s4  }
0xa3: {  	[timem:s8], [sflag:s22] =	dma.local [hbm:s6], s20  }
0xa4: {  	_ =	swait.ge [sflag:s22], s20  }
0xa5: {  	s5 =	ssub.s32 $0x0, s20;
	[sflag:s22] =	ssyncset.done $0x0  }
0xa6: {  	[sflag:s22] =	ssyncadd.s32 s5;
	_ =	sdelay $0x1  }
0xa7: {  	s23 =	simm.s32 $0x1B8B  }
0xa8: {  	_ =	swait.ge [sflag:s23], $0x1  }
0xa9: {  	[sflag:s23] =	ssyncset.done $0x0  }
0xaa: {  	s25 =	simm.s32 $0x1B8E;
	s24 =	sld [smem:$0x3FFE];
	[sflag:s23] =	ssyncadd.s32 $0xFFFFFFFF  }
0xab: {  	s26 =	simm.s32 $execute0_lowered;
	[smem:$0x3FD2] =	sst s25  }
0xac: {  	s6 =	sshll.u32 s26, $0x1;
	_ =	strace $0x80000046;
	[dreg:$0x1] =	wrdreg $0xFFFFFFFF  }
0xad: {  	s28 =	simm.s32 $_size_execute0_lowered;
	s4 =	sadd.s32 s4, s6;
	[dreg:$0x0] =	wrdreg $0x0  }
0xae: {  	s6 =	sshll.u32 s28, $0x1;
	[dreg:$0x2] =	wrdreg s4  }
0xaf: {  	[dreg:$0x3] =	wrdreg s6  }
0xb0: {  	[dreg:$0x4] =	wrdreg $0xC0  }
0xb1: {  	_ =	task [dreg:s8], $0x5FFFF  }
0xb2: {  	[dreg:$0x1] =	wrdreg $0xFFFFFFFF  }
0xb3: {  	[dreg:$0x0] =	wrdreg $0x60  }
0xb4: {  	[dreg:$0x2] =	wrdreg s24  }
0xb5: {  	[dreg:$0x3] =	wrdreg s16  }
0xb6: {  	[dreg:$0x4] =	wrdreg s17  }
0xb7: {  	[dreg:$0x5] =	wrdreg $0x9  }
0xb8: {  	_ =	task.clear_ibuf [dreg:s8], $0x6FFFF;
	_ =	strace $0x90000046  }
0xb9: {  	s29 =	simm.s32 $0x9;
	_ =	strace $0x80000048  }
0xba: {  	_ =	swait.ge [sflag:s29], $0x1  }
0xbb: {  	[sflag:s29] =	ssyncadd.s32 $0xFFFFFFFF  }
0xbc: {  	_ =	strace $0x90000048  }
0xbd: {  	_ =	sfence  }
0xbe: {  	s30 =	sld [smem:$0x0];
	_ =	sdelay $0x2  }
0xbf: {  	s31 =	sshll.u32 s1, $0xD;
	s1 =	sshrl.u32 s1, $0x2  }
0xc0: {  	s3 =	sand.u32 $0x4000, s31;
	s1 =	sadd.s32 s1, s30  }
0xc1: {  	s0 =	sor.u32 s3, s0;
	s1 =	sshll.u32 s1, $0x11  }
0xc2: {  	s0 =	sor.u32 s1, s0  }
0xc3: {  	s0 =	sadd.s32 $0x8F2B, s0  }
0xc4: {  	[sflag:s0] =	ssyncadd.remote.s32 $0x1  }
0xc5: {  	_ =	sfence.sel $0xFFFF  }
0xc6: {  	[dreg:$0x0] =	wrdreg $0xFFFFFFFF;
	(pc) =	sbr.abs _section_cstart, $3  }
0xc7: {  	[dreg:$0x1] =	wrdreg $0xFFFFFFFF  }
0xc8: {  	_ =	task.clear_ibuf [dreg:s8], $0x2FFFF;
	_ =	strace $0x9FFFFFFF  }
0xc9: {  	(tm) =	ssettm $0x7FFFFFFF  }
tec
execute0_lowered:
.L_overlay_start_1:
0x0: {  	(tag) =	ssettag $0x1  }
0x1: {  	s0 =	srdreg.scid  }
0x2: {  	s3 =	stileid.u32;
	s2 =	rddreg [dreg:$0x0];
	s4 =	simm.s32 $0x0  }
0x3: {  	s12 =	simm.s32 $0x400;
	s13 =	simm.s32 $0x9;
	s22 =	simm.s32 $0x1400  }
0x4: {  	s23 =	simm.s32 $0x3400;
	s24 =	simm.s32 $0x1800;
	s25 =	simm.s32 $0x3800  }
0x5: {  	s28 =	simm.s32 $0x3C00;
	s29 =	simm.s32 $0x4000;
	s30 =	simm.s32 $0x6000  }
0x6: {  	s31 =	simm.s32 $0x6080;
	s11 =	simm.s32 $0x5;
	s14 =	simm.s32 $0x6  }
0x7: {  	s15 =	simm.s32 $0x7;
	s16 =	simm.s32 $0x8;
	s17 =	simm.s32 $0x8080  }
0x8: {  	s18 =	simm.s32 $0x8100;
	s19 =	simm.s32 $0x0;
	s0 =	sand.u32 $0x1, s0  }
0x9: {  	s1 =	sshll.u32 s3, $0x1;
	s3 =	sshll.u32 s3, $0xE;
	[smem:$0x7FF] =	sst s4  }
0xa: {  	s5 =	sadd.s32 $0x400C00, s2;
	s6 =	sadd.s32 $0x8C00, s2;
	s1 =	sor.u32 s0, s1  }
0xb: {  	_ =	strace $0x80000047;
	s0 =	ssub.s32 $0x2, s0;
	s7 =	sshll.u32 s1, $0x7  }
0xc: {  	s1 =	sshll.u32 s1, $0xA;
	s26 =	sshrl.u32 s0, $0x1;
	s3 =	sor.u32 s3, s7  }
0xd: {  	s1 =	sadd.s32 s1, s2;
	s0 =	ssub.s32 s0, s26;
	s3 =	sand.u32 $0x30380, s3  }
0xe: {  	s26 =	simm.s32 $0x1C00;
	s8 =	sadd.s32 $0x9000, s1;
	s3 =	sshrl.u32 s3, $0x3  }
0xf: {  	s10 =	smax.u32 s0, $0x1;
	s1 =	simm.s32 $0x1;
	s3 =	sadd.s32 s3, s2  }
0x10: {  	s0 =	simm.s32 $0x2;
	s2 =	sadd.s32 s7, s2;
	s7 =	sadd.s32 $0xC00, s3  }
0x11: {  	v0 =	vimm.f32 $0.0e+00;
	s9 =	sadd.s32 $0x11000, s2;
	s2 =	simm.s32 $0x3;
	s3 =	simm.s32 $0x4  }
.LBB2_1:
0x12: {  	s20 =	simm.s32 $0x80  }
0x13: {  	[tilespmem:s4], [sflag:$0x9] =	stream.strided.gather [hbm4b:s7+s20], $0x2000, s12, s20, $0x38;
	[tilespmem:$0xA100] =	vst v63  }
0x14: {  	_ =	swait.ge [sflag:s13], $0x2000  }
0x15: {  	[sflag:s13] =	ssyncset.done $0x0  }
0x16: {  	s21 =	simm.s32 $0x2000;
	[sflag:s13] =	ssyncadd.s32 $0xFFFFE000  }
0x17: {  	[tilespmem:s21], [sflag:$0x1] =	stream.indirect.gather [hbm4b:s5+s12], $0x1, s4, s12, $0xb8;
	[tilespmem:$0xA100] =	vst v63  }
0x18: {  	s21 =	simm.s32 $0x2400  }
0x19: {  	[tilespmem:s21], [sflag:$0x2] =	stream.indirect.gather [hbm4b:s5+s12], $0x1, s12, s12, $0xb8;
	[tilespmem:$0xA100] =	vst v63  }
0x1a: {  	s20 =	simm.s32 $0x800;
	s21 =	simm.s32 $0x2800  }
0x1b: {  	[tilespmem:s21], [sflag:$0x3] =	stream.indirect.gather [hbm4b:s5+s12], $0x1, s20, s12, $0xb8;
	[tilespmem:$0xA100] =	vst v63  }
0x1c: {  	s20 =	simm.s32 $0xC00;
	s21 =	simm.s32 $0x2C00  }
0x1d: {  	[tilespmem:s21], [sflag:$0x4] =	stream.indirect.gather [hbm4b:s5+s12], $0x1, s20, s12, $0xb8;
	[tilespmem:$0xA100] =	vst v63  }
0x1e: {  	s20 =	simm.s32 $0x1000;
	s21 =	simm.s32 $0x3000  }
0x1f: {  	[tilespmem:s21], [sflag:$0x5] =	stream.indirect.gather [hbm4b:s5+s12], $0x1, s20, s12, $0xb8;
	[tilespmem:$0xA100] =	vst v63  }
0x20: {  	_ = 	snop  }
0x21: {  	[tilespmem:s23], [sflag:$0x6] =	stream.indirect.gather [hbm4b:s5+s12], $0x1, s22, s12, $0xb8;
	[tilespmem:$0xA100] =	vst v63  }
0x22: {  	_ = 	snop  }
0x23: {  	[tilespmem:s25], [sflag:$0x7] =	stream.indirect.gather [hbm4b:s5+s12], $0x1, s24, s12, $0xb8;
	[tilespmem:$0xA100] =	vst v63  }
0x24: {  	_ = 	snop  }
0x25: {  	[tilespmem:s28], [sflag:$0x8] =	stream.indirect.gather [hbm4b:s5+s12], $0x1, s26, s12, $0xb8;
	[tilespmem:$0xA100] =	vst v63  }
0x26: {  	s21 =	rddreg [dreg:$0x1]  }
0x27: {  	[tilespmem:s29], [sflag:$0x9] =	stream.linear.gather [hbm4b:s21+s4], $0x2000, $0x38;
	[tilespmem:$0xA100] =	vst v63  }
0x28: {  	_ =	swait.ge [sflag:s13], $0x2000  }
0x29: {  	[sflag:s13] =	ssyncset.done $0x0  }
0x2a: {  	[sflag:s13] =	ssyncadd.s32 $0xFFFFE000  }
0x2b: {  	s21 =	rddreg [dreg:$0x2]  }
0x2c: {  	[tilespmem:s30], [sflag:$0x9] =	stream.linear.gather [hbm4b:s21+s4], $0x80, $0x38;
	[tilespmem:$0xA100] =	vst v63  }
0x2d: {  	_ =	swait.ge [sflag:s13], $0x80  }
0x2e: {  	[sflag:s13] =	ssyncset.done $0x0  }
0x2f: {  	[sflag:s13] =	ssyncadd.s32 $0xFFFFFF80  }
0x30: {  	[tilespmem:s31], [sflag:$0x9] =	stream.linear.gather [hbm4b:s6+s4], $0x2000, $0x38;
	[tilespmem:$0xA100] =	vst v63  }
0x31: {  	_ =	swait.ge [sflag:s13], $0x2000  }
0x32: {  	[sflag:s13] =	ssyncset.done $0x0  }
0x33: {  	[sflag:s13] =	ssyncadd.s32 $0xFFFFE000  }
0x34: {  	v1 =	vld [tilespmem:$0x6000];
	_ =	swait.ge [sflag:s1], $0x400  }
0x35: {  	[sflag:s1] =	ssyncset.done $0x0  }
0x36: {  	s21 =	simm.s32 $0x0;
	[sflag:s1] =	ssyncadd.s32 $0xFFFFFC00  }
0x37: {  	v2 =	vld [tilespmem:s21+$0x2070]  }
0x38: {  	v4 =	vld [tilespmem:s21+$0x2000]  }
0x39: {  	v3 =	vld [tilespmem:s21+$0x4000]  }
0x3a: {  	v5 =	vld [tilespmem:s21+$0x2010]  }
0x3b: {  	v6 =	vld [tilespmem:s21+$0x2020];
	_ =	sdelay $0x1  }
0x3c: {  	v7 =	vld [tilespmem:s21+$0x2030]  }
0x3d: {  	vm0 =	vgt.f32 v2, $8.000000110e-01;
	vm1 =	vgt.f32 v4, $8.000000110e-01  }
0x3e: {  	v10 =	vimm.f32 $0.0e+00;
	v2 =	vsel vm0, $0x3F800000, v0;
	v8 =	vsel vm1, $0x3F800000, v0  }
0x3f: {  	v4 =	vld [tilespmem:s21+$0x2040];
	vm0 =	vgt.f32 v5, $8.000000110e-01;
	vm1 =	vgt.f32 v6, $8.000000110e-01;
	v2 =	vsub.f32 v2, v3  }
0x40: {  	v9 =	vld [tilespmem:s21+$0x2050];
	v11 =	vsub.f32 v8, v3;
	v6 =	vsel vm0, $0x3F800000, v0;
	v8 =	vsel vm1, $0x3F800000, v0  }
0x41: {  	v5 =	vld [tilespmem:s21+$0x2060];
	vm0 =	vgt.f32 v7, $8.000000110e-01;
	v7 =	vimm.f32 $0.0e+00;
	v12 =	vsub.f32 v6, v3  }
0x42: {  	v6 =	vsel vm0, $0x3F800000, v0;
	v13 =	vsub.f32 v8, v3;
	v8 =	vimm.f32 $0.0e+00  }
0x43: {  	v2 =	vand.u32 $0x7FFFFFFF, v2;
	v14 =	vsub.f32 v6, v3;
	v6 =	vimm.f32 $0.0e+00  }
0x44: {  	v2 =	vadd.f32 v2, v0;
	vm0 =	vgt.f32 v4, $8.000000110e-01;
	v4 =	vimm.f32 $0.0e+00  }
0x45: {  	v15 =	vsel vm0, $0x3F800000, v0;
	vm0 =	vgt.f32 v9, $8.000000110e-01;
	v9 =	vimm.f32 $0.0e+00  }
0x46: {  	s20 =	simm.s32 $0x80;
	s21 =	simm.s32 $0x400;
	v16 =	vsel vm0, $0x3F800000, v0;
	vm0 =	vgt.f32 v5, $8.000000110e-01;
	v5 =	vimm.f32 $0.0e+00  }
.LBB2_2:
0x47: {  	p0 =	sne.s32 s21, $0xE00;
	v17 =	vld [tilespmem:s20+$0x2070];
	v15 =	vsub.f32 v15, v3;
	v16 =	vsub.f32 v16, v3;
	v18 =	vsel vm0, $0x3F800000, v0  }
0x48: {  	v11 =	vand.u32 $0x7FFFFFFF, v11;
	v12 =	vand.u32 $0x7FFFFFFF, v12;
	v19 =	vld [tilespmem:s20+$0x2000];
	v18 =	vsub.f32 v18, v3  }
0x49: {  	v13 =	vand.u32 $0x7FFFFFFF, v13;
	v14 =	vand.u32 $0x7FFFFFFF, v14;
	v3 =	vld [tilespmem:s20+$0x4000];
	v15 =	vand.u32 $0x7FFFFFFF, v15  }
0x4a: {  	v10 =	vadd.f32 v11, v10;
	v11 =	vand.u32 $0x7FFFFFFF, v16;
	v20 =	vld [tilespmem:s20+$0x2010];
	v16 =	vand.u32 $0x7FFFFFFF, v18  }
0x4b: {  	v7 =	vadd.f32 v12, v7;
	v8 =	vadd.f32 v13, v8;
	v18 =	vld [tilespmem:s20+$0x2020]  }
0x4c: {  	v6 =	vadd.f32 v14, v6;
	v9 =	vadd.f32 v15, v9;
	v12 =	vld [tilespmem:s20+$0x2030];
	vm0 =	vgt.f32 v17, $8.000000110e-01  }
0x4d: {  	v5 =	vadd.f32 v11, v5;
	vm1 =	vgt.f32 v19, $8.000000110e-01;
	v13 =	vld [tilespmem:s20+$0x2040];
	v14 =	vsel vm0, $0x3F800000, v0  }
0x4e: {  	v4 =	vadd.f32 v16, v4;
	v11 =	vsel vm1, $0x3F800000, v0;
	v17 =	vld [tilespmem:s20+$0x2050];
	v14 =	vsub.f32 v14, v3  }
0x4f: {  	v11 =	vsub.f32 v11, v3;
	vm0 =	vgt.f32 v20, $8.000000110e-01;
	v19 =	vld [tilespmem:s20+$0x2060]  }
.Ltmp0:
0x50: {  	v15 =	vsel vm0, $0x3F800000, v0;
	vm0 =	vgt.f32 v18, $8.000000110e-01;
	v14 =	vand.u32 $0x7FFFFFFF, v14;
	(pc) =	sbr.rel @p0 .LBB2_2-.Ltmp0, $4  }
0x51: {  	v16 =	vsel vm0, $0x3F800000, v0;
	vm0 =	vgt.f32 v12, $8.000000110e-01;
	v2 =	vadd.f32 v14, v2  }
0x52: {  	v12 =	vsub.f32 v15, v3;
	v14 =	vsel vm0, $0x3F800000, v0;
	vm0 =	vgt.f32 v13, $8.000000110e-01  }
0x53: {  	v13 =	vsub.f32 v16, v3;
	v15 =	vsel vm0, $0x3F800000, v0;
	vm0 =	vgt.f32 v17, $8.000000110e-01  }
0x54: {  	s20 =	sshra.s32 s21, $0x2;
	s21 =	sadd.s32 $0x200, s21;
	v14 =	vsub.f32 v14, v3;
	v16 =	vsel vm0, $0x3F800000, v0;
	vm0 =	vgt.f32 v19, $8.000000110e-01  }
0x55: {  	v17 =	vld [tilespmem:s20+$0x2070]  }
0x56: {  	v15 =	vsub.f32 v15, v3;
	v16 =	vsub.f32 v16, v3;
	v18 =	vld [tilespmem:s20+$0x2000]  }
0x57: {  	v19 =	vsel vm0, $0x3F800000, v0;
	v11 =	vand.u32 $0x7FFFFFFF, v11;
	v12 =	vand.u32 $0x7FFFFFFF, v12;
	v20 =	vld [tilespmem:s20+$0x4000]  }
0x58: {  	v13 =	vand.u32 $0x7FFFFFFF, v13;
	v3 =	vsub.f32 v19, v3;
	v14 =	vand.u32 $0x7FFFFFFF, v14;
	v19 =	vld [tilespmem:s20+$0x2010]  }
0x59: {  	v11 =	vadd.f32 v11, v10;
	v7 =	vadd.f32 v12, v7;
	v10 =	vand.u32 $0x7FFFFFFF, v16;
	v16 =	vld [tilespmem:s20+$0x2020]  }
0x5a: {  	v8 =	vadd.f32 v13, v8;
	v12 =	vld [tilespmem:s20+$0x2030];
	v15 =	vand.u32 $0x7FFFFFFF, v15;
	v6 =	vadd.f32 v14, v6  }
0x5b: {  	v3 =	vand.u32 $0x7FFFFFFF, v3;
	v9 =	vadd.f32 v15, v9;
	vm0 =	vgt.f32 v17, $8.000000110e-01  }
0x5c: {  	v13 =	vld [tilespmem:s20+$0x2040];
	v15 =	vadd.f32 v10, v5;
	vm1 =	vgt.f32 v18, $8.000000110e-01;
	v14 =	vsel vm0, $0x3F800000, v0  }
0x5d: {  	v10 =	vld [tilespmem:s20+$0x2050];
	v17 =	vadd.f32 v3, v4;
	v5 =	vsel vm1, $0x3F800000, v0;
	v14 =	vsub.f32 v14, v20  }
0x5e: {  	v4 =	vld [tilespmem:s20+$0x2060];
	vm0 =	vgt.f32 v19, $8.000000110e-01;
	v3 =	vsub.f32 v5, v20;
	vm1 =	vgt.f32 v16, $8.000000110e-01  }
0x5f: {  	_ =	swait.ge [sflag:s0], $0x400;
	v5 =	vsel vm0, $0x3F800000, v0;
	vm0 =	vgt.f32 v12, $8.000000110e-01;
	v14 =	vand.u32 $0x7FFFFFFF, v14  }
0x60: {  	[sflag:s0] =	ssyncset.done $0x0;
	v16 =	vsel vm1, $0x3F800000, v0;
	v3 =	vand.u32 $0x7FFFFFFF, v3;
	v12 =	vadd.f32 v14, v2  }
0x61: {  	s21 =	simm.s32 $0x0;
	[sflag:s0] =	ssyncadd.s32 $0xFFFFFC00;
	v2 =	vsub.f32 v5, v20;
	v5 =	vsel vm0, $0x3F800000, v0;
	vm0 =	vgt.f32 v13, $8.000000110e-01  }
0x62: {  	v18 =	vld [tilespmem:s21+$0x2400];
	v13 =	vsub.f32 v16, v20;
	v14 =	vsel vm0, $0x3F800000, v0;
	vm0 =	vgt.f32 v10, $8.000000110e-01  }
0x63: {  	v10 =	vsel vm0, $0x3F800000, v0;
	vm0 =	vgt.f32 v4, $8.000000110e-01;
	v4 =	vsub.f32 v14, v20;
	v14 =	vld [tilespmem:s21+$0x2470]  }
0x64: {  	v5 =	vsub.f32 v5, v20;
	v16 =	vsub.f32 v10, v20;
	v10 =	vsel vm0, $0x3F800000, v0  }
0x65: {  	v3 =	vadd.f32 v3, v11;
	v13 =	vand.u32 $0x7FFFFFFF, v13;
	v19 =	vsub.f32 v10, v20;
	v10 =	vld [tilespmem:s21+$0x4400]  }
0x66: {  	v22 =	vld [tilespmem:s21+$0x2410];
	v2 =	vand.u32 $0x7FFFFFFF, v2;
	v63 =	vand.u32 $0x7FFFFFFF, v5;
	v5 =	vadd.f32 v13, v8  }
0x67: {  	vm1 =	vgt.f32 v18, $8.000000110e-01;
	v11 =	vand.u32 $0x7FFFFFFF, v16;
	v16 =	vand.u32 $0x7FFFFFFF, v19;
	v19 =	vld [tilespmem:s21+$0x2420]  }
0x68: {  	v13 =	vld [tilespmem:s21+$0x2430];
	v21 =	vand.u32 $0x7FFFFFFF, v4;
	v4 =	vadd.f32 v2, v7;
	vm0 =	vgt.f32 v14, $8.000000110e-01  }
0x69: {  	v2 =	vadd.f32 v63, v6;
	v6 =	vadd.f32 v21, v9;
	v14 =	vld [tilespmem:s21+$0x2440];
	v8 =	vsel vm0, $0x3F800000, v0  }
0x6a: {  	v18 =	vld [tilespmem:s21+$0x2450];
	v9 =	vsel vm1, $0x3F800000, v0;
	v7 =	vadd.f32 v11, v15;
	v15 =	vsub.f32 v8, v10  }
0x6b: {  	vm0 =	vgt.f32 v22, $8.000000110e-01;
	v8 =	vadd.f32 v16, v17;
	v11 =	vsub.f32 v9, v10;
	v17 =	vld [tilespmem:s21+$0x2460]  }
0x6c: {  	v16 =	vsel vm0, $0x3F800000, v0;
	vm0 =	vgt.f32 v19, $8.000000110e-01;
	v9 =	vand.u32 $0x7FFFFFFF, v15  }
0x6d: {  	v15 =	vsel vm0, $0x3F800000, v0;
	vm0 =	vgt.f32 v13, $8.000000110e-01;
	v9 =	vadd.f32 v9, v12  }
0x6e: {  	v12 =	vsub.f32 v16, v10;
	v16 =	vsel vm0, $0x3F800000, v0;
	vm0 =	vgt.f32 v14, $8.000000110e-01  }
0x6f: {  	v13 =	vsub.f32 v15, v10;
	v15 =	vsel vm0, $0x3F800000, v0;
	vm0 =	vgt.f32 v18, $8.000000110e-01  }
0x70: {  	s20 =	simm.s32 $0x80;
	s21 =	simm.s32 $0x400;
	v14 =	vsub.f32 v16, v10;
	v16 =	vsel vm0, $0x3F800000, v0;
	vm0 =	vgt.f32 v17, $8.000000110e-01  }
.LBB2_4:
0x71: {  	p0 =	sne.s32 s21, $0xE00;
	v17 =	vld [tilespmem:s20+$0x2470];
	v15 =	vsub.f32 v15, v10;
	v16 =	vsub.f32 v16, v10;
	v18 =	vsel vm0, $0x3F800000, v0  }
0x72: {  	v11 =	vand.u32 $0x7FFFFFFF, v11;
	v12 =	vand.u32 $0x7FFFFFFF, v12;
	v19 =	vld [tilespmem:s20+$0x2400];
	v18 =	vsub.f32 v18, v10  }
0x73: {  	v13 =	vand.u32 $0x7FFFFFFF, v13;
	v14 =	vand.u32 $0x7FFFFFFF, v14;
	v10 =	vld [tilespmem:s20+$0x4400];
	v15 =	vand.u32 $0x7FFFFFFF, v15  }
0x74: {  	v3 =	vadd.f32 v11, v3;
	v11 =	vand.u32 $0x7FFFFFFF, v16;
	v20 =	vld [tilespmem:s20+$0x2410];
	v16 =	vand.u32 $0x7FFFFFFF, v18  }
0x75: {  	v4 =	vadd.f32 v12, v4;
	v5 =	vadd.f32 v13, v5;
	v18 =	vld [tilespmem:s20+$0x2420]  }
0x76: {  	v2 =	vadd.f32 v14, v2;
	v6 =	vadd.f32 v15, v6;
	v12 =	vld [tilespmem:s20+$0x2430];
	vm0 =	vgt.f32 v17, $8.000000110e-01  }
0x77: {  	v7 =	vadd.f32 v11, v7;
	vm1 =	vgt.f32 v19, $8.000000110e-01;
	v13 =	vld [tilespmem:s20+$0x2440];
	v14 =	vsel vm0, $0x3F800000, v0  }
0x78: {  	v8 =	vadd.f32 v16, v8;
	v11 =	vsel vm1, $0x3F800000, v0;
	v17 =	vld [tilespmem:s20+$0x2450];
	v14 =	vsub.f32 v14, v10  }
0x79: {  	v11 =	vsub.f32 v11, v10;
	vm0 =	vgt.f32 v20, $8.000000110e-01;
	v19 =	vld [tilespmem:s20+$0x2460]  }
.Ltmp1:
0x7a: {  	v15 =	vsel vm0, $0x3F800000, v0;
	vm0 =	vgt.f32 v18, $8.000000110e-01;
	v14 =	vand.u32 $0x7FFFFFFF, v14;
	(pc) =	sbr.rel @p0 .LBB2_4-.Ltmp1, $4  }
0x7b: {  	v16 =	vsel vm0, $0x3F800000, v0;
	vm0 =	vgt.f32 v12, $8.000000110e-01;
	v9 =	vadd.f32 v14, v9  }
0x7c: {  	v12 =	vsub.f32 v15, v10;
	v14 =	vsel vm0, $0x3F800000, v0;
	vm0 =	vgt.f32 v13, $8.000000110e-01  }
0x7d: {  	v13 =	vsub.f32 v16, v10;
	v15 =	vsel vm0, $0x3F800000, v0;
	vm0 =	vgt.f32 v17, $8.000000110e-01  }
0x7e: {  	s20 =	sshra.s32 s21, $0x2;
	s21 =	sadd.s32 $0x200, s21;
	v14 =	vsub.f32 v14, v10;
	v16 =	vsel vm0, $0x3F800000, v0;
	vm0 =	vgt.f32 v19, $8.000000110e-01  }
0x7f: {  	v17 =	vld [tilespmem:s20+$0x2470]  }
0x80: {  	v15 =	vsub.f32 v15, v10;
	v18 =	vld [tilespmem:s20+$0x2400]  }
0x81: {  	v16 =	vsub.f32 v16, v10;
	v19 =	vsel vm0, $0x3F800000, v0;
	v11 =	vand.u32 $0x7FFFFFFF, v11;
	v20 =	vld [tilespmem:s20+$0x4400]  }
0x82: {  	v12 =	vand.u32 $0x7FFFFFFF, v12;
	v13 =	vand.u32 $0x7FFFFFFF, v13;
	v10 =	vsub.f32 v19, v10;
	v19 =	vld [tilespmem:s20+$0x2410]  }
0x83: {  	v14 =	vand.u32 $0x7FFFFFFF, v14;
	v3 =	vadd.f32 v11, v3;
	v4 =	vadd.f32 v12, v4;
	v12 =	vld [tilespmem:s20+$0x2430]  }
0x84: {  	v5 =	vadd.f32 v13, v5;
	v15 =	vand.u32 $0x7FFFFFFF, v15;
	v11 =	vand.u32 $0x7FFFFFFF, v16;
	v16 =	vld [tilespmem:s20+$0x2420]  }
0x85: {  	v2 =	vadd.f32 v14, v2;
	v10 =	vand.u32 $0x7FFFFFFF, v10;
	v6 =	vadd.f32 v15, v6  }
0x86: {  	v7 =	vadd.f32 v11, v7;
	vm0 =	vgt.f32 v17, $8.000000110e-01;
	vm1 =	vgt.f32 v18, $8.000000110e-01  }
0x87: {  	v13 =	vld [tilespmem:s20+$0x2440];
	v8 =	vadd.f32 v10, v8;
	v14 =	vsel vm0, $0x3F800000, v0;
	v11 =	vsel vm1, $0x3F800000, v0  }
0x88: {  	v15 =	vld [tilespmem:s20+$0x2450];
	vm0 =	vgt.f32 v19, $8.000000110e-01;
	v14 =	vsub.f32 v14, v20;
	v10 =	vsub.f32 v11, v20  }
0x89: {  	v11 =	vld [tilespmem:s20+$0x2460];
	vm1 =	vgt.f32 v16, $8.000000110e-01;
	v16 =	vsel vm0, $0x3F800000, v0;
	vm0 =	vgt.f32 v12, $8.000000110e-01  }
0x8a: {  	_ =	swait.ge [sflag:s2], $0x400;
	v17 =	vsel vm1, $0x3F800000, v0;
	v12 =	vsub.f32 v16, v20;
	v14 =	vand.u32 $0x7FFFFFFF, v14  }
0x8b: {  	[sflag:s2] =	ssyncset.done $0x0;
	v18 =	vand.u32 $0x7FFFFFFF, v10;
	v9 =	vadd.f32 v14, v9;
	v14 =	vsel vm0, $0x3F800000, v0  }
0x8c: {  	s21 =	simm.s32 $0x0;
	[sflag:s2] =	ssyncadd.s32 $0xFFFFFC00;
	vm0 =	vgt.f32 v13, $8.000000110e-01;
	v13 =	vsub.f32 v17, v20;
	v12 =	vand.u32 $0x7FFFFFFF, v12  }
0x8d: {  	v19 =	vld [tilespmem:s21+$0x2800];
	v16 =	vsel vm0, $0x3F800000, v0;
	vm0 =	vgt.f32 v15, $8.000000110e-01;
	v14 =	vsub.f32 v14, v20  }
0x8e: {  	v15 =	vsel vm0, $0x3F800000, v0;
	vm0 =	vgt.f32 v11, $8.000000110e-01;
	v11 =	vsub.f32 v16, v20;
	v16 =	vld [tilespmem:s21+$0x2870]  }
0x8f: {  	v10 =	vld [tilespmem:s21+$0x4800];
	v3 =	vadd.f32 v18, v3;
	v4 =	vadd.f32 v12, v4;
	v13 =	vand.u32 $0x7FFFFFFF, v13  }
0x90: {  	v18 =	vld [tilespmem:s21+$0x2810];
	v15 =	vsub.f32 v15, v20;
	v17 =	vsel vm0, $0x3F800000, v0;
	v14 =	vand.u32 $0x7FFFFFFF, v14  }
0x91: {  	v12 =	vld [tilespmem:s21+$0x2820];
	v5 =	vadd.f32 v13, v5;
	v17 =	vsub.f32 v17, v20;
	v11 =	vand.u32 $0x7FFFFFFF, v11  }
0x92: {  	v13 =	vld [tilespmem:s21+$0x2830];
	v2 =	vadd.f32 v14, v2;
	v15 =	vand.u32 $0x7FFFFFFF, v15;
	v6 =	vadd.f32 v11, v6  }
0x93: {  	vm1 =	vgt.f32 v19, $8.000000110e-01;
	v17 =	vand.u32 $0x7FFFFFFF, v17;
	vm0 =	vgt.f32 v16, $8.000000110e-01  }
0x94: {  	v14 =	vld [tilespmem:s21+$0x2840];
	v7 =	vadd.f32 v15, v7;
	v15 =	vsel vm1, $0x3F800000, v0;
	v11 =	vsel vm0, $0x3F800000, v0  }
0x95: {  	v16 =	vld [tilespmem:s21+$0x2850];
	v8 =	vadd.f32 v17, v8;
	vm0 =	vgt.f32 v18, $8.000000110e-01;
	v19 =	vsub.f32 v11, v10  }
0x96: {  	v17 =	vld [tilespmem:s21+$0x2860];
	v11 =	vsub.f32 v15, v10;
	v15 =	vsel vm0, $0x3F800000, v0;
	vm0 =	vgt.f32 v12, $8.000000110e-01  }
0x97: {  	v18 =	vsel vm0, $0x3F800000, v0;
	vm0 =	vgt.f32 v13, $8.000000110e-01  }
0x98: {  	v12 =	vand.u32 $0x7FFFFFFF, v19;
	v19 =	vsel vm0, $0x3F800000, v0  }
0x99: {  	vm0 =	vgt.f32 v14, $8.000000110e-01;
	v13 =	vsub.f32 v18, v10;
	v9 =	vadd.f32 v12, v9  }
0x9a: {  	v12 =	vsub.f32 v15, v10;
	v15 =	vsel vm0, $0x3F800000, v0;
	vm0 =	vgt.f32 v16, $8.000000110e-01  }
0x9b: {  	s20 =	simm.s32 $0x80;
	s21 =	simm.s32 $0x400;
	v14 =	vsub.f32 v19, v10;
	v16 =	vsel vm0, $0x3F800000, v0;
	vm0 =	vgt.f32 v17, $8.000000110e-01  }
.LBB2_6:
0x9c: {  	p0 =	sne.s32 s21, $0xE00;
	v17 =	vld [tilespmem:s20+$0x2870];
	v15 =	vsub.f32 v15, v10;
	v16 =	vsub.f32 v16, v10;
	v18 =	vsel vm0, $0x3F800000, v0  }
0x9d: {  	v11 =	vand.u32 $0x7FFFFFFF, v11;
	v12 =	vand.u32 $0x7FFFFFFF, v12;
	v19 =	vld [tilespmem:s20+$0x2800];
	v18 =	vsub.f32 v18, v10  }
0x9e: {  	v13 =	vand.u32 $0x7FFFFFFF, v13;
	v14 =	vand.u32 $0x7FFFFFFF, v14;
	v10 =	vld [tilespmem:s20+$0x4800];
	v15 =	vand.u32 $0x7FFFFFFF, v15  }
0x9f: {  	v3 =	vadd.f32 v11, v3;
	v11 =	vand.u32 $0x7FFFFFFF, v16;
	v20 =	vld [tilespmem:s20+$0x2810];
	v16 =	vand.u32 $0x7FFFFFFF, v18  }
0xa0: {  	v4 =	vadd.f32 v12, v4;
	v5 =	vadd.f32 v13, v5;
	v18 =	vld [tilespmem:s20+$0x2820]  }
0xa1: {  	v2 =	vadd.f32 v14, v2;
	v6 =	vadd.f32 v15, v6;
	v12 =	vld [tilespmem:s20+$0x2830];
	vm0 =	vgt.f32 v17, $8.000000110e-01  }
0xa2: {  	v7 =	vadd.f32 v11, v7;
	vm1 =	vgt.f32 v19, $8.000000110e-01;
	v13 =	vld [tilespmem:s20+$0x2840];
	v14 =	vsel vm0, $0x3F800000, v0  }
0xa3: {  	v8 =	vadd.f32 v16, v8;
	v11 =	vsel vm1, $0x3F800000, v0;
	v17 =	vld [tilespmem:s20+$0x2850];
	v14 =	vsub.f32 v14, v10  }
0xa4: {  	v11 =	vsub.f32 v11, v10;
	vm0 =	vgt.f32 v20, $8.000000110e-01;
	v19 =	vld [tilespmem:s20+$0x2860]  }
.Ltmp2:
0xa5: {  	v15 =	vsel vm0, $0x3F800000, v0;
	vm0 =	vgt.f32 v18, $8.000000110e-01;
	v14 =	vand.u32 $0x7FFFFFFF, v14;
	(pc) =	sbr.rel @p0 .LBB2_6-.Ltmp2, $4  }
0xa6: {  	v16 =	vsel vm0, $0x3F800000, v0;
	vm0 =	vgt.f32 v12, $8.000000110e-01;
	v9 =	vadd.f32 v14, v9  }
0xa7: {  	v12 =	vsub.f32 v15, v10;
	v14 =	vsel vm0, $0x3F800000, v0;
	vm0 =	vgt.f32 v13, $8.000000110e-01  }
0xa8: {  	v13 =	vsub.f32 v16, v10;
	v15 =	vsel vm0, $0x3F800000, v0;
	vm0 =	vgt.f32 v17, $8.000000110e-01  }
0xa9: {  	s20 =	sshra.s32 s21, $0x2;
	s21 =	sadd.s32 $0x200, s21;
	v14 =	vsub.f32 v14, v10;
	v16 =	vsel vm0, $0x3F800000, v0;
	vm0 =	vgt.f32 v19, $8.000000110e-01  }
0xaa: {  	v17 =	vld [tilespmem:s20+$0x2870]  }
0xab: {  	v15 =	vsub.f32 v15, v10;
	v18 =	vld [tilespmem:s20+$0x2800]  }
0xac: {  	v16 =	vsub.f32 v16, v10;
	v19 =	vsel vm0, $0x3F800000, v0;
	v11 =	vand.u32 $0x7FFFFFFF, v11;
	v20 =	vld [tilespmem:s20+$0x4800]  }
0xad: {  	v12 =	vand.u32 $0x7FFFFFFF, v12;
	v13 =	vand.u32 $0x7FFFFFFF, v13;
	v10 =	vsub.f32 v19, v10;
	v19 =	vld [tilespmem:s20+$0x2810]  }
0xae: {  	v14 =	vand.u32 $0x7FFFFFFF, v14;
	v3 =	vadd.f32 v11, v3;
	v4 =	vadd.f32 v12, v4;
	v12 =	vld [tilespmem:s20+$0x2830]  }
0xaf: {  	v5 =	vadd.f32 v13, v5;
	v15 =	vand.u32 $0x7FFFFFFF, v15;
	v11 =	vand.u32 $0x7FFFFFFF, v16;
	v16 =	vld [tilespmem:s20+$0x2820]  }
0xb0: {  	v2 =	vadd.f32 v14, v2;
	v10 =	vand.u32 $0x7FFFFFFF, v10;
	v6 =	vadd.f32 v15, v6  }
0xb1: {  	v7 =	vadd.f32 v11, v7;
	vm0 =	vgt.f32 v17, $8.000000110e-01;
	vm1 =	vgt.f32 v18, $8.000000110e-01  }
0xb2: {  	v13 =	vld [tilespmem:s20+$0x2840];
	v8 =	vadd.f32 v10, v8;
	v14 =	vsel vm0, $0x3F800000, v0;
	v11 =	vsel vm1, $0x3F800000, v0  }
0xb3: {  	v15 =	vld [tilespmem:s20+$0x2850];
	vm0 =	vgt.f32 v19, $8.000000110e-01;
	v14 =	vsub.f32 v14, v20;
	v10 =	vsub.f32 v11, v20  }
0xb4: {  	v11 =	vld [tilespmem:s20+$0x2860];
	vm1 =	vgt.f32 v16, $8.000000110e-01;
	v16 =	vsel vm0, $0x3F800000, v0;
	vm0 =	vgt.f32 v12, $8.000000110e-01  }
0xb5: {  	_ =	swait.ge [sflag:s3], $0x400;
	v17 =	vsel vm1, $0x3F800000, v0;
	v12 =	vsub.f32 v16, v20;
	v14 =	vand.u32 $0x7FFFFFFF, v14  }
0xb6: {  	[sflag:s3] =	ssyncset.done $0x0;
	v18 =	vand.u32 $0x7FFFFFFF, v10;
	v9 =	vadd.f32 v14, v9;
	v14 =	vsel vm0, $0x3F800000, v0  }
0xb7: {  	s21 =	simm.s32 $0x0;
	[sflag:s3] =	ssyncadd.s32 $0xFFFFFC00;
	vm0 =	vgt.f32 v13, $8.000000110e-01;
	v13 =	vsub.f32 v17, v20;
	v12 =	vand.u32 $0x7FFFFFFF, v12  }
0xb8: {  	v19 =	vld [tilespmem:s21+$0x2C00];
	v16 =	vsel vm0, $0x3F800000, v0;
	vm0 =	vgt.f32 v15, $8.000000110e-01;
	v14 =	vsub.f32 v14, v20  }
0xb9: {  	v15 =	vsel vm0, $0x3F800000, v0;
	vm0 =	vgt.f32 v11, $8.000000110e-01;
	v11 =	vsub.f32 v16, v20;
	v16 =	vld [tilespmem:s21+$0x2C70]  }
0xba: {  	v10 =	vld [tilespmem:s21+$0x4C00];
	v3 =	vadd.f32 v18, v3;
	v4 =	vadd.f32 v12, v4;
	v13 =	vand.u32 $0x7FFFFFFF, v13  }
0xbb: {  	v18 =	vld [tilespmem:s21+$0x2C10];
	v15 =	vsub.f32 v15, v20;
	v17 =	vsel vm0, $0x3F800000, v0;
	v14 =	vand.u32 $0x7FFFFFFF, v14  }
0xbc: {  	v12 =	vld [tilespmem:s21+$0x2C20];
	v5 =	vadd.f32 v13, v5;
	v17 =	vsub.f32 v17, v20;
	v11 =	vand.u32 $0x7FFFFFFF, v11  }
0xbd: {  	v13 =	vld [tilespmem:s21+$0x2C30];
	v2 =	vadd.f32 v14, v2;
	v15 =	vand.u32 $0x7FFFFFFF, v15;
	v6 =	vadd.f32 v11, v6  }
0xbe: {  	vm1 =	vgt.f32 v19, $8.000000110e-01;
	v17 =	vand.u32 $0x7FFFFFFF, v17;
	vm0 =	vgt.f32 v16, $8.000000110e-01  }
0xbf: {  	v14 =	vld [tilespmem:s21+$0x2C40];
	v7 =	vadd.f32 v15, v7;
	v15 =	vsel vm1, $0x3F800000, v0;
	v11 =	vsel vm0, $0x3F800000, v0  }
0xc0: {  	v16 =	vld [tilespmem:s21+$0x2C50];
	v8 =	vadd.f32 v17, v8;
	vm0 =	vgt.f32 v18, $8.000000110e-01;
	v19 =	vsub.f32 v11, v10  }
0xc1: {  	v17 =	vld [tilespmem:s21+$0x2C60];
	v11 =	vsub.f32 v15, v10;
	v15 =	vsel vm0, $0x3F800000, v0;
	vm0 =	vgt.f32 v12, $8.000000110e-01  }
0xc2: {  	v18 =	vsel vm0, $0x3F800000, v0;
	vm0 =	vgt.f32 v13, $8.000000110e-01  }
0xc3: {  	v12 =	vand.u32 $0x7FFFFFFF, v19;
	v19 =	vsel vm0, $0x3F800000, v0  }
0xc4: {  	vm0 =	vgt.f32 v14, $8.000000110e-01;
	v13 =	vsub.f32 v18, v10;
	v9 =	vadd.f32 v12, v9  }
0xc5: {  	v12 =	vsub.f32 v15, v10;
	v15 =	vsel vm0, $0x3F800000, v0;
	vm0 =	vgt.f32 v16, $8.000000110e-01  }
0xc6: {  	s20 =	simm.s32 $0x80;
	s21 =	simm.s32 $0x400;
	v14 =	vsub.f32 v19, v10;
	v16 =	vsel vm0, $0x3F800000, v0;
	vm0 =	vgt.f32 v17, $8.000000110e-01  }
.LBB2_8:
0xc7: {  	p0 =	sne.s32 s21, $0xE00;
	v17 =	vld [tilespmem:s20+$0x2C70];
	v15 =	vsub.f32 v15, v10;
	v16 =	vsub.f32 v16, v10;
	v18 =	vsel vm0, $0x3F800000, v0  }
0xc8: {  	v11 =	vand.u32 $0x7FFFFFFF, v11;
	v12 =	vand.u32 $0x7FFFFFFF, v12;
	v19 =	vld [tilespmem:s20+$0x2C00];
	v18 =	vsub.f32 v18, v10  }
0xc9: {  	v13 =	vand.u32 $0x7FFFFFFF, v13;
	v14 =	vand.u32 $0x7FFFFFFF, v14;
	v10 =	vld [tilespmem:s20+$0x4C00];
	v15 =	vand.u32 $0x7FFFFFFF, v15  }
0xca: {  	v3 =	vadd.f32 v11, v3;
	v11 =	vand.u32 $0x7FFFFFFF, v16;
	v20 =	vld [tilespmem:s20+$0x2C10];
	v16 =	vand.u32 $0x7FFFFFFF, v18  }
0xcb: {  	v4 =	vadd.f32 v12, v4;
	v5 =	vadd.f32 v13, v5;
	v18 =	vld [tilespmem:s20+$0x2C20]  }
0xcc: {  	v2 =	vadd.f32 v14, v2;
	v6 =	vadd.f32 v15, v6;
	v12 =	vld [tilespmem:s20+$0x2C30];
	vm0 =	vgt.f32 v17, $8.000000110e-01  }
0xcd: {  	v7 =	vadd.f32 v11, v7;
	vm1 =	vgt.f32 v19, $8.000000110e-01;
	v13 =	vld [tilespmem:s20+$0x2C40];
	v14 =	vsel vm0, $0x3F800000, v0  }
0xce: {  	v8 =	vadd.f32 v16, v8;
	v11 =	vsel vm1, $0x3F800000, v0;
	v17 =	vld [tilespmem:s20+$0x2C50];
	v14 =	vsub.f32 v14, v10  }
0xcf: {  	v11 =	vsub.f32 v11, v10;
	vm0 =	vgt.f32 v20, $8.000000110e-01;
	v19 =	vld [tilespmem:s20+$0x2C60]  }
.Ltmp3:
0xd0: {  	v15 =	vsel vm0, $0x3F800000, v0;
	vm0 =	vgt.f32 v18, $8.000000110e-01;
	v14 =	vand.u32 $0x7FFFFFFF, v14;
	(pc) =	sbr.rel @p0 .LBB2_8-.Ltmp3, $4  }
0xd1: {  	v16 =	vsel vm0, $0x3F800000, v0;
	vm0 =	vgt.f32 v12, $8.000000110e-01;
	v9 =	vadd.f32 v14, v9  }
0xd2: {  	v12 =	vsub.f32 v15, v10;
	v14 =	vsel vm0, $0x3F800000, v0;
	vm0 =	vgt.f32 v13, $8.000000110e-01  }
0xd3: {  	v13 =	vsub.f32 v16, v10;
	v15 =	vsel vm0, $0x3F800000, v0;
	vm0 =	vgt.f32 v17, $8.000000110e-01  }
0xd4: {  	s20 =	sshra.s32 s21, $0x2;
	s21 =	sadd.s32 $0x200, s21;
	v14 =	vsub.f32 v14, v10;
	v16 =	vsel vm0, $0x3F800000, v0;
	vm0 =	vgt.f32 v19, $8.000000110e-01  }
0xd5: {  	v17 =	vld [tilespmem:s20+$0x2C70]  }
0xd6: {  	v15 =	vsub.f32 v15, v10;
	v18 =	vld [tilespmem:s20+$0x2C00]  }
0xd7: {  	v16 =	vsub.f32 v16, v10;
	v19 =	vsel vm0, $0x3F800000, v0;
	v11 =	vand.u32 $0x7FFFFFFF, v11;
	v20 =	vld [tilespmem:s20+$0x4C00]  }
0xd8: {  	v12 =	vand.u32 $0x7FFFFFFF, v12;
	v13 =	vand.u32 $0x7FFFFFFF, v13;
	v10 =	vsub.f32 v19, v10;
	v19 =	vld [tilespmem:s20+$0x2C10]  }
0xd9: {  	v14 =	vand.u32 $0x7FFFFFFF, v14;
	v3 =	vadd.f32 v11, v3;
	v4 =	vadd.f32 v12, v4;
	v12 =	vld [tilespmem:s20+$0x2C30]  }
0xda: {  	v5 =	vadd.f32 v13, v5;
	v15 =	vand.u32 $0x7FFFFFFF, v15;
	v11 =	vand.u32 $0x7FFFFFFF, v16;
	v16 =	vld [tilespmem:s20+$0x2C20]  }
0xdb: {  	v2 =	vadd.f32 v14, v2;
	v10 =	vand.u32 $0x7FFFFFFF, v10;
	v6 =	vadd.f32 v15, v6  }
0xdc: {  	v7 =	vadd.f32 v11, v7;
	vm0 =	vgt.f32 v17, $8.000000110e-01;
	vm1 =	vgt.f32 v18, $8.000000110e-01  }
0xdd: {  	v13 =	vld [tilespmem:s20+$0x2C40];
	v8 =	vadd.f32 v10, v8;
	v14 =	vsel vm0, $0x3F800000, v0;
	v11 =	vsel vm1, $0x3F800000, v0  }
0xde: {  	v15 =	vld [tilespmem:s20+$0x2C50];
	vm0 =	vgt.f32 v19, $8.000000110e-01;
	v14 =	vsub.f32 v14, v20;
	v10 =	vsub.f32 v11, v20  }
0xdf: {  	v11 =	vld [tilespmem:s20+$0x2C60];
	vm1 =	vgt.f32 v16, $8.000000110e-01;
	v16 =	vsel vm0, $0x3F800000, v0;
	vm0 =	vgt.f32 v12, $8.000000110e-01  }
0xe0: {  	_ =	swait.ge [sflag:s11], $0x400;
	v17 =	vsel vm1, $0x3F800000, v0;
	v12 =	vsub.f32 v16, v20;
	v14 =	vand.u32 $0x7FFFFFFF, v14  }
0xe1: {  	[sflag:s11] =	ssyncset.done $0x0;
	v18 =	vand.u32 $0x7FFFFFFF, v10;
	v9 =	vadd.f32 v14, v9;
	v14 =	vsel vm0, $0x3F800000, v0  }
0xe2: {  	s21 =	simm.s32 $0x0;
	[sflag:s11] =	ssyncadd.s32 $0xFFFFFC00;
	vm0 =	vgt.f32 v13, $8.000000110e-01;
	v13 =	vsub.f32 v17, v20;
	v12 =	vand.u32 $0x7FFFFFFF, v12  }
0xe3: {  	v19 =	vld [tilespmem:s21+$0x3000];
	v16 =	vsel vm0, $0x3F800000, v0;
	vm0 =	vgt.f32 v15, $8.000000110e-01;
	v14 =	vsub.f32 v14, v20  }
0xe4: {  	v15 =	vsel vm0, $0x3F800000, v0;
	vm0 =	vgt.f32 v11, $8.000000110e-01;
	v11 =	vsub.f32 v16, v20;
	v16 =	vld [tilespmem:s21+$0x3070]  }
0xe5: {  	v10 =	vld [tilespmem:s21+$0x5000];
	v3 =	vadd.f32 v18, v3;
	v4 =	vadd.f32 v12, v4;
	v13 =	vand.u32 $0x7FFFFFFF, v13  }
0xe6: {  	v18 =	vld [tilespmem:s21+$0x3010];
	v15 =	vsub.f32 v15, v20;
	v17 =	vsel vm0, $0x3F800000, v0;
	v14 =	vand.u32 $0x7FFFFFFF, v14  }
0xe7: {  	v12 =	vld [tilespmem:s21+$0x3020];
	v5 =	vadd.f32 v13, v5;
	v17 =	vsub.f32 v17, v20;
	v11 =	vand.u32 $0x7FFFFFFF, v11  }
0xe8: {  	v13 =	vld [tilespmem:s21+$0x3030];
	v2 =	vadd.f32 v14, v2;
	v15 =	vand.u32 $0x7FFFFFFF, v15;
	v6 =	vadd.f32 v11, v6  }
0xe9: {  	vm1 =	vgt.f32 v19, $8.000000110e-01;
	v17 =	vand.u32 $0x7FFFFFFF, v17;
	vm0 =	vgt.f32 v16, $8.000000110e-01  }
0xea: {  	v14 =	vld [tilespmem:s21+$0x3040];
	v7 =	vadd.f32 v15, v7;
	v15 =	vsel vm1, $0x3F800000, v0;
	v11 =	vsel vm0, $0x3F800000, v0  }
0xeb: {  	v16 =	vld [tilespmem:s21+$0x3050];
	v8 =	vadd.f32 v17, v8;
	vm0 =	vgt.f32 v18, $8.000000110e-01;
	v19 =	vsub.f32 v11, v10  }
0xec: {  	v17 =	vld [tilespmem:s21+$0x3060];
	v11 =	vsub.f32 v15, v10;
	v15 =	vsel vm0, $0x3F800000, v0;
	vm0 =	vgt.f32 v12, $8.000000110e-01  }
0xed: {  	v18 =	vsel vm0, $0x3F800000, v0;
	vm0 =	vgt.f32 v13, $8.000000110e-01  }
0xee: {  	v12 =	vand.u32 $0x7FFFFFFF, v19;
	v19 =	vsel vm0, $0x3F800000, v0  }
0xef: {  	vm0 =	vgt.f32 v14, $8.000000110e-01;
	v13 =	vsub.f32 v18, v10;
	v9 =	vadd.f32 v12, v9  }
0xf0: {  	v12 =	vsub.f32 v15, v10;
	v15 =	vsel vm0, $0x3F800000, v0;
	vm0 =	vgt.f32 v16, $8.000000110e-01  }
0xf1: {  	s20 =	simm.s32 $0x80;
	s21 =	simm.s32 $0x400;
	v14 =	vsub.f32 v19, v10;
	v16 =	vsel vm0, $0x3F800000, v0;
	vm0 =	vgt.f32 v17, $8.000000110e-01  }
.LBB2_10:
0xf2: {  	p0 =	sne.s32 s21, $0xE00;
	v17 =	vld [tilespmem:s20+$0x3070];
	v15 =	vsub.f32 v15, v10;
	v16 =	vsub.f32 v16, v10;
	v18 =	vsel vm0, $0x3F800000, v0  }
0xf3: {  	v11 =	vand.u32 $0x7FFFFFFF, v11;
	v12 =	vand.u32 $0x7FFFFFFF, v12;
	v19 =	vld [tilespmem:s20+$0x3000];
	v18 =	vsub.f32 v18, v10  }
0xf4: {  	v13 =	vand.u32 $0x7FFFFFFF, v13;
	v14 =	vand.u32 $0x7FFFFFFF, v14;
	v10 =	vld [tilespmem:s20+$0x5000];
	v15 =	vand.u32 $0x7FFFFFFF, v15  }
0xf5: {  	v3 =	vadd.f32 v11, v3;
	v11 =	vand.u32 $0x7FFFFFFF, v16;
	v20 =	vld [tilespmem:s20+$0x3010];
	v16 =	vand.u32 $0x7FFFFFFF, v18  }
0xf6: {  	v4 =	vadd.f32 v12, v4;
	v5 =	vadd.f32 v13, v5;
	v18 =	vld [tilespmem:s20+$0x3020]  }
0xf7: {  	v2 =	vadd.f32 v14, v2;
	v6 =	vadd.f32 v15, v6;
	v12 =	vld [tilespmem:s20+$0x3030];
	vm0 =	vgt.f32 v17, $8.000000110e-01  }
0xf8: {  	v7 =	vadd.f32 v11, v7;
	vm1 =	vgt.f32 v19, $8.000000110e-01;
	v13 =	vld [tilespmem:s20+$0x3040];
	v14 =	vsel vm0, $0x3F800000, v0  }
0xf9: {  	v8 =	vadd.f32 v16, v8;
	v11 =	vsel vm1, $0x3F800000, v0;
	v17 =	vld [tilespmem:s20+$0x3050];
	v14 =	vsub.f32 v14, v10  }
0xfa: {  	v11 =	vsub.f32 v11, v10;
	vm0 =	vgt.f32 v20, $8.000000110e-01;
	v19 =	vld [tilespmem:s20+$0x3060]  }
.Ltmp4:
0xfb: {  	v15 =	vsel vm0, $0x3F800000, v0;
	vm0 =	vgt.f32 v18, $8.000000110e-01;
	v14 =	vand.u32 $0x7FFFFFFF, v14;
	(pc) =	sbr.rel @p0 .LBB2_10-.Ltmp4, $4  }
0xfc: {  	v16 =	vsel vm0, $0x3F800000, v0;
	vm0 =	vgt.f32 v12, $8.000000110e-01;
	v9 =	vadd.f32 v14, v9  }
0xfd: {  	v12 =	vsub.f32 v15, v10;
	v14 =	vsel vm0, $0x3F800000, v0;
	vm0 =	vgt.f32 v13, $8.000000110e-01  }
0xfe: {  	v13 =	vsub.f32 v16, v10;
	v15 =	vsel vm0, $0x3F800000, v0;
	vm0 =	vgt.f32 v17, $8.000000110e-01  }
0xff: {  	s20 =	sshra.s32 s21, $0x2;
	s21 =	sadd.s32 $0x200, s21;
	v14 =	vsub.f32 v14, v10;
	v16 =	vsel vm0, $0x3F800000, v0;
	vm0 =	vgt.f32 v19, $8.000000110e-01  }
0x100: {  	v17 =	vld [tilespmem:s20+$0x3070]  }
0x101: {  	v15 =	vsub.f32 v15, v10;
	v18 =	vld [tilespmem:s20+$0x3000]  }
0x102: {  	v16 =	vsub.f32 v16, v10;
	v19 =	vsel vm0, $0x3F800000, v0;
	v11 =	vand.u32 $0x7FFFFFFF, v11;
	v20 =	vld [tilespmem:s20+$0x5000]  }
0x103: {  	v12 =	vand.u32 $0x7FFFFFFF, v12;
	v13 =	vand.u32 $0x7FFFFFFF, v13;
	v10 =	vsub.f32 v19, v10;
	v19 =	vld [tilespmem:s20+$0x3010]  }
0x104: {  	v14 =	vand.u32 $0x7FFFFFFF, v14;
	v3 =	vadd.f32 v11, v3;
	v4 =	vadd.f32 v12, v4;
	v12 =	vld [tilespmem:s20+$0x3030]  }
0x105: {  	v5 =	vadd.f32 v13, v5;
	v15 =	vand.u32 $0x7FFFFFFF, v15;
	v11 =	vand.u32 $0x7FFFFFFF, v16;
	v16 =	vld [tilespmem:s20+$0x3020]  }
0x106: {  	v2 =	vadd.f32 v14, v2;
	v10 =	vand.u32 $0x7FFFFFFF, v10;
	v6 =	vadd.f32 v15, v6  }
0x107: {  	v7 =	vadd.f32 v11, v7;
	vm0 =	vgt.f32 v17, $8.000000110e-01;
	vm1 =	vgt.f32 v18, $8.000000110e-01  }
0x108: {  	v13 =	vld [tilespmem:s20+$0x3040];
	v8 =	vadd.f32 v10, v8;
	v14 =	vsel vm0, $0x3F800000, v0;
	v11 =	vsel vm1, $0x3F800000, v0  }
0x109: {  	v15 =	vld [tilespmem:s20+$0x3050];
	vm0 =	vgt.f32 v19, $8.000000110e-01;
	v14 =	vsub.f32 v14, v20;
	v10 =	vsub.f32 v11, v20  }
0x10a: {  	v11 =	vld [tilespmem:s20+$0x3060];
	vm1 =	vgt.f32 v16, $8.000000110e-01;
	v16 =	vsel vm0, $0x3F800000, v0;
	vm0 =	vgt.f32 v12, $8.000000110e-01  }
0x10b: {  	_ =	swait.ge [sflag:s14], $0x400;
	v17 =	vsel vm1, $0x3F800000, v0;
	v12 =	vsub.f32 v16, v20;
	v14 =	vand.u32 $0x7FFFFFFF, v14  }
0x10c: {  	[sflag:s14] =	ssyncset.done $0x0;
	v18 =	vand.u32 $0x7FFFFFFF, v10;
	v9 =	vadd.f32 v14, v9;
	v14 =	vsel vm0, $0x3F800000, v0  }
0x10d: {  	s21 =	simm.s32 $0x0;
	[sflag:s14] =	ssyncadd.s32 $0xFFFFFC00;
	vm0 =	vgt.f32 v13, $8.000000110e-01;
	v13 =	vsub.f32 v17, v20;
	v12 =	vand.u32 $0x7FFFFFFF, v12  }
0x10e: {  	v19 =	vld [tilespmem:s21+$0x3400];
	v16 =	vsel vm0, $0x3F800000, v0;
	vm0 =	vgt.f32 v15, $8.000000110e-01;
	v14 =	vsub.f32 v14, v20  }
0x10f: {  	v15 =	vsel vm0, $0x3F800000, v0;
	vm0 =	vgt.f32 v11, $8.000000110e-01;
	v11 =	vsub.f32 v16, v20;
	v16 =	vld [tilespmem:s21+$0x3470]  }
0x110: {  	v10 =	vld [tilespmem:s21+$0x5400];
	v3 =	vadd.f32 v18, v3;
	v4 =	vadd.f32 v12, v4;
	v13 =	vand.u32 $0x7FFFFFFF, v13  }
0x111: {  	v18 =	vld [tilespmem:s21+$0x3410];
	v15 =	vsub.f32 v15, v20;
	v17 =	vsel vm0, $0x3F800000, v0;
	v14 =	vand.u32 $0x7FFFFFFF, v14  }
0x112: {  	v12 =	vld [tilespmem:s21+$0x3420];
	v5 =	vadd.f32 v13, v5;
	v17 =	vsub.f32 v17, v20;
	v11 =	vand.u32 $0x7FFFFFFF, v11  }
0x113: {  	v13 =	vld [tilespmem:s21+$0x3430];
	v2 =	vadd.f32 v14, v2;
	v15 =	vand.u32 $0x7FFFFFFF, v15;
	v6 =	vadd.f32 v11, v6  }
0x114: {  	vm1 =	vgt.f32 v19, $8.000000110e-01;
	v17 =	vand.u32 $0x7FFFFFFF, v17;
	vm0 =	vgt.f32 v16, $8.000000110e-01  }
0x115: {  	v14 =	vld [tilespmem:s21+$0x3440];
	v7 =	vadd.f32 v15, v7;
	v15 =	vsel vm1, $0x3F800000, v0;
	v11 =	vsel vm0, $0x3F800000, v0  }
0x116: {  	v16 =	vld [tilespmem:s21+$0x3450];
	v8 =	vadd.f32 v17, v8;
	vm0 =	vgt.f32 v18, $8.000000110e-01;
	v19 =	vsub.f32 v11, v10  }
0x117: {  	v17 =	vld [tilespmem:s21+$0x3460];
	v11 =	vsub.f32 v15, v10;
	v15 =	vsel vm0, $0x3F800000, v0;
	vm0 =	vgt.f32 v12, $8.000000110e-01  }
0x118: {  	v18 =	vsel vm0, $0x3F800000, v0;
	vm0 =	vgt.f32 v13, $8.000000110e-01  }
0x119: {  	v12 =	vand.u32 $0x7FFFFFFF, v19;
	v19 =	vsel vm0, $0x3F800000, v0  }
0x11a: {  	vm0 =	vgt.f32 v14, $8.000000110e-01;
	v13 =	vsub.f32 v18, v10;
	v9 =	vadd.f32 v12, v9  }
0x11b: {  	v12 =	vsub.f32 v15, v10;
	v15 =	vsel vm0, $0x3F800000, v0;
	vm0 =	vgt.f32 v16, $8.000000110e-01  }
0x11c: {  	s20 =	simm.s32 $0x80;
	s21 =	simm.s32 $0x400;
	v14 =	vsub.f32 v19, v10;
	v16 =	vsel vm0, $0x3F800000, v0;
	vm0 =	vgt.f32 v17, $8.000000110e-01  }
.LBB2_12:
0x11d: {  	p0 =	sne.s32 s21, $0xE00;
	v17 =	vld [tilespmem:s20+$0x3470];
	v15 =	vsub.f32 v15, v10;
	v16 =	vsub.f32 v16, v10;
	v18 =	vsel vm0, $0x3F800000, v0  }
0x11e: {  	v11 =	vand.u32 $0x7FFFFFFF, v11;
	v12 =	vand.u32 $0x7FFFFFFF, v12;
	v19 =	vld [tilespmem:s20+$0x3400];
	v18 =	vsub.f32 v18, v10  }
0x11f: {  	v13 =	vand.u32 $0x7FFFFFFF, v13;
	v14 =	vand.u32 $0x7FFFFFFF, v14;
	v10 =	vld [tilespmem:s20+$0x5400];
	v15 =	vand.u32 $0x7FFFFFFF, v15  }
0x120: {  	v3 =	vadd.f32 v11, v3;
	v11 =	vand.u32 $0x7FFFFFFF, v16;
	v20 =	vld [tilespmem:s20+$0x3410];
	v16 =	vand.u32 $0x7FFFFFFF, v18  }
0x121: {  	v4 =	vadd.f32 v12, v4;
	v5 =	vadd.f32 v13, v5;
	v18 =	vld [tilespmem:s20+$0x3420]  }
0x122: {  	v2 =	vadd.f32 v14, v2;
	v6 =	vadd.f32 v15, v6;
	v12 =	vld [tilespmem:s20+$0x3430];
	vm0 =	vgt.f32 v17, $8.000000110e-01  }
0x123: {  	v7 =	vadd.f32 v11, v7;
	vm1 =	vgt.f32 v19, $8.000000110e-01;
	v13 =	vld [tilespmem:s20+$0x3440];
	v14 =	vsel vm0, $0x3F800000, v0  }
0x124: {  	v8 =	vadd.f32 v16, v8;
	v11 =	vsel vm1, $0x3F800000, v0;
	v17 =	vld [tilespmem:s20+$0x3450];
	v14 =	vsub.f32 v14, v10  }
0x125: {  	v11 =	vsub.f32 v11, v10;
	vm0 =	vgt.f32 v20, $8.000000110e-01;
	v19 =	vld [tilespmem:s20+$0x3460]  }
.Ltmp5:
0x126: {  	v15 =	vsel vm0, $0x3F800000, v0;
	vm0 =	vgt.f32 v18, $8.000000110e-01;
	v14 =	vand.u32 $0x7FFFFFFF, v14;
	(pc) =	sbr.rel @p0 .LBB2_12-.Ltmp5, $4  }
0x127: {  	v16 =	vsel vm0, $0x3F800000, v0;
	vm0 =	vgt.f32 v12, $8.000000110e-01;
	v9 =	vadd.f32 v14, v9  }
0x128: {  	v12 =	vsub.f32 v15, v10;
	v14 =	vsel vm0, $0x3F800000, v0;
	vm0 =	vgt.f32 v13, $8.000000110e-01  }
0x129: {  	v13 =	vsub.f32 v16, v10;
	v15 =	vsel vm0, $0x3F800000, v0;
	vm0 =	vgt.f32 v17, $8.000000110e-01  }
0x12a: {  	s20 =	sshra.s32 s21, $0x2;
	s21 =	sadd.s32 $0x200, s21;
	v14 =	vsub.f32 v14, v10;
	v16 =	vsel vm0, $0x3F800000, v0;
	vm0 =	vgt.f32 v19, $8.000000110e-01  }
0x12b: {  	v17 =	vld [tilespmem:s20+$0x3470]  }
0x12c: {  	v15 =	vsub.f32 v15, v10;
	v18 =	vld [tilespmem:s20+$0x3400]  }
0x12d: {  	v16 =	vsub.f32 v16, v10;
	v19 =	vsel vm0, $0x3F800000, v0;
	v11 =	vand.u32 $0x7FFFFFFF, v11;
	v20 =	vld [tilespmem:s20+$0x5400]  }
0x12e: {  	v12 =	vand.u32 $0x7FFFFFFF, v12;
	v13 =	vand.u32 $0x7FFFFFFF, v13;
	v10 =	vsub.f32 v19, v10;
	v19 =	vld [tilespmem:s20+$0x3410]  }
0x12f: {  	v14 =	vand.u32 $0x7FFFFFFF, v14;
	v3 =	vadd.f32 v11, v3;
	v4 =	vadd.f32 v12, v4;
	v12 =	vld [tilespmem:s20+$0x3430]  }
0x130: {  	v5 =	vadd.f32 v13, v5;
	v15 =	vand.u32 $0x7FFFFFFF, v15;
	v11 =	vand.u32 $0x7FFFFFFF, v16;
	v16 =	vld [tilespmem:s20+$0x3420]  }
0x131: {  	v2 =	vadd.f32 v14, v2;
	v10 =	vand.u32 $0x7FFFFFFF, v10;
	v6 =	vadd.f32 v15, v6  }
0x132: {  	v7 =	vadd.f32 v11, v7;
	vm0 =	vgt.f32 v17, $8.000000110e-01;
	vm1 =	vgt.f32 v18, $8.000000110e-01  }
0x133: {  	v13 =	vld [tilespmem:s20+$0x3440];
	v8 =	vadd.f32 v10, v8;
	v14 =	vsel vm0, $0x3F800000, v0;
	v11 =	vsel vm1, $0x3F800000, v0  }
0x134: {  	v15 =	vld [tilespmem:s20+$0x3450];
	vm0 =	vgt.f32 v19, $8.000000110e-01;
	v14 =	vsub.f32 v14, v20;
	v10 =	vsub.f32 v11, v20  }
0x135: {  	v11 =	vld [tilespmem:s20+$0x3460];
	vm1 =	vgt.f32 v16, $8.000000110e-01;
	v16 =	vsel vm0, $0x3F800000, v0;
	vm0 =	vgt.f32 v12, $8.000000110e-01  }
0x136: {  	_ =	swait.ge [sflag:s15], $0x400;
	v17 =	vsel vm1, $0x3F800000, v0;
	v12 =	vsub.f32 v16, v20;
	v14 =	vand.u32 $0x7FFFFFFF, v14  }
0x137: {  	[sflag:s15] =	ssyncset.done $0x0;
	v18 =	vand.u32 $0x7FFFFFFF, v10;
	v9 =	vadd.f32 v14, v9;
	v14 =	vsel vm0, $0x3F800000, v0  }
0x138: {  	s21 =	simm.s32 $0x0;
	[sflag:s15] =	ssyncadd.s32 $0xFFFFFC00;
	vm0 =	vgt.f32 v13, $8.000000110e-01;
	v13 =	vsub.f32 v17, v20;
	v12 =	vand.u32 $0x7FFFFFFF, v12  }
0x139: {  	v19 =	vld [tilespmem:s21+$0x3800];
	v16 =	vsel vm0, $0x3F800000, v0;
	vm0 =	vgt.f32 v15, $8.000000110e-01;
	v14 =	vsub.f32 v14, v20  }
0x13a: {  	v15 =	vsel vm0, $0x3F800000, v0;
	vm0 =	vgt.f32 v11, $8.000000110e-01;
	v11 =	vsub.f32 v16, v20;
	v16 =	vld [tilespmem:s21+$0x3870]  }
0x13b: {  	v10 =	vld [tilespmem:s21+$0x5800];
	v3 =	vadd.f32 v18, v3;
	v4 =	vadd.f32 v12, v4;
	v13 =	vand.u32 $0x7FFFFFFF, v13  }
0x13c: {  	v18 =	vld [tilespmem:s21+$0x3810];
	v15 =	vsub.f32 v15, v20;
	v17 =	vsel vm0, $0x3F800000, v0;
	v14 =	vand.u32 $0x7FFFFFFF, v14  }
0x13d: {  	v12 =	vld [tilespmem:s21+$0x3820];
	v5 =	vadd.f32 v13, v5;
	v17 =	vsub.f32 v17, v20;
	v11 =	vand.u32 $0x7FFFFFFF, v11  }
0x13e: {  	v13 =	vld [tilespmem:s21+$0x3830];
	v2 =	vadd.f32 v14, v2;
	v15 =	vand.u32 $0x7FFFFFFF, v15;
	v6 =	vadd.f32 v11, v6  }
0x13f: {  	vm1 =	vgt.f32 v19, $8.000000110e-01;
	v17 =	vand.u32 $0x7FFFFFFF, v17;
	vm0 =	vgt.f32 v16, $8.000000110e-01  }
0x140: {  	v14 =	vld [tilespmem:s21+$0x3840];
	v7 =	vadd.f32 v15, v7;
	v15 =	vsel vm1, $0x3F800000, v0;
	v11 =	vsel vm0, $0x3F800000, v0  }
0x141: {  	v16 =	vld [tilespmem:s21+$0x3850];
	v8 =	vadd.f32 v17, v8;
	vm0 =	vgt.f32 v18, $8.000000110e-01;
	v19 =	vsub.f32 v11, v10  }
0x142: {  	v17 =	vld [tilespmem:s21+$0x3860];
	v11 =	vsub.f32 v15, v10;
	v15 =	vsel vm0, $0x3F800000, v0;
	vm0 =	vgt.f32 v12, $8.000000110e-01  }
0x143: {  	v18 =	vsel vm0, $0x3F800000, v0;
	vm0 =	vgt.f32 v13, $8.000000110e-01  }
0x144: {  	v12 =	vand.u32 $0x7FFFFFFF, v19;
	v19 =	vsel vm0, $0x3F800000, v0  }
0x145: {  	vm0 =	vgt.f32 v14, $8.000000110e-01;
	v13 =	vsub.f32 v18, v10;
	v9 =	vadd.f32 v12, v9  }
0x146: {  	v12 =	vsub.f32 v15, v10;
	v15 =	vsel vm0, $0x3F800000, v0;
	vm0 =	vgt.f32 v16, $8.000000110e-01  }
0x147: {  	s20 =	simm.s32 $0x80;
	s21 =	simm.s32 $0x400;
	v14 =	vsub.f32 v19, v10;
	v16 =	vsel vm0, $0x3F800000, v0;
	vm0 =	vgt.f32 v17, $8.000000110e-01  }
.LBB2_14:
0x148: {  	p0 =	sne.s32 s21, $0xE00;
	v17 =	vld [tilespmem:s20+$0x3870];
	v15 =	vsub.f32 v15, v10;
	v16 =	vsub.f32 v16, v10;
	v18 =	vsel vm0, $0x3F800000, v0  }
0x149: {  	v11 =	vand.u32 $0x7FFFFFFF, v11;
	v12 =	vand.u32 $0x7FFFFFFF, v12;
	v19 =	vld [tilespmem:s20+$0x3800];
	v18 =	vsub.f32 v18, v10  }
0x14a: {  	v13 =	vand.u32 $0x7FFFFFFF, v13;
	v14 =	vand.u32 $0x7FFFFFFF, v14;
	v10 =	vld [tilespmem:s20+$0x5800];
	v15 =	vand.u32 $0x7FFFFFFF, v15  }
0x14b: {  	v3 =	vadd.f32 v11, v3;
	v11 =	vand.u32 $0x7FFFFFFF, v16;
	v20 =	vld [tilespmem:s20+$0x3810];
	v16 =	vand.u32 $0x7FFFFFFF, v18  }
0x14c: {  	v4 =	vadd.f32 v12, v4;
	v5 =	vadd.f32 v13, v5;
	v18 =	vld [tilespmem:s20+$0x3820]  }
0x14d: {  	v2 =	vadd.f32 v14, v2;
	v6 =	vadd.f32 v15, v6;
	v12 =	vld [tilespmem:s20+$0x3830];
	vm0 =	vgt.f32 v17, $8.000000110e-01  }
0x14e: {  	v7 =	vadd.f32 v11, v7;
	vm1 =	vgt.f32 v19, $8.000000110e-01;
	v13 =	vld [tilespmem:s20+$0x3840];
	v14 =	vsel vm0, $0x3F800000, v0  }
0x14f: {  	v8 =	vadd.f32 v16, v8;
	v11 =	vsel vm1, $0x3F800000, v0;
	v17 =	vld [tilespmem:s20+$0x3850];
	v14 =	vsub.f32 v14, v10  }
0x150: {  	v11 =	vsub.f32 v11, v10;
	vm0 =	vgt.f32 v20, $8.000000110e-01;
	v19 =	vld [tilespmem:s20+$0x3860]  }
.Ltmp6:
0x151: {  	v15 =	vsel vm0, $0x3F800000, v0;
	vm0 =	vgt.f32 v18, $8.000000110e-01;
	v14 =	vand.u32 $0x7FFFFFFF, v14;
	(pc) =	sbr.rel @p0 .LBB2_14-.Ltmp6, $4  }
0x152: {  	v16 =	vsel vm0, $0x3F800000, v0;
	vm0 =	vgt.f32 v12, $8.000000110e-01;
	v9 =	vadd.f32 v14, v9  }
0x153: {  	v12 =	vsub.f32 v15, v10;
	v14 =	vsel vm0, $0x3F800000, v0;
	vm0 =	vgt.f32 v13, $8.000000110e-01  }
0x154: {  	v13 =	vsub.f32 v16, v10;
	v15 =	vsel vm0, $0x3F800000, v0;
	vm0 =	vgt.f32 v17, $8.000000110e-01  }
0x155: {  	s20 =	sshra.s32 s21, $0x2;
	s21 =	sadd.s32 $0x200, s21;
	v14 =	vsub.f32 v14, v10;
	v16 =	vsel vm0, $0x3F800000, v0;
	vm0 =	vgt.f32 v19, $8.000000110e-01  }
0x156: {  	v17 =	vld [tilespmem:s20+$0x3870]  }
0x157: {  	v15 =	vsub.f32 v15, v10;
	v16 =	vsub.f32 v16, v10;
	v18 =	vld [tilespmem:s20+$0x3800];
	v19 =	vsel vm0, $0x3F800000, v0  }
0x158: {  	v11 =	vand.u32 $0x7FFFFFFF, v11;
	v12 =	vand.u32 $0x7FFFFFFF, v12;
	v20 =	vld [tilespmem:s20+$0x5800];
	v13 =	vand.u32 $0x7FFFFFFF, v13  }
0x159: {  	v10 =	vsub.f32 v19, v10;
	v14 =	vand.u32 $0x7FFFFFFF, v14;
	v19 =	vld [tilespmem:s20+$0x3810];
	v3 =	vadd.f32 v11, v3  }
0x15a: {  	v12 =	vadd.f32 v12, v4;
	v13 =	vadd.f32 v13, v5;
	v11 =	vand.u32 $0x7FFFFFFF, v16;
	v16 =	vld [tilespmem:s20+$0x3820]  }
0x15b: {  	v4 =	vld [tilespmem:s20+$0x3830];
	v15 =	vand.u32 $0x7FFFFFFF, v15;
	v2 =	vadd.f32 v14, v2;
	v10 =	vand.u32 $0x7FFFFFFF, v10  }
0x15c: {  	v6 =	vadd.f32 v15, v6;
	v11 =	vadd.f32 v11, v7;
	vm0 =	vgt.f32 v17, $8.000000110e-01  }
0x15d: {  	v5 =	vld [tilespmem:s20+$0x3840];
	vm1 =	vgt.f32 v18, $8.000000110e-01;
	v17 =	vadd.f32 v10, v8;
	v14 =	vsel vm0, $0x3F800000, v0  }
0x15e: {  	v15 =	vld [tilespmem:s20+$0x3850];
	v7 =	vsel vm1, $0x3F800000, v0;
	vm0 =	vgt.f32 v19, $8.000000110e-01;
	v14 =	vsub.f32 v14, v20  }
0x15f: {  	v8 =	vld [tilespmem:s20+$0x3860];
	v7 =	vsub.f32 v7, v20;
	vm1 =	vgt.f32 v16, $8.000000110e-01;
	v10 =	vsel vm0, $0x3F800000, v0  }
0x160: {  	_ =	swait.ge [sflag:s16], $0x400;
	vm0 =	vgt.f32 v4, $8.000000110e-01;
	v16 =	vsel vm1, $0x3F800000, v0;
	v14 =	vand.u32 $0x7FFFFFFF, v14  }
0x161: {  	[sflag:s16] =	ssyncset.done $0x0;
	v4 =	vsub.f32 v10, v20;
	v7 =	vand.u32 $0x7FFFFFFF, v7;
	v14 =	vadd.f32 v14, v9  }
0x162: {  	s21 =	simm.s32 $0x0;
	[sflag:s16] =	ssyncadd.s32 $0xFFFFFC00;
	v9 =	vsel vm0, $0x3F800000, v0;
	vm0 =	vgt.f32 v5, $8.000000110e-01;
	v5 =	vsub.f32 v16, v20  }
0x163: {  	v18 =	vld [tilespmem:s21+$0x3C00];
	v19 =	vand.u32 $0x7FFFFFFF, v4;
	v10 =	vsel vm0, $0x3F800000, v0;
	vm0 =	vgt.f32 v15, $8.000000110e-01  }
0x164: {  	v16 =	vld [tilespmem:s21+$0x3C70];
	v4 =	vadd.f32 v7, v3;
	v15 =	vsel vm0, $0x3F800000, v0;
	vm0 =	vgt.f32 v8, $8.000000110e-01  }
0x165: {  	v22 =	vld [tilespmem:s21+$0x3C10];
	v9 =	vsub.f32 v9, v20;
	v8 =	vsub.f32 v10, v20;
	v10 =	vsel vm0, $0x3F800000, v0  }
0x166: {  	v15 =	vsub.f32 v15, v20;
	v20 =	vsub.f32 v10, v20;
	v10 =	vld [tilespmem:s21+$0x5C00]  }
0x167: {  	v21 =	vand.u32 $0x7FFFFFFF, v5;
	v5 =	vadd.f32 v19, v12;
	v9 =	vand.u32 $0x7FFFFFFF, v9  }
0x168: {  	v12 =	vld [tilespmem:s21+$0x3C20];
	v7 =	vadd.f32 v21, v13;
	vm1 =	vgt.f32 v18, $8.000000110e-01;
	v8 =	vand.u32 $0x7FFFFFFF, v8  }
0x169: {  	v3 =	vadd.f32 v9, v2;
	v2 =	vld [tilespmem:s21+$0x3C30];
	v15 =	vand.u32 $0x7FFFFFFF, v15;
	vm0 =	vgt.f32 v16, $8.000000110e-01  }
0x16a: {  	v13 =	vld [tilespmem:s21+$0x3C40];
	v8 =	vadd.f32 v8, v6;
	v20 =	vand.u32 $0x7FFFFFFF, v20;
	v6 =	vsel vm0, $0x3F800000, v0  }
0x16b: {  	v16 =	vld [tilespmem:s21+$0x3C50];
	v9 =	vadd.f32 v15, v11;
	vm0 =	vgt.f32 v22, $8.000000110e-01;
	v15 =	vsub.f32 v6, v10  }
0x16c: {  	v11 =	vsel vm1, $0x3F800000, v0;
	v18 =	vsel vm0, $0x3F800000, v0;
	v6 =	vadd.f32 v20, v17;
	v17 =	vld [tilespmem:s21+$0x3C60]  }
0x16d: {  	vm0 =	vgt.f32 v12, $8.000000110e-01;
	v11 =	vsub.f32 v11, v10;
	v12 =	vand.u32 $0x7FFFFFFF, v15  }
0x16e: {  	v15 =	vsel vm0, $0x3F800000, v0;
	vm0 =	vgt.f32 v2, $8.000000110e-01;
	v2 =	vadd.f32 v12, v14  }
0x16f: {  	v12 =	vsub.f32 v18, v10;
	v14 =	vsel vm0, $0x3F800000, v0;
	vm0 =	vgt.f32 v13, $8.000000110e-01  }
0x170: {  	v13 =	vsub.f32 v15, v10;
	v15 =	vsel vm0, $0x3F800000, v0;
	vm0 =	vgt.f32 v16, $8.000000110e-01  }
0x171: {  	s20 =	simm.s32 $0x80;
	s21 =	simm.s32 $0x400;
	v14 =	vsub.f32 v14, v10;
	v16 =	vsel vm0, $0x3F800000, v0;
	vm0 =	vgt.f32 v17, $8.000000110e-01  }
.LBB2_16:
0x172: {  	p0 =	sne.s32 s21, $0xE00;
	v17 =	vld [tilespmem:s20+$0x3C70];
	v15 =	vsub.f32 v15, v10;
	v16 =	vsub.f32 v16, v10;
	v18 =	vsel vm0, $0x3F800000, v0  }
0x173: {  	v11 =	vand.u32 $0x7FFFFFFF, v11;
	v12 =	vand.u32 $0x7FFFFFFF, v12;
	v19 =	vld [tilespmem:s20+$0x3C00];
	v18 =	vsub.f32 v18, v10  }
0x174: {  	v13 =	vand.u32 $0x7FFFFFFF, v13;
	v14 =	vand.u32 $0x7FFFFFFF, v14;
	v10 =	vld [tilespmem:s20+$0x5C00];
	v15 =	vand.u32 $0x7FFFFFFF, v15  }
0x175: {  	v4 =	vadd.f32 v11, v4;
	v11 =	vand.u32 $0x7FFFFFFF, v16;
	v20 =	vld [tilespmem:s20+$0x3C10];
	v16 =	vand.u32 $0x7FFFFFFF, v18  }
0x176: {  	v5 =	vadd.f32 v12, v5;
	v7 =	vadd.f32 v13, v7;
	v18 =	vld [tilespmem:s20+$0x3C20]  }
0x177: {  	v3 =	vadd.f32 v14, v3;
	v8 =	vadd.f32 v15, v8;
	v12 =	vld [tilespmem:s20+$0x3C30];
	vm0 =	vgt.f32 v17, $8.000000110e-01  }
0x178: {  	v9 =	vadd.f32 v11, v9;
	vm1 =	vgt.f32 v19, $8.000000110e-01;
	v13 =	vld [tilespmem:s20+$0x3C40];
	v14 =	vsel vm0, $0x3F800000, v0  }
0x179: {  	v6 =	vadd.f32 v16, v6;
	v11 =	vsel vm1, $0x3F800000, v0;
	v17 =	vld [tilespmem:s20+$0x3C50];
	v14 =	vsub.f32 v14, v10  }
0x17a: {  	v11 =	vsub.f32 v11, v10;
	vm0 =	vgt.f32 v20, $8.000000110e-01;
	v19 =	vld [tilespmem:s20+$0x3C60]  }
.Ltmp7:
0x17b: {  	v15 =	vsel vm0, $0x3F800000, v0;
	vm0 =	vgt.f32 v18, $8.000000110e-01;
	v14 =	vand.u32 $0x7FFFFFFF, v14;
	(pc) =	sbr.rel @p0 .LBB2_16-.Ltmp7, $4  }
0x17c: {  	v16 =	vsel vm0, $0x3F800000, v0;
	vm0 =	vgt.f32 v12, $8.000000110e-01;
	v2 =	vadd.f32 v14, v2  }
0x17d: {  	v12 =	vsub.f32 v15, v10;
	v14 =	vsel vm0, $0x3F800000, v0;
	vm0 =	vgt.f32 v13, $8.000000110e-01  }
0x17e: {  	v13 =	vsub.f32 v16, v10;
	v15 =	vsel vm0, $0x3F800000, v0;
	vm0 =	vgt.f32 v17, $8.000000110e-01  }
0x17f: {  	s20 =	sshra.s32 s21, $0x2;
	s21 =	sadd.s32 $0x200, s21;
	v14 =	vsub.f32 v14, v10;
	v16 =	vsel vm0, $0x3F800000, v0;
	vm0 =	vgt.f32 v19, $8.000000110e-01  }
0x180: {  	v17 =	vld [tilespmem:s20+$0x3C70]  }
0x181: {  	v18 =	vld [tilespmem:s20+$0x3C00]  }
0x182: {  	v36 =	vld [tilespmem:s20+$0x3C10]  }
0x183: {  	v15 =	vsub.f32 v15, v10;
	v16 =	vsub.f32 v16, v10;
	v38 =	vld [tilespmem:s20+$0x3C20]  }
0x184: {  	v19 =	vsel vm0, $0x3F800000, v0;
	v11 =	vand.u32 $0x7FFFFFFF, v11;
	v12 =	vand.u32 $0x7FFFFFFF, v12;
	v39 =	vld [tilespmem:s20+$0x3C30]  }
0x185: {  	v13 =	vand.u32 $0x7FFFFFFF, v13;
	v40 =	vld [tilespmem:s20+$0x3C40];
	v59 =	vadd.f32 $9.999999680e-21, v1;
	v35 =	vsub.f32 v19, v10  }
0x186: {  	v42 =	vld [tilespmem:s20+$0x3C50];
	v14 =	vand.u32 $0x7FFFFFFF, v14;
	v4 =	vadd.f32 v11, v4;
	v5 =	vadd.f32 v12, v5  }
0x187: {  	v45 =	vld [tilespmem:s20+$0x3C60];
	v7 =	vadd.f32 v13, v7;
	v15 =	vand.u32 $0x7FFFFFFF, v15;
	v37 =	vand.u32 $0x7FFFFFFF, v16  }
0x188: {  	v3 =	vadd.f32 v14, v3;
	v10 =	vand.u32 $0x7FFFFFFF, v35;
	v8 =	vadd.f32 v15, v8  }
0x189: {  	v20 =	vld [tilespmem:s20+$0x5C00];
	v9 =	vadd.f32 v37, v9;
	v6 =	vadd.f32 v10, v6;
	vm13 =	vgt.f32 v17, $8.000000110e-01  }
0x18a: {  	vm1 =	vgt.f32 v18, $8.000000110e-01;
	vm14 =	vgt.f32 v36, $8.000000110e-01;
	vm15 =	vgt.f32 v38, $8.000000110e-01  }
0x18b: {  	vm4 =	vgt.f32 v39, $8.000000110e-01;
	vm5 =	vgt.f32 v40, $8.000000110e-01;
	vm6 =	vgt.f32 v42, $8.000000110e-01  }
0x18c: {  	vm7 =	vgt.f32 v45, $8.000000110e-01;
	v41 =	vsel vm13, $0x3F800000, v0;
	v43 =	vsel vm1, $0x3F800000, v0  }
0x18d: {  	v46 =	vsel vm14, $0x3F800000, v0;
	v47 =	vsel vm15, $0x3F800000, v0;
	v49 =	vsel vm4, $0x3F800000, v0  }
0x18e: {  	v50 =	vsel vm5, $0x3F800000, v0;
	v14 =	vsub.f32 v41, v20;
	v44 =	vsub.f32 v43, v20  }
0x18f: {  	v52 =	vsel vm6, $0x3F800000, v0;
	v48 =	vsub.f32 v46, v20;
	v12 =	vsub.f32 v47, v20  }
0x190: {  	v54 =	vsel vm7, $0x3F800000, v0;
	v51 =	vsub.f32 v49, v20;
	v11 =	vsub.f32 v50, v20  }
0x191: {  	(erf) = vrcp.f32 v59;
	v53 =	vsub.f32 v52, v20;
	v17 =	vsub.f32 v54, v20  }
0x192: {  	v14 =	vand.u32 $0x7FFFFFFF, v14;
	v10 =	vand.u32 $0x7FFFFFFF, v44;
	v16 =	vand.u32 $0x7FFFFFFF, v48  }
0x193: {  	v12 =	vand.u32 $0x7FFFFFFF, v12;
	v13 =	vand.u32 $0x7FFFFFFF, v51;
	v4 =	vadd.f32 v10, v4  }
0x194: {  	v11 =	vand.u32 $0x7FFFFFFF, v11;
	v55 =	vand.u32 $0x7FFFFFFF, v53;
	v5 =	vadd.f32 v16, v5  }
0x195: {  	v56 =	vand.u32 $0x7FFFFFFF, v17;
	v7 =	vadd.f32 v12, v7;
	vm8 =	veq.f32 v4, $0.0e+00  }
0x196: {  	v3 =	vadd.f32 v13, v3;
	vm9 =	veq.f32 v5, $0.0e+00;
	v58 =	vsel vm8, $0x3F800000, v0  }
0x197: {  	v61 =	vld [tilespmem:$0x6080];
	v2 =	vadd.f32 v14, v2;
	vm10 =	veq.f32 v7, $0.0e+00;
	v60 =	vsel vm9, $0x3F800000, v0;
	[tilespmem:$0x8080] =	vst v58  }
0x198: {  	v8 =	vadd.f32 v11, v8;
	vm11 =	veq.f32 v3, $0.0e+00;
	v62 =	vsel vm10, $0x3F800000, v0;
	[tilespmem:$0x8090] =	vst v60  }
0x199: {  	v57 =	vadd.f32 v55, v9;
	vm15 =	veq.f32 v2, $0.0e+00;
	v3 =	vsel vm11, $0x3F800000, v0;
	[tilespmem:$0x80A0] =	vst v62  }
0x19a: {  	v6 =	vadd.f32 v56, v6;
	vm12 =	veq.f32 v8, $0.0e+00;
	v2 =	vsel vm15, $0x3F800000, v0;
	[tilespmem:$0x80B0] =	vst v3  }
0x19b: {  	vm13 =	veq.f32 v57, $0.0e+00;
	v3 =	vsel vm12, $0x3F800000, v0;
	[tilespmem:$0x80F0] =	vst v2  }
0x19c: {  	vm14 =	veq.f32 v6, $0.0e+00;
	[tilespmem:$0x80C0] =	vst v3;
	v3 =	vsel vm13, $0x3F800000, v0  }
0x19d: {  	[tilespmem:$0x80D0] =	vst v3;
	v3 =	vsel vm14, $0x3F800000, v0  }
0x19e: {  	[tilespmem:$0x80E0] =	vst v3;
	v3 =	vld [tilespmem:$0x6100]  }
0x19f: {  	v2 =	vld.idx.msk [tilespmem:v61+s17+$0x0], $0xffff;
	_ =	sdelay $0x1  }
0x1a0: {  	v63 =	vpop (erf)  }
0x1a1: {  	v1 =	vmul.f32 v63, v1;
	_ =	sdelay $0x1  }
0x1a2: {  	v2 =	vmul.f32 v2, v1;
	_ =	sdelay $0x1  }
0x1a3: {  	[tilespmem:$0x8100] =	vst v2  }
0x1a4: {  	v2 =	vld.idx.msk [tilespmem:v3+s17+$0x0], $0xffff  }
0x1a5: {  	v3 =	vld [tilespmem:$0x6180];
	_ =	sdelay $0x4  }
0x1a6: {  	v2 =	vmul.f32 v2, v1;
	_ =	sdelay $0x1  }
0x1a7: {  	[tilespmem:$0x8180] =	vst v2  }
0x1a8: {  	v2 =	vld.idx.msk [tilespmem:v3+s17+$0x0], $0xffff  }
0x1a9: {  	v3 =	vld [tilespmem:$0x6200];
	_ =	sdelay $0x4  }
0x1aa: {  	v2 =	vmul.f32 v2, v1;
	_ =	sdelay $0x1  }
0x1ab: {  	[tilespmem:$0x8200] =	vst v2  }
0x1ac: {  	v2 =	vld.idx.msk [tilespmem:v3+s17+$0x0], $0xffff  }
0x1ad: {  	v3 =	vld [tilespmem:$0x6280];
	_ =	sdelay $0x4  }
0x1ae: {  	v2 =	vmul.f32 v2, v1;
	_ =	sdelay $0x1  }
0x1af: {  	[tilespmem:$0x8280] =	vst v2  }
0x1b0: {  	v2 =	vld.idx.msk [tilespmem:v3+s17+$0x0], $0xffff  }
0x1b1: {  	v3 =	vld [tilespmem:$0x6300];
	_ =	sdelay $0x4  }
0x1b2: {  	v2 =	vmul.f32 v2, v1;
	_ =	sdelay $0x1  }
0x1b3: {  	[tilespmem:$0x8300] =	vst v2  }
0x1b4: {  	v2 =	vld.idx.msk [tilespmem:v3+s17+$0x0], $0xffff  }
0x1b5: {  	v3 =	vld [tilespmem:$0x6380];
	_ =	sdelay $0x4  }
0x1b6: {  	v2 =	vmul.f32 v2, v1;
	_ =	sdelay $0x1  }
0x1b7: {  	[tilespmem:$0x8380] =	vst v2  }
0x1b8: {  	v2 =	vld.idx.msk [tilespmem:v3+s17+$0x0], $0xffff  }
0x1b9: {  	v3 =	vld [tilespmem:$0x6400];
	_ =	sdelay $0x4  }
0x1ba: {  	v2 =	vmul.f32 v2, v1;
	_ =	sdelay $0x1  }
0x1bb: {  	[tilespmem:$0x8400] =	vst v2  }
0x1bc: {  	v2 =	vld.idx.msk [tilespmem:v3+s17+$0x0], $0xffff  }
0x1bd: {  	v3 =	vld [tilespmem:$0x6480];
	_ =	sdelay $0x4  }
0x1be: {  	v2 =	vmul.f32 v2, v1;
	_ =	sdelay $0x1  }
0x1bf: {  	[tilespmem:$0x8480] =	vst v2  }
0x1c0: {  	v2 =	vld.idx.msk [tilespmem:v3+s17+$0x0], $0xffff  }
0x1c1: {  	v3 =	vld [tilespmem:$0x6500];
	_ =	sdelay $0x4  }
0x1c2: {  	v2 =	vmul.f32 v2, v1;
	_ =	sdelay $0x1  }
0x1c3: {  	[tilespmem:$0x8500] =	vst v2  }
0x1c4: {  	v2 =	vld.idx.msk [tilespmem:v3+s17+$0x0], $0xffff  }
0x1c5: {  	v3 =	vld [tilespmem:$0x6580];
	_ =	sdelay $0x4  }
0x1c6: {  	v2 =	vmul.f32 v2, v1;
	_ =	sdelay $0x1  }
0x1c7: {  	[tilespmem:$0x8580] =	vst v2  }
0x1c8: {  	v2 =	vld.idx.msk [tilespmem:v3+s17+$0x0], $0xffff  }
0x1c9: {  	v3 =	vld [tilespmem:$0x6600];
	_ =	sdelay $0x4  }
0x1ca: {  	v2 =	vmul.f32 v2, v1;
	_ =	sdelay $0x1  }
0x1cb: {  	[tilespmem:$0x8600] =	vst v2  }
0x1cc: {  	v2 =	vld.idx.msk [tilespmem:v3+s17+$0x0], $0xffff  }
0x1cd: {  	v3 =	vld [tilespmem:$0x6680];
	_ =	sdelay $0x4  }
0x1ce: {  	v2 =	vmul.f32 v2, v1;
	_ =	sdelay $0x1  }
0x1cf: {  	[tilespmem:$0x8680] =	vst v2  }
0x1d0: {  	v2 =	vld.idx.msk [tilespmem:v3+s17+$0x0], $0xffff  }
0x1d1: {  	v3 =	vld [tilespmem:$0x6700];
	_ =	sdelay $0x4  }
0x1d2: {  	v2 =	vmul.f32 v2, v1;
	_ =	sdelay $0x1  }
0x1d3: {  	[tilespmem:$0x8700] =	vst v2  }
0x1d4: {  	v2 =	vld.idx.msk [tilespmem:v3+s17+$0x0], $0xffff  }
0x1d5: {  	v3 =	vld [tilespmem:$0x6780];
	_ =	sdelay $0x4  }
0x1d6: {  	v2 =	vmul.f32 v2, v1;
	_ =	sdelay $0x1  }
0x1d7: {  	[tilespmem:$0x8780] =	vst v2  }
0x1d8: {  	v2 =	vld.idx.msk [tilespmem:v3+s17+$0x0], $0xffff  }
0x1d9: {  	v3 =	vld [tilespmem:$0x6800];
	_ =	sdelay $0x4  }
0x1da: {  	v2 =	vmul.f32 v2, v1;
	_ =	sdelay $0x1  }
0x1db: {  	[tilespmem:$0x8800] =	vst v2  }
0x1dc: {  	v2 =	vld.idx.msk [tilespmem:v3+s17+$0x0], $0xffff  }
0x1dd: {  	v3 =	vld [tilespmem:$0x6880];
	_ =	sdelay $0x4  }
0x1de: {  	v2 =	vmul.f32 v2, v1;
	_ =	sdelay $0x1  }
0x1df: {  	[tilespmem:$0x8880] =	vst v2  }
0x1e0: {  	v2 =	vld.idx.msk [tilespmem:v3+s17+$0x0], $0xffff  }
0x1e1: {  	v3 =	vld [tilespmem:$0x6900];
	_ =	sdelay $0x4  }
0x1e2: {  	v2 =	vmul.f32 v2, v1;
	_ =	sdelay $0x1  }
0x1e3: {  	[tilespmem:$0x8900] =	vst v2  }
0x1e4: {  	v2 =	vld.idx.msk [tilespmem:v3+s17+$0x0], $0xffff  }
0x1e5: {  	v3 =	vld [tilespmem:$0x6980];
	_ =	sdelay $0x4  }
0x1e6: {  	v2 =	vmul.f32 v2, v1;
	_ =	sdelay $0x1  }
0x1e7: {  	[tilespmem:$0x8980] =	vst v2  }
0x1e8: {  	v2 =	vld.idx.msk [tilespmem:v3+s17+$0x0], $0xffff  }
0x1e9: {  	v3 =	vld [tilespmem:$0x6A00];
	_ =	sdelay $0x4  }
0x1ea: {  	v2 =	vmul.f32 v2, v1;
	_ =	sdelay $0x1  }
0x1eb: {  	[tilespmem:$0x8A00] =	vst v2  }
0x1ec: {  	v2 =	vld.idx.msk [tilespmem:v3+s17+$0x0], $0xffff  }
0x1ed: {  	v3 =	vld [tilespmem:$0x6A80];
	_ =	sdelay $0x4  }
0x1ee: {  	v2 =	vmul.f32 v2, v1;
	_ =	sdelay $0x1  }
0x1ef: {  	[tilespmem:$0x8A80] =	vst v2  }
0x1f0: {  	v2 =	vld.idx.msk [tilespmem:v3+s17+$0x0], $0xffff  }
0x1f1: {  	v3 =	vld [tilespmem:$0x6B00];
	_ =	sdelay $0x4  }
0x1f2: {  	v2 =	vmul.f32 v2, v1;
	_ =	sdelay $0x1  }
0x1f3: {  	[tilespmem:$0x8B00] =	vst v2  }
0x1f4: {  	v2 =	vld.idx.msk [tilespmem:v3+s17+$0x0], $0xffff  }
0x1f5: {  	v3 =	vld [tilespmem:$0x6B80];
	_ =	sdelay $0x4  }
0x1f6: {  	v2 =	vmul.f32 v2, v1;
	_ =	sdelay $0x1  }
0x1f7: {  	[tilespmem:$0x8B80] =	vst v2  }
0x1f8: {  	v2 =	vld.idx.msk [tilespmem:v3+s17+$0x0], $0xffff  }
0x1f9: {  	v3 =	vld [tilespmem:$0x6C00];
	_ =	sdelay $0x4  }
0x1fa: {  	v2 =	vmul.f32 v2, v1;
	_ =	sdelay $0x1  }
0x1fb: {  	[tilespmem:$0x8C00] =	vst v2  }
0x1fc: {  	v2 =	vld.idx.msk [tilespmem:v3+s17+$0x0], $0xffff  }
0x1fd: {  	v3 =	vld [tilespmem:$0x6C80];
	_ =	sdelay $0x4  }
0x1fe: {  	v2 =	vmul.f32 v2, v1;
	_ =	sdelay $0x1  }
0x1ff: {  	[tilespmem:$0x8C80] =	vst v2  }
0x200: {  	v2 =	vld.idx.msk [tilespmem:v3+s17+$0x0], $0xffff  }
0x201: {  	v3 =	vld [tilespmem:$0x6D00];
	_ =	sdelay $0x4  }
0x202: {  	v2 =	vmul.f32 v2, v1;
	_ =	sdelay $0x1  }
0x203: {  	[tilespmem:$0x8D00] =	vst v2  }
0x204: {  	v2 =	vld.idx.msk [tilespmem:v3+s17+$0x0], $0xffff  }
0x205: {  	v3 =	vld [tilespmem:$0x6D80];
	_ =	sdelay $0x4  }
0x206: {  	v2 =	vmul.f32 v2, v1;
	_ =	sdelay $0x1  }
0x207: {  	[tilespmem:$0x8D80] =	vst v2  }
0x208: {  	v2 =	vld.idx.msk [tilespmem:v3+s17+$0x0], $0xffff  }
0x209: {  	v3 =	vld [tilespmem:$0x6E00];
	_ =	sdelay $0x4  }
0x20a: {  	v2 =	vmul.f32 v2, v1;
	_ =	sdelay $0x1  }
0x20b: {  	[tilespmem:$0x8E00] =	vst v2  }
0x20c: {  	v2 =	vld.idx.msk [tilespmem:v3+s17+$0x0], $0xffff  }
0x20d: {  	v3 =	vld [tilespmem:$0x6E80];
	_ =	sdelay $0x4  }
0x20e: {  	v2 =	vmul.f32 v2, v1;
	_ =	sdelay $0x1  }
0x20f: {  	[tilespmem:$0x8E80] =	vst v2  }
0x210: {  	v2 =	vld.idx.msk [tilespmem:v3+s17+$0x0], $0xffff  }
0x211: {  	v3 =	vld [tilespmem:$0x6F00];
	_ =	sdelay $0x4  }
0x212: {  	v2 =	vmul.f32 v2, v1;
	_ =	sdelay $0x1  }
0x213: {  	[tilespmem:$0x8F00] =	vst v2  }
0x214: {  	v2 =	vld.idx.msk [tilespmem:v3+s17+$0x0], $0xffff  }
0x215: {  	v3 =	vld [tilespmem:$0x6F80];
	_ =	sdelay $0x4  }
0x216: {  	v2 =	vmul.f32 v2, v1;
	_ =	sdelay $0x1  }
0x217: {  	[tilespmem:$0x8F80] =	vst v2  }
0x218: {  	v2 =	vld.idx.msk [tilespmem:v3+s17+$0x0], $0xffff  }
0x219: {  	v3 =	vld [tilespmem:$0x7000];
	_ =	sdelay $0x4  }
0x21a: {  	v2 =	vmul.f32 v2, v1;
	_ =	sdelay $0x1  }
0x21b: {  	[tilespmem:$0x9000] =	vst v2  }
0x21c: {  	v2 =	vld.idx.msk [tilespmem:v3+s17+$0x0], $0xffff  }
0x21d: {  	v3 =	vld [tilespmem:$0x7080];
	_ =	sdelay $0x4  }
0x21e: {  	v2 =	vmul.f32 v2, v1;
	_ =	sdelay $0x1  }
0x21f: {  	[tilespmem:$0x9080] =	vst v2  }
0x220: {  	v2 =	vld.idx.msk [tilespmem:v3+s17+$0x0], $0xffff  }
0x221: {  	v3 =	vld [tilespmem:$0x7100];
	_ =	sdelay $0x4  }
0x222: {  	v2 =	vmul.f32 v2, v1;
	_ =	sdelay $0x1  }
0x223: {  	[tilespmem:$0x9100] =	vst v2  }
0x224: {  	v2 =	vld.idx.msk [tilespmem:v3+s17+$0x0], $0xffff  }
0x225: {  	v3 =	vld [tilespmem:$0x7180];
	_ =	sdelay $0x4  }
0x226: {  	v2 =	vmul.f32 v2, v1;
	_ =	sdelay $0x1  }
0x227: {  	[tilespmem:$0x9180] =	vst v2  }
0x228: {  	v2 =	vld.idx.msk [tilespmem:v3+s17+$0x0], $0xffff  }
0x229: {  	v3 =	vld [tilespmem:$0x7200];
	_ =	sdelay $0x4  }
0x22a: {  	v2 =	vmul.f32 v2, v1;
	_ =	sdelay $0x1  }
0x22b: {  	[tilespmem:$0x9200] =	vst v2  }
0x22c: {  	v2 =	vld.idx.msk [tilespmem:v3+s17+$0x0], $0xffff  }
0x22d: {  	v3 =	vld [tilespmem:$0x7280];
	_ =	sdelay $0x4  }
0x22e: {  	v2 =	vmul.f32 v2, v1;
	_ =	sdelay $0x1  }
0x22f: {  	[tilespmem:$0x9280] =	vst v2  }
0x230: {  	v2 =	vld.idx.msk [tilespmem:v3+s17+$0x0], $0xffff  }
0x231: {  	v3 =	vld [tilespmem:$0x7300];
	_ =	sdelay $0x4  }
0x232: {  	v2 =	vmul.f32 v2, v1;
	_ =	sdelay $0x1  }
0x233: {  	[tilespmem:$0x9300] =	vst v2  }
0x234: {  	v2 =	vld.idx.msk [tilespmem:v3+s17+$0x0], $0xffff  }
0x235: {  	v3 =	vld [tilespmem:$0x7380];
	_ =	sdelay $0x4  }
0x236: {  	v2 =	vmul.f32 v2, v1;
	_ =	sdelay $0x1  }
0x237: {  	[tilespmem:$0x9380] =	vst v2  }
0x238: {  	v2 =	vld.idx.msk [tilespmem:v3+s17+$0x0], $0xffff  }
0x239: {  	v3 =	vld [tilespmem:$0x7400];
	_ =	sdelay $0x4  }
0x23a: {  	v2 =	vmul.f32 v2, v1;
	_ =	sdelay $0x1  }
0x23b: {  	[tilespmem:$0x9400] =	vst v2  }
0x23c: {  	v2 =	vld.idx.msk [tilespmem:v3+s17+$0x0], $0xffff  }
0x23d: {  	v3 =	vld [tilespmem:$0x7480];
	_ =	sdelay $0x4  }
0x23e: {  	v2 =	vmul.f32 v2, v1;
	_ =	sdelay $0x1  }
0x23f: {  	[tilespmem:$0x9480] =	vst v2  }
0x240: {  	v2 =	vld.idx.msk [tilespmem:v3+s17+$0x0], $0xffff  }
0x241: {  	v3 =	vld [tilespmem:$0x7500];
	_ =	sdelay $0x4  }
0x242: {  	v2 =	vmul.f32 v2, v1;
	_ =	sdelay $0x1  }
0x243: {  	[tilespmem:$0x9500] =	vst v2  }
0x244: {  	v2 =	vld.idx.msk [tilespmem:v3+s17+$0x0], $0xffff  }
0x245: {  	v3 =	vld [tilespmem:$0x7580];
	_ =	sdelay $0x4  }
0x246: {  	v2 =	vmul.f32 v2, v1;
	_ =	sdelay $0x1  }
0x247: {  	[tilespmem:$0x9580] =	vst v2  }
0x248: {  	v2 =	vld.idx.msk [tilespmem:v3+s17+$0x0], $0xffff  }
0x249: {  	v3 =	vld [tilespmem:$0x7600];
	_ =	sdelay $0x4  }
0x24a: {  	v2 =	vmul.f32 v2, v1;
	_ =	sdelay $0x1  }
0x24b: {  	[tilespmem:$0x9600] =	vst v2  }
0x24c: {  	v2 =	vld.idx.msk [tilespmem:v3+s17+$0x0], $0xffff  }
0x24d: {  	v3 =	vld [tilespmem:$0x7680];
	_ =	sdelay $0x4  }
0x24e: {  	v2 =	vmul.f32 v2, v1;
	_ =	sdelay $0x1  }
0x24f: {  	[tilespmem:$0x9680] =	vst v2  }
0x250: {  	v2 =	vld.idx.msk [tilespmem:v3+s17+$0x0], $0xffff  }
0x251: {  	v3 =	vld [tilespmem:$0x7700];
	_ =	sdelay $0x4  }
0x252: {  	v2 =	vmul.f32 v2, v1;
	_ =	sdelay $0x1  }
0x253: {  	[tilespmem:$0x9700] =	vst v2  }
0x254: {  	v2 =	vld.idx.msk [tilespmem:v3+s17+$0x0], $0xffff  }
0x255: {  	v3 =	vld [tilespmem:$0x7780];
	_ =	sdelay $0x4  }
0x256: {  	v2 =	vmul.f32 v2, v1;
	_ =	sdelay $0x1  }
0x257: {  	[tilespmem:$0x9780] =	vst v2  }
0x258: {  	v2 =	vld.idx.msk [tilespmem:v3+s17+$0x0], $0xffff  }
0x259: {  	v3 =	vld [tilespmem:$0x7800];
	_ =	sdelay $0x4  }
0x25a: {  	v2 =	vmul.f32 v2, v1;
	_ =	sdelay $0x1  }
0x25b: {  	[tilespmem:$0x9800] =	vst v2  }
0x25c: {  	v2 =	vld.idx.msk [tilespmem:v3+s17+$0x0], $0xffff  }
0x25d: {  	v3 =	vld [tilespmem:$0x7880];
	_ =	sdelay $0x4  }
0x25e: {  	v2 =	vmul.f32 v2, v1;
	_ =	sdelay $0x1  }
0x25f: {  	[tilespmem:$0x9880] =	vst v2  }
0x260: {  	v2 =	vld.idx.msk [tilespmem:v3+s17+$0x0], $0xffff  }
0x261: {  	v3 =	vld [tilespmem:$0x7900];
	_ =	sdelay $0x4  }
0x262: {  	v2 =	vmul.f32 v2, v1;
	_ =	sdelay $0x1  }
0x263: {  	[tilespmem:$0x9900] =	vst v2  }
0x264: {  	v2 =	vld.idx.msk [tilespmem:v3+s17+$0x0], $0xffff  }
0x265: {  	v3 =	vld [tilespmem:$0x7980];
	_ =	sdelay $0x4  }
0x266: {  	v2 =	vmul.f32 v2, v1;
	_ =	sdelay $0x1  }
0x267: {  	[tilespmem:$0x9980] =	vst v2  }
0x268: {  	v2 =	vld.idx.msk [tilespmem:v3+s17+$0x0], $0xffff  }
0x269: {  	v3 =	vld [tilespmem:$0x7A00];
	_ =	sdelay $0x4  }
0x26a: {  	v2 =	vmul.f32 v2, v1;
	_ =	sdelay $0x1  }
0x26b: {  	[tilespmem:$0x9A00] =	vst v2  }
0x26c: {  	v2 =	vld.idx.msk [tilespmem:v3+s17+$0x0], $0xffff  }
0x26d: {  	v3 =	vld [tilespmem:$0x7A80];
	_ =	sdelay $0x4  }
0x26e: {  	v2 =	vmul.f32 v2, v1;
	_ =	sdelay $0x1  }
0x26f: {  	[tilespmem:$0x9A80] =	vst v2  }
0x270: {  	v2 =	vld.idx.msk [tilespmem:v3+s17+$0x0], $0xffff  }
0x271: {  	v3 =	vld [tilespmem:$0x7B00];
	_ =	sdelay $0x4  }
0x272: {  	v2 =	vmul.f32 v2, v1;
	_ =	sdelay $0x1  }
0x273: {  	[tilespmem:$0x9B00] =	vst v2  }
0x274: {  	v2 =	vld.idx.msk [tilespmem:v3+s17+$0x0], $0xffff  }
0x275: {  	v3 =	vld [tilespmem:$0x7B80];
	_ =	sdelay $0x4  }
0x276: {  	v2 =	vmul.f32 v2, v1;
	_ =	sdelay $0x1  }
0x277: {  	[tilespmem:$0x9B80] =	vst v2  }
0x278: {  	v2 =	vld.idx.msk [tilespmem:v3+s17+$0x0], $0xffff  }
0x279: {  	v3 =	vld [tilespmem:$0x7C00];
	_ =	sdelay $0x4  }
0x27a: {  	v2 =	vmul.f32 v2, v1;
	_ =	sdelay $0x1  }
0x27b: {  	[tilespmem:$0x9C00] =	vst v2  }
0x27c: {  	v2 =	vld.idx.msk [tilespmem:v3+s17+$0x0], $0xffff  }
0x27d: {  	v3 =	vld [tilespmem:$0x7C80];
	_ =	sdelay $0x4  }
0x27e: {  	v2 =	vmul.f32 v2, v1;
	_ =	sdelay $0x1  }
0x27f: {  	[tilespmem:$0x9C80] =	vst v2  }
0x280: {  	v2 =	vld.idx.msk [tilespmem:v3+s17+$0x0], $0xffff  }
0x281: {  	v3 =	vld [tilespmem:$0x7D00];
	_ =	sdelay $0x4  }
0x282: {  	v2 =	vmul.f32 v2, v1;
	_ =	sdelay $0x1  }
0x283: {  	[tilespmem:$0x9D00] =	vst v2  }
0x284: {  	v2 =	vld.idx.msk [tilespmem:v3+s17+$0x0], $0xffff  }
0x285: {  	v3 =	vld [tilespmem:$0x7D80];
	_ =	sdelay $0x4  }
0x286: {  	v2 =	vmul.f32 v2, v1;
	_ =	sdelay $0x1  }
0x287: {  	[tilespmem:$0x9D80] =	vst v2  }
0x288: {  	v2 =	vld.idx.msk [tilespmem:v3+s17+$0x0], $0xffff  }
0x289: {  	v3 =	vld [tilespmem:$0x7E00];
	_ =	sdelay $0x4  }
0x28a: {  	v2 =	vmul.f32 v2, v1;
	_ =	sdelay $0x1  }
0x28b: {  	[tilespmem:$0x9E00] =	vst v2  }
0x28c: {  	v2 =	vld.idx.msk [tilespmem:v3+s17+$0x0], $0xffff  }
0x28d: {  	v3 =	vld [tilespmem:$0x7E80];
	_ =	sdelay $0x4  }
0x28e: {  	v2 =	vmul.f32 v2, v1;
	_ =	sdelay $0x1  }
0x28f: {  	[tilespmem:$0x9E80] =	vst v2  }
0x290: {  	v2 =	vld.idx.msk [tilespmem:v3+s17+$0x0], $0xffff  }
0x291: {  	v3 =	vld [tilespmem:$0x7F00];
	_ =	sdelay $0x4  }
0x292: {  	v2 =	vmul.f32 v2, v1;
	_ =	sdelay $0x1  }
0x293: {  	[tilespmem:$0x9F00] =	vst v2  }
0x294: {  	v2 =	vld.idx.msk [tilespmem:v3+s17+$0x0], $0xffff  }
0x295: {  	v3 =	vld [tilespmem:$0x7F80];
	_ =	sdelay $0x4  }
0x296: {  	v2 =	vmul.f32 v2, v1;
	_ =	sdelay $0x1  }
0x297: {  	[tilespmem:$0x9F80] =	vst v2  }
0x298: {  	v2 =	vld.idx.msk [tilespmem:v3+s17+$0x0], $0xffff  }
0x299: {  	v3 =	vld [tilespmem:$0x8000];
	_ =	sdelay $0x4  }
0x29a: {  	v2 =	vmul.f32 v2, v1;
	_ =	sdelay $0x1  }
0x29b: {  	[tilespmem:$0xA000] =	vst v2  }
0x29c: {  	v2 =	vld.idx.msk [tilespmem:v3+s17+$0x0], $0xffff;
	_ =	sdelay $0x4  }
0x29d: {  	v1 =	vmul.f32 v2, v1;
	_ =	sdelay $0x1  }
0x29e: {  	[tilespmem:$0xA080] =	vst v1  }
0x29f: {  	[hbm4b:s8+s4] =	stream.linear.scatter [tilespmem:s18], [sflag:$0x9], $0x2000, $0x38;
	[tilespmem:$0xA100] =	vst v63  }
0x2a0: {  	_ =	swait.ge [sflag:s13], $0x2000  }
0x2a1: {  	[sflag:s13] =	ssyncset.done $0x0  }
0x2a2: {  	[sflag:s13] =	ssyncadd.s32 $0xFFFFE000  }
0x2a3: {  	[tilespmem:$0x8100] =	vst v0  }
0x2a4: {  	[tilespmem:$0x8180] =	vst v0  }
0x2a5: {  	[tilespmem:$0x8200] =	vst v0  }
0x2a6: {  	[tilespmem:$0x8280] =	vst v0  }
0x2a7: {  	[tilespmem:$0x8300] =	vst v0  }
0x2a8: {  	s19 =	sadd.s32 $0x1, s19;
	[tilespmem:$0x8380] =	vst v0  }
0x2a9: {  	p0 =	sne.s32 s19, s10;
	[tilespmem:$0x8400] =	vst v0  }
.Ltmp8:
0x2aa: {  	[tilespmem:$0x8480] =	vst v0;
	(pc) =	sbr.rel @p0 .LBB2_1-.Ltmp8, $4  }
0x2ab: {  	[hbm4b:s9+s4] =	stream.linear.scatter [tilespmem:s18], [sflag:$0x9], $0x400, $0x38;
	[tilespmem:$0xA100] =	vst v63  }
0x2ac: {  	_ =	swait.ge [sflag:s13], $0x400  }
0x2ad: {  	[sflag:s13] =	ssyncset.done $0x0  }
0x2ae: {  	[sflag:s13] =	ssyncadd.s32 $0xFFFFFC00  }
0x2af: {  	_ =	sfence.sel $0x180000  }
0x2b0: {  	[bflag:$0x0] =	sbarrier.arrive $0xFFFF  }
0x2b1: {  	_ =	strace $0x90000047  }
0x2b2: {  	s0 =	stileid.u32;
	[bflag:$0x2] =	sbarrier.arrive $0xFFFF  }
0x2b3: {  	p0 =	sne.s32 s0, $0x0;
	s0 =	rddreg [dreg:$0x3]  }
0x2b4: {  	s0 =	sadd.s32 @!p0 $0x100000, s0  }
0x2b5: {  	[sflag:s0] =	ssyncadd.tile.s32 @!p0 $0x1;
	_ =	shalt  }
.Lfunc_end2:
_tile_overlayer_lowered:
.L_overlay_start_2:
0x2b6: {  	(tag) =	ssettag $0x2  }
0x2b7: {  	s0 =	rddreg [dreg:$0x0];
	s2 =	stileid.u32  }
0x2b8: {  	s1 =	rddreg [dreg:$0x1];
	p0 =	sne.s32 s2, $0x0  }
0x2b9: {  	s3 =	rddreg [dreg:$0x2];
	[bflag:$0x3] =	sbarrier.arrive $0xFFFF;
	s2 =	simm.s32 @!p0 $0x1C09  }
0x2ba: {  	[timem:s3], [sflag:s2] =	dma.local @!p0 [hbm:s0], s1  }
0x2bb: {  	s0 =	simm.s32 @!p0 $0x9  }
0x2bc: {  	_ =	swait.ge @!p0 [sflag:s0], s1  }
0x2bd: {  	s1 =	ssub.s32 @!p0 $0x0, s1;
	[sflag:s0] =	ssyncset.done @!p0 $0x0  }
0x2be: {  	[sflag:s0] =	ssyncadd.s32 @!p0 s1  }
0x2bf: {  	[bflag:$0x3] =	sbarrier.arrive $0xFFFF  }
0x2c0: {  	_ =	shalt  }

</sc_bundles>
